<compile_context>
chip_gen: v7x
topology: tpu7x:2x2x1
jax: 0.10.2.dev20260603
libtpu: 0.0.44.dev20260713+nightly
codegen_flags: <defaults>
</compile_context>

<pallas_src>
import functools

import jax
import jax.numpy as jnp
from jax import lax
from jax.experimental import pallas as pl
from jax.experimental.pallas import tpu as pltpu
from jax.experimental.pallas import tpu_sc as plsc

B = 16384
D = 64
CH = 256
CB = 16384
SPLIT_U = 524288
SPLIT_I = 65536


def _pack_body(top_ref, bot_ref, elo_ref, ehi_ref, out_ref):
    cn = (((0,), (0,)), ((), ()))
    f32 = jnp.float32
    t = (lax.dot_general(top_ref[...].astype(jnp.bfloat16), elo_ref[...],
                         cn, preferred_element_type=f32) +
         lax.dot_general(bot_ref[...].astype(jnp.bfloat16), ehi_ref[...],
                         cn, preferred_element_type=f32))
    bits = lax.bitcast_convert_type(t, jnp.int32)
    out_ref[...] = bits[CB // 2:] | lax.shift_right_logical(
        bits[:CB // 2], 16)


def _pack(tT, split, elo, ehi):
    grid = split // CB
    nblk = -(-tT.shape[1] // CB) - 1
    return pl.pallas_call(
        _pack_body,
        grid=(grid,),
        compiler_params=pltpu.CompilerParams(
            fuse_transposed_lhs_in_matmul=True),
        in_specs=[
            pl.BlockSpec((D, CB), lambda j: (0, j)),
            pl.BlockSpec((D, CB), lambda j, g=grid, n=nblk: (0, jnp.minimum(j + g, n))),
            pl.BlockSpec((D, 2 * D), lambda j: (0, 0)),
            pl.BlockSpec((D, 2 * D), lambda j: (0, 0)),
        ],
        out_specs=pl.BlockSpec((CB // 2, 2 * D), lambda j: (j, 0)),
        out_shape=jax.ShapeDtypeStruct((split // 2, 2 * D), jnp.int32),
    )(tT, tT, elo, ehi)


def _sc_gather_body(ids_hbm, tP_hbm, out_hbm, idx, pidx, r128a, r128b, r64,
                    sem_a, sem_b, nc, bpw, split):
    r128s = (r128a, r128b)
    sems = (sem_a, sem_b)
    wid = lax.axis_index("s") * nc + lax.axis_index("c")
    base = wid * bpw
    pltpu.sync_copy(ids_hbm.at[pl.ds(base, bpw)], idx)

    def prep(g, _):
        gb = g * 16
        v = idx[pl.ds(gb, 16)]
        r = v - jnp.where(v >= split, split, 0)
        pidx[pl.ds(gb, 16)] = (
            lax.shift_left(lax.shift_right_logical(r, 14), 13) | (r & 8191))
        return 0

    lax.fori_loop(0, bpw // 16, prep, 0)

    copies = [
        pltpu.async_copy(
            tP_hbm.at[pidx.at[pl.ds(c * CH, CH)]], r128s[c], sems[c])
        for c in range(bpw // CH)
    ]
    for c in range(bpw // CH):
        cb = c * CH
        copies[c].wait()
        r128 = r128s[c]

        def sel(g, _, cb=cb, r128=r128):
            gb = g * 16
            v = idx[pl.ds(cb + gb, 16)]
            for jj in range(16):
                row = gb + jj
                h = jnp.where(v[jj] >= split, D, 0)
                for q in range(4):
                    r64[pl.ds(row * 64 + q * 16, 16)] = (
                        r128[row, pl.ds(h + q * 16, 16)])
            return 0

        lax.fori_loop(0, CH // 16, sel, 0)
        pltpu.sync_copy(r64, out_hbm.at[pl.ds((base + cb) * 64, CH * 64)])


@jax.jit
def _sc_gather(ids, tP, split):
    info = plsc.get_sparse_core_info()
    nc, ns = info.num_cores, info.num_subcores
    nw = nc * ns
    bpw = B // nw
    mesh = plsc.VectorSubcoreMesh(core_axis_name="c", subcore_axis_name="s")
    body = functools.partial(_sc_gather_body, nc=nc, bpw=bpw, split=split)
    k = pl.kernel(
        body,
        out_type=jax.ShapeDtypeStruct((B * D,), jnp.int32),
        mesh=mesh,
        compiler_params=pltpu.CompilerParams(use_tc_tiling_on_sc=True),
        scratch_types=[
            pltpu.VMEM((bpw,), jnp.int32),
            pltpu.VMEM((bpw,), jnp.int32),
            pltpu.VMEM((CH, 128), jnp.int32),
            pltpu.VMEM((CH, 128), jnp.int32),
            pltpu.VMEM((CH * 64,), jnp.int32),
            pltpu.SemaphoreType.DMA,
            pltpu.SemaphoreType.DMA,
        ],
    )
    return k(ids, tP)


def _dotb(x, w):
    return lax.dot_general(x.astype(jnp.bfloat16), w,
                           (((1,), (0,)), ((), ())),
                           preferred_element_type=jnp.float32)


def _unpk(v, par):
    lo = lax.bitcast_convert_type(v << 16, jnp.float32)
    hi = lax.bitcast_convert_type(v & jnp.int32(-65536), jnp.float32)
    return lo + (hi - lo) * par


def _mlp_body(u_ref, i_ref, pu_ref, pi_ref, w1a_ref, w1b_ref, b1_ref,
              w2_ref, b2_ref, w3_ref, b3_ref, out_ref):
    u = _unpk(u_ref[...], pu_ref[...])
    i = _unpk(i_ref[...], pi_ref[...])
    h = _dotb(u, w1a_ref[...]) + _dotb(i, w1b_ref[...]) + b1_ref[...]
    h = jnp.maximum(h, 0.0)
    h = jnp.maximum(_dotb(h, w2_ref[...]) + b2_ref[...], 0.0)
    out_ref[...] = _dotb(h, w3_ref[...]) + b3_ref[...]


@jax.jit
def _mlp(u, i, pu, pi, W1, b1, W2, b2, W3, b3):
    blk = 4096
    grid = B // blk
    w1a = W1[:D].astype(jnp.bfloat16)
    w1b = W1[D:].astype(jnp.bfloat16)
    W2 = W2.astype(jnp.bfloat16)
    W3 = W3.astype(jnp.bfloat16)
    full = lambda s: pl.BlockSpec(s, lambda j: (0, 0))
    out = pl.pallas_call(
        _mlp_body,
        grid=(grid,),
        in_specs=[
            pl.BlockSpec((blk, D), lambda j: (j, 0)),
            pl.BlockSpec((blk, D), lambda j: (j, 0)),
            pl.BlockSpec((blk, 1), lambda j: (j, 0)),
            pl.BlockSpec((blk, 1), lambda j: (j, 0)),
            full((D, 64)),
            full((D, 64)),
            full((1, 64)),
            full((64, 32)),
            full((1, 32)),
            full((32, 1)),
            full((1, 1)),
        ],
        out_specs=pl.BlockSpec((blk, 1), lambda j: (j, 0)),
        out_shape=jax.ShapeDtypeStruct((B, 1), jnp.float32),
    )(u, i, pu, pi, w1a, w1b, b1.reshape(1, 64), W2, b2.reshape(1, 32), W3,
      b3.reshape(1, 1))
    return out


def kernel(user, item, user_table, item_table, W1, b1, W2, b2, W3, b3):
    user = user.astype(jnp.int32)
    item = item.astype(jnp.int32)
    elo = jnp.eye(D, 2 * D, dtype=jnp.bfloat16)
    ehi = jnp.eye(D, 2 * D, k=D, dtype=jnp.bfloat16)
    utP = _pack(user_table.T, SPLIT_U, elo, ehi)
    itP = _pack(item_table.T, SPLIT_I, elo, ehi)
    uo = _sc_gather(user, utP, SPLIT_U)
    io = _sc_gather(item, itP, SPLIT_I)
    ru = user - jnp.where(user >= SPLIT_U, SPLIT_U, 0)
    ri = item - jnp.where(item >= SPLIT_I, SPLIT_I, 0)
    pu = ((ru >> 13) & 1).astype(jnp.float32).reshape(B, 1)
    pi = ((ri >> 13) & 1).astype(jnp.float32).reshape(B, 1)
    out = _mlp(uo.reshape(B, D), io.reshape(B, D), pu, pi, W1, b1, W2, b2,
               W3, b3)
    return jnp.squeeze(out, axis=-1)

# --- scband reference (transcript-rebuilt; emitter-appended) ---
"""Pipeline reference for scband-neural-cf-88630945120539 (READ-ONLY COPY).

The authoritative reference and input builder live on the scoring server;
editing this copy changes nothing except your own understanding.
"""

import jax, jax.numpy as jnp
import numpy as np

NUM_USERS = 1000000
NUM_ITEMS = 100000
EMBED_DIM = 64
BATCH = 16384

def setup_inputs(seed: int = 0) -> dict:
    key = jax.random.key(seed)
    ks = jax.random.split(key, 10)
    user = jax.random.randint(ks[0], (BATCH,), 0, NUM_USERS)
    item = jax.random.randint(ks[1], (BATCH,), 0, NUM_ITEMS)
    user_table = jax.random.normal(ks[2], (NUM_USERS + 1, EMBED_DIM), dtype=jnp.float32) * 0.02
    item_table = jax.random.normal(ks[3], (NUM_ITEMS + 1, EMBED_DIM), dtype=jnp.float32) * 0.02
    W1 = jax.random.normal(ks[4], (EMBED_DIM * 2, 64), dtype=jnp.float32) * (1.0 / np.sqrt(EMBED_DIM * 2))
    b1 = jnp.zeros((64,), dtype=jnp.float32)
    W2 = jax.random.normal(ks[5], (64, 32), dtype=jnp.float32) * (1.0 / np.sqrt(64))
    b2 = jnp.zeros((32,), dtype=jnp.float32)
    W3 = jax.random.normal(ks[6], (32, 1), dtype=jnp.float32) * (1.0 / np.sqrt(32))
    b3 = jnp.zeros((1,), dtype=jnp.float32)
    return {"user": user, "item": item, "user_table": user_table, "item_table": item_table,
            "W1": W1, "b1": b1, "W2": W2, "b2": b2, "W3": W3, "b3": b3}

def reference(user, item, user_table, item_table, W1, b1, W2, b2, W3, b3):
    user_vec = jnp.take(user_table, user, axis=0)
    item_vec = jnp.take(item_table, item, axis=0)
    x = jnp.concatenate([user_vec, item_vec], axis=-1)
    h = jax.nn.relu(x @ W1 + b1)
    h = jax.nn.relu(h @ W2 + b2)
    out = h @ W3 + b3
    return jnp.squeeze(out, axis=-1)

if __name__ == "__main__":
    import jax
    _d = setup_inputs()
    print(jax.jit(kernel)(*tuple(_d.values())))

</pallas_src>

<mosaic_0001>
#map = affine_map<(d0, d1) -> (0)>
#map1 = affine_map<(d0, d1) -> (0, 0)>
module attributes {stable_mosaic.version = 14 : i64} {
  func.func @_rewritten_body(%arg0: i32, %arg1: i32, %arg2: memref<16384xi32, #tpu.memory_space<hbm>>, %arg3: memref<262144x128xi32, #tpu.memory_space<hbm>>, %arg4: memref<1xi32, #tpu.memory_space<hbm>>, %arg5: memref<1048576xi32, #tpu.memory_space<hbm>>, %arg6: memref<512xi32, #tpu.memory_space<vmem>>, %arg7: memref<512xi32, #tpu.memory_space<vmem>>, %arg8: memref<256x128xi32, #tpu.memory_space<vmem>>, %arg9: memref<256x128xi32, #tpu.memory_space<vmem>>, %arg10: memref<16384xi32, #tpu.memory_space<vmem>>, %arg11: memref<!tpu.dma_semaphore, #tpu.memory_space<semaphore_mem>>, %arg12: memref<!tpu.dma_semaphore, #tpu.memory_space<semaphore_mem>>) attributes {dimension_semantics = [#tpu.dimension_semantics<core_parallel>, #tpu.dimension_semantics<subcore_parallel>], iteration_bounds = array<i64: 2, 16>, scalar_prefetch = 0 : i64, scratch_operands = 7 : i64, tpu.core_type = #tpu.core_type<sc_vector_subcore>, window_params = [{transform_indices = #map}, {transform_indices = #map1}, {transform_indices = #map}, {transform_indices = #map}]} {
    %empty_ref3A = memref.alloca() : memref<16xi32, #tpu.memory_space<vmem>>
    "tpu.region"() ({
      %run_scoped3A = tpu.sem_alloc : memref<!tpu.dma_semaphore, #tpu.memory_space<semaphore_mem>>
      %dma_start3A_51 = arith.constant 0 : i32
      %dma_start3A_52 = tpu.memref_slice %empty_ref3A[%dma_start3A_51] : memref<16xi32, #tpu.memory_space<vmem>> -> memref<1xi32, #tpu.memory_space<vmem>>
      %dma_start3A_53 = arith.constant 0 : i32
      %dma_start3A_54 = tpu.memref_slice %empty_ref3A[%dma_start3A_53] : memref<16xi32, #tpu.memory_space<vmem>> -> memref<1xi32, #tpu.memory_space<vmem>>
      tpu.enqueue_dma source(%arg4 : memref<1xi32, #tpu.memory_space<hbm>>) target(%dma_start3A_54 : memref<1xi32, #tpu.memory_space<vmem>>) target_semaphore(%run_scoped3A : memref<!tpu.dma_semaphore, #tpu.memory_space<semaphore_mem>>)
      %dma_wait3A_55 = arith.constant 0 : i32
      %dma_wait3A_56 = tpu.memref_slice %empty_ref3A[%dma_wait3A_55] : memref<16xi32, #tpu.memory_space<vmem>> -> memref<1xi32, #tpu.memory_space<vmem>>
      %dma_wait3A_57 = arith.constant 0 : i32
      %dma_wait3A_58 = tpu.memref_slice %empty_ref3A[%dma_wait3A_57] : memref<16xi32, #tpu.memory_space<vmem>> -> memref<1xi32, #tpu.memory_space<vmem>>
      tpu.wait_dma2 semaphore(%run_scoped3A : memref<!tpu.dma_semaphore, #tpu.memory_space<semaphore_mem>>) src(%arg4 : memref<1xi32, #tpu.memory_space<hbm>>) dst(%dma_wait3A_58 : memref<1xi32, #tpu.memory_space<vmem>>)
      tpu.yield
    }) : () -> ()
    %get3A = arith.constant 0 : index
    %get3A_0 = tpu.vector_load %empty_ref3A[%get3A] {strides = array<i32>} : memref<16xi32, #tpu.memory_space<vmem>>, vector<16xi32>,
    %get3A_1 = vector.shape_cast %get3A_0 : vector<16xi32> to vector<16xi32>
    %slice3A = vector.extract_strided_slice %get3A_1 {offsets = [0], sizes = [1], strides = [1]} : vector<16xi32> to vector<1xi32>
    %squeeze3A = vector.extract %slice3A[0] : i32 from vector<1xi32>
    %mul3A = arith.constant 2 : i32
    %mul3A_2 = arith.muli %arg1, %mul3A : i32
    %add3A = arith.addi %mul3A_2, %arg0 : i32
    %mul3A_3 = arith.constant 512 : i32
    %mul3A_4 = arith.muli %add3A, %mul3A_3 : i32
    "tpu.region"() ({
      %run_scoped3A = tpu.sem_alloc : memref<!tpu.dma_semaphore, #tpu.memory_space<semaphore_mem>>
      %dma_start3A_51 = tpu.memref_slice %arg2[%mul3A_4] : memref<16384xi32, #tpu.memory_space<hbm>> -> memref<512xi32, #tpu.memory_space<hbm>>
      %dma_start3A_52 = tpu.memref_slice %arg2[%mul3A_4] : memref<16384xi32, #tpu.memory_space<hbm>> -> memref<512xi32, #tpu.memory_space<hbm>>
      tpu.enqueue_dma source(%dma_start3A_52 : memref<512xi32, #tpu.memory_space<hbm>>) target(%arg6 : memref<512xi32, #tpu.memory_space<vmem>>) target_semaphore(%run_scoped3A : memref<!tpu.dma_semaphore, #tpu.memory_space<semaphore_mem>>)
      %dma_wait3A_53 = tpu.memref_slice %arg2[%mul3A_4] : memref<16384xi32, #tpu.memory_space<hbm>> -> memref<512xi32, #tpu.memory_space<hbm>>
      %dma_wait3A_54 = tpu.memref_slice %arg2[%mul3A_4] : memref<16384xi32, #tpu.memory_space<hbm>> -> memref<512xi32, #tpu.memory_space<hbm>>
      tpu.wait_dma2 semaphore(%run_scoped3A : memref<!tpu.dma_semaphore, #tpu.memory_space<semaphore_mem>>) src(%dma_wait3A_54 : memref<512xi32, #tpu.memory_space<hbm>>) dst(%arg6 : memref<512xi32, #tpu.memory_space<vmem>>)
      tpu.yield
    }) : () -> ()
    %scan3A = arith.constant 0 : i32
    %scan3A_5 = arith.constant 0 : i32
    %scan3A_6 = arith.constant 32 : i32
    %scan3A_7 = arith.addi %scan3A_5, %scan3A_6 : i32
    %scan3A_8 = arith.constant 1 : i32
    %scan3A_9 = scf.for %scan3A_51 = %scan3A_5 to %scan3A_7 step %scan3A_8 iter_args(%scan3A_52 = %scan3A) -> (i32)  : i32 {
      %mul3A_53 = arith.constant 16 : i32
      %mul3A_54 = arith.muli %scan3A_51, %mul3A_53 : i32
      %get3A_55 = arith.index_cast %mul3A_54 : i32 to index
      %get3A_56 = tpu.vector_load %arg6[%get3A_55] {strides = array<i32>} : memref<512xi32, #tpu.memory_space<vmem>>, vector<16xi32>,
      %get3A_57 = vector.shape_cast %get3A_56 : vector<16xi32> to vector<16xi32>
      %ge3A = vector.broadcast %squeeze3A : i32 to vector<16xi32>
      %ge3A_58 = arith.cmpi sge, %get3A_57, %ge3A : vector<16xi32>
      %jit3A = arith.constant 0 : i32
      %broadcast_in_dim3A = vector.broadcast %squeeze3A : i32 to vector<16xi32>
      %broadcast_in_dim3A_59 = vector.broadcast %jit3A : i32 to vector<16xi32>
      %select_n3A = arith.select %ge3A_58, %broadcast_in_dim3A, %broadcast_in_dim3A_59 : vector<16xi1>, vector<16xi32>
      %sub3A = arith.subi %get3A_57, %select_n3A : vector<16xi32>
      %shift_right_logical3A = arith.constant 14 : i32
      %shift_right_logical3A_60 = vector.broadcast %shift_right_logical3A : i32 to vector<16xi32>
      %shift_right_logical3A_61 = arith.shrui %sub3A, %shift_right_logical3A_60 : vector<16xi32>
      %shift_left3A = arith.constant 13 : i32
      %shift_left3A_62 = vector.broadcast %shift_left3A : i32 to vector<16xi32>
      %shift_left3A_63 = arith.shli %shift_right_logical3A_61, %shift_left3A_62 : vector<16xi32>
      %and3A = arith.constant 8191 : i32
      %and3A_64 = vector.broadcast %and3A : i32 to vector<16xi32>
      %and3A_65 = arith.andi %sub3A, %and3A_64 : vector<16xi32>
      %or3A = arith.ori %shift_left3A_63, %and3A_65 : vector<16xi32>
      %swap3A = arith.index_cast %mul3A_54 : i32 to index
      %swap3A_66 = tpu.vector_load %arg7[%swap3A] {strides = array<i32>} : memref<512xi32, #tpu.memory_space<vmem>>, vector<16xi32>,
      %swap3A_67 = vector.shape_cast %swap3A_66 : vector<16xi32> to vector<16xi32>
      %swap3A_68 = vector.shape_cast %or3A : vector<16xi32> to vector<16xi32>
      tpu.vector_store %arg7[%swap3A], %swap3A_68 {strides = array<i32>} : memref<512xi32, #tpu.memory_space<vmem>>, vector<16xi32>,
      %scan3A_69 = arith.constant 0 : i32
      scf.yield %scan3A_69 : i32
    }
    %scan3A_10 = arith.constant 32 : i32
    %dma_start3A = arith.constant 0 : i32
    %dma_start3A_11 = tpu.memref_slice %arg7[%dma_start3A] : memref<512xi32, #tpu.memory_space<vmem>> -> memref<256xi32, #tpu.memory_space<vmem>>
    %dma_start3A_12 = arith.constant 0 : i32
    %dma_start3A_13 = arith.constant 0 : i32
    %dma_start3A_14 = tpu.memref_slice %arg3[%dma_start3A_12, %dma_start3A_13] : memref<262144x128xi32, #tpu.memory_space<hbm>> -> memref<262144x128xi32, #tpu.memory_space<hbm>>
    tpu.enqueue_indirect_dma source(%dma_start3A_14 : memref<262144x128xi32, #tpu.memory_space<hbm>>) target(%arg8 : memref<256x128xi32, #tpu.memory_space<vmem>>) offsets(%dma_start3A_11 : memref<256xi32, #tpu.memory_space<vmem>>) semaphore(%arg11 : memref<!tpu.dma_semaphore, #tpu.memory_space<semaphore_mem>>)
    %dma_start3A_15 = arith.constant 256 : i32
    %dma_start3A_16 = tpu.memref_slice %arg7[%dma_start3A_15] : memref<512xi32, #tpu.memory_space<vmem>> -> memref<256xi32, #tpu.memory_space<vmem>>
    %dma_start3A_17 = arith.constant 0 : i32
    %dma_start3A_18 = arith.constant 0 : i32
    %dma_start3A_19 = tpu.memref_slice %arg3[%dma_start3A_17, %dma_start3A_18] : memref<262144x128xi32, #tpu.memory_space<hbm>> -> memref<262144x128xi32, #tpu.memory_space<hbm>>
    tpu.enqueue_indirect_dma source(%dma_start3A_19 : memref<262144x128xi32, #tpu.memory_space<hbm>>) target(%arg9 : memref<256x128xi32, #tpu.memory_space<vmem>>) offsets(%dma_start3A_16 : memref<256xi32, #tpu.memory_space<vmem>>) semaphore(%arg12 : memref<!tpu.dma_semaphore, #tpu.memory_space<semaphore_mem>>)
    %dma_wait3A = arith.constant 0 : i32
    %dma_wait3A_20 = tpu.memref_slice %arg7[%dma_wait3A] : memref<512xi32, #tpu.memory_space<vmem>> -> memref<256xi32, #tpu.memory_space<vmem>>
    %dma_wait3A_21 = arith.constant 0 : i32
    %dma_wait3A_22 = arith.constant 0 : i32
    %dma_wait3A_23 = tpu.memref_slice %arg3[%dma_wait3A_21, %dma_wait3A_22] : memref<262144x128xi32, #tpu.memory_space<hbm>> -> memref<262144x128xi32, #tpu.memory_space<hbm>>
    tpu.wait_indirect_dma semaphore(%arg11 : memref<!tpu.dma_semaphore, #tpu.memory_space<semaphore_mem>>) src(%dma_wait3A_23 : memref<262144x128xi32, #tpu.memory_space<hbm>>) dst(%arg8 : memref<256x128xi32, #tpu.memory_space<vmem>>)
    %scan3A_24 = arith.constant 0 : i32
    %scan3A_25 = arith.constant 0 : i32
    %scan3A_26 = arith.constant 16 : i32
    %scan3A_27 = arith.addi %scan3A_25, %scan3A_26 : i32
    %scan3A_28 = arith.constant 1 : i32
    %scan3A_29 = scf.for %scan3A_51 = %scan3A_25 to %scan3A_27 step %scan3A_28 iter_args(%scan3A_52 = %scan3A_24) -> (i32)  : i32 {
      %mul3A_53 = arith.constant 16 : i32
      %mul3A_54 = arith.muli %scan3A_51, %mul3A_53 : i32
      %add3A_55 = arith.constant 0 : i32
      %add3A_56 = arith.addi %add3A_55, %mul3A_54 : i32
      %get3A_57 = arith.index_cast %add3A_56 : i32 to index
      %get3A_58 = tpu.vector_load %arg6[%get3A_57] {strides = array<i32>} : memref<512xi32, #tpu.memory_space<vmem>>, vector<16xi32>,
      %get3A_59 = vector.shape_cast %get3A_58 : vector<16xi32> to vector<16xi32>
      %add3A_60 = arith.constant 0 : i32
      %add3A_61 = arith.addi %mul3A_54, %add3A_60 : i32
      %slice3A_62 = vector.extract_strided_slice %get3A_59 {offsets = [0], sizes = [1], strides = [1]} : vector<16xi32> to vector<1xi32>
      %squeeze3A_63 = vector.extract %slice3A_62[0] : i32 from vector<1xi32>
      %ge3A = arith.cmpi sge, %squeeze3A_63, %squeeze3A : i32
      %jit3A = arith.constant 64 : i32
      %jit3A_64 = arith.constant 0 : i32
      %select_n3A = arith.select %ge3A, %jit3A, %jit3A_64 : i32
      %add3A_65 = arith.constant 0 : i32
      %add3A_66 = arith.addi %select_n3A, %add3A_65 : i32
      %get3A_67 = arith.index_cast %add3A_61 : i32 to index
      %get3A_68 = arith.index_cast %add3A_66 : i32 to index
      %get3A_69 = tpu.vector_load %arg8[%get3A_67, %get3A_68] {strides = array<i32>} : memref<256x128xi32, #tpu.memory_space<vmem>>, vector<1x16xi32>,
      %get3A_70 = vector.shape_cast %get3A_69 : vector<1x16xi32> to vector<16xi32>
      %mul3A_71 = arith.constant 64 : i32
      %mul3A_72 = arith.muli %add3A_61, %mul3A_71 : i32
      %add3A_73 = arith.constant 0 : i32
      %add3A_74 = arith.addi %mul3A_72, %add3A_73 : i32
      %swap3A = arith.index_cast %add3A_74 : i32 to index
      %swap3A_75 = tpu.vector_load %arg10[%swap3A] {strides = array<i32>} : memref<16384xi32, #tpu.memory_space<vmem>>, vector<16xi32>,
      %swap3A_76 = vector.shape_cast %swap3A_75 : vector<16xi32> to vector<16xi32>
      %swap3A_77 = vector.shape_cast %get3A_70 : vector<16xi32> to vector<16xi32>
      tpu.vector_store %arg10[%swap3A], %swap3A_77 {strides = array<i32>} : memref<16384xi32, #tpu.memory_space<vmem>>, vector<16xi32>,
      %add3A_78 = arith.constant 16 : i32
      %add3A_79 = arith.addi %select_n3A, %add3A_78 : i32
      %get3A_80 = arith.index_cast %add3A_61 : i32 to index
      %get3A_81 = arith.index_cast %add3A_79 : i32 to index
      %get3A_82 = tpu.vector_load %arg8[%get3A_80, %get3A_81] {strides = array<i32>} : memref<256x128xi32, #tpu.memory_space<vmem>>, vector<1x16xi32>,
      %get3A_83 = vector.shape_cast %get3A_82 : vector<1x16xi32> to vector<16xi32>
      %mul3A_84 = arith.constant 64 : i32
      %mul3A_85 = arith.muli %add3A_61, %mul3A_84 : i32
      %add3A_86 = arith.constant 16 : i32
      %add3A_87 = arith.addi %mul3A_85, %add3A_86 : i32
      %swap3A_88 = arith.index_cast %add3A_87 : i32 to index
      %swap3A_89 = tpu.vector_load %arg10[%swap3A_88] {strides = array<i32>} : memref<16384xi32, #tpu.memory_space<vmem>>, vector<16xi32>,
      %swap3A_90 = vector.shape_cast %swap3A_89 : vector<16xi32> to vector<16xi32>
      %swap3A_91 = vector.shape_cast %get3A_83 : vector<16xi32> to vector<16xi32>
      tpu.vector_store %arg10[%swap3A_88], %swap3A_91 {strides = array<i32>} : memref<16384xi32, #tpu.memory_space<vmem>>, vector<16xi32>,
      %add3A_92 = arith.constant 32 : i32
      %add3A_93 = arith.addi %select_n3A, %add3A_92 : i32
      %get3A_94 = arith.index_cast %add3A_61 : i32 to index
      %get3A_95 = arith.index_cast %add3A_93 : i32 to index
      %get3A_96 = tpu.vector_load %arg8[%get3A_94, %get3A_95] {strides = array<i32>} : memref<256x128xi32, #tpu.memory_space<vmem>>, vector<1x16xi32>,
      %get3A_97 = vector.shape_cast %get3A_96 : vector<1x16xi32> to vector<16xi32>
      %mul3A_98 = arith.constant 64 : i32
      %mul3A_99 = arith.muli %add3A_61, %mul3A_98 : i32
      %add3A_100 = arith.constant 32 : i32
      %add3A_101 = arith.addi %mul3A_99, %add3A_100 : i32
      %swap3A_102 = arith.index_cast %add3A_101 : i32 to index
      %swap3A_103 = tpu.vector_load %arg10[%swap3A_102] {strides = array<i32>} : memref<16384xi32, #tpu.memory_space<vmem>>, vector<16xi32>,
      %swap3A_104 = vector.shape_cast %swap3A_103 : vector<16xi32> to vector<16xi32>
      %swap3A_105 = vector.shape_cast %get3A_97 : vector<16xi32> to vector<16xi32>
      tpu.vector_store %arg10[%swap3A_102], %swap3A_105 {strides = array<i32>} : memref<16384xi32, #tpu.memory_space<vmem>>, vector<16xi32>,
      %add3A_106 = arith.constant 48 : i32
      %add3A_107 = arith.addi %select_n3A, %add3A_106 : i32
      %get3A_108 = arith.index_cast %add3A_61 : i32 to index
      %get3A_109 = arith.index_cast %add3A_107 : i32 to index
      %get3A_110 = tpu.vector_load %arg8[%get3A_108, %get3A_109] {strides = array<i32>} : memref<256x128xi32, #tpu.memory_space<vmem>>, vector<1x16xi32>,
      %get3A_111 = vector.shape_cast %get3A_110 : vector<1x16xi32> to vector<16xi32>
      %mul3A_112 = arith.constant 64 : i32
      %mul3A_113 = arith.muli %add3A_61, %mul3A_112 : i32
      %add3A_114 = arith.constant 48 : i32
      %add3A_115 = arith.addi %mul3A_113, %add3A_114 : i32
      %swap3A_116 = arith.index_cast %add3A_115 : i32 to index
      %swap3A_117 = tpu.vector_load %arg10[%swap3A_116] {strides = array<i32>} : memref<16384xi32, #tpu.memory_space<vmem>>, vector<16xi32>,
      %swap3A_118 = vector.shape_cast %swap3A_117 : vector<16xi32> to vector<16xi32>
      %swap3A_119 = vector.shape_cast %get3A_111 : vector<16xi32> to vector<16xi32>
      tpu.vector_store %arg10[%swap3A_116], %swap3A_119 {strides = array<i32>} : memref<16384xi32, #tpu.memory_space<vmem>>, vector<16xi32>,
      %add3A_120 = arith.constant 1 : i32
      %add3A_121 = arith.addi %mul3A_54, %add3A_120 : i32
      %slice3A_122 = vector.extract_strided_slice %get3A_59 {offsets = [1], sizes = [1], strides = [1]} : vector<16xi32> to vector<1xi32>
      %squeeze3A_123 = vector.extract %slice3A_122[0] : i32 from vector<1xi32>
      %ge3A_124 = arith.cmpi sge, %squeeze3A_123, %squeeze3A : i32
      %jit3A_125 = arith.constant 64 : i32
      %jit3A_126 = arith.constant 0 : i32
      %select_n3A_127 = arith.select %ge3A_124, %jit3A_125, %jit3A_126 : i32
      %add3A_128 = arith.constant 0 : i32
      %add3A_129 = arith.addi %select_n3A_127, %add3A_128 : i32
      %get3A_130 = arith.index_cast %add3A_121 : i32 to index
      %get3A_131 = arith.index_cast %add3A_129 : i32 to index
      %get3A_132 = tpu.vector_load %arg8[%get3A_130, %get3A_131] {strides = array<i32>} : memref<256x128xi32, #tpu.memory_space<vmem>>, vector<1x16xi32>,
      %get3A_133 = vector.shape_cast %get3A_132 : vector<1x16xi32> to vector<16xi32>
      %mul3A_134 = arith.constant 64 : i32
      %mul3A_135 = arith.muli %add3A_121, %mul3A_134 : i32
      %add3A_136 = arith.constant 0 : i32
      %add3A_137 = arith.addi %mul3A_135, %add3A_136 : i32
      %swap3A_138 = arith.index_cast %add3A_137 : i32 to index
      %swap3A_139 = tpu.vector_load %arg10[%swap3A_138] {strides = array<i32>} : memref<16384xi32, #tpu.memory_space<vmem>>, vector<16xi32>,
      %swap3A_140 = vector.shape_cast %swap3A_139 : vector<16xi32> to vector<16xi32>
      %swap3A_141 = vector.shape_cast %get3A_133 : vector<16xi32> to vector<16xi32>
      tpu.vector_store %arg10[%swap3A_138], %swap3A_141 {strides = array<i32>} : memref<16384xi32, #tpu.memory_space<vmem>>, vector<16xi32>,
      %add3A_142 = arith.constant 16 : i32
      %add3A_143 = arith.addi %select_n3A_127, %add3A_142 : i32
      %get3A_144 = arith.index_cast %add3A_121 : i32 to index
      %get3A_145 = arith.index_cast %add3A_143 : i32 to index
      %get3A_146 = tpu.vector_load %arg8[%get3A_144, %get3A_145] {strides = array<i32>} : memref<256x128xi32, #tpu.memory_space<vmem>>, vector<1x16xi32>,
      %get3A_147 = vector.shape_cast %get3A_146 : vector<1x16xi32> to vector<16xi32>
      %mul3A_148 = arith.constant 64 : i32
      %mul3A_149 = arith.muli %add3A_121, %mul3A_148 : i32
      %add3A_150 = arith.constant 16 : i32
      %add3A_151 = arith.addi %mul3A_149, %add3A_150 : i32
      %swap3A_152 = arith.index_cast %add3A_151 : i32 to index
      %swap3A_153 = tpu.vector_load %arg10[%swap3A_152] {strides = array<i32>} : memref<16384xi32, #tpu.memory_space<vmem>>, vector<16xi32>,
      %swap3A_154 = vector.shape_cast %swap3A_153 : vector<16xi32> to vector<16xi32>
      %swap3A_155 = vector.shape_cast %get3A_147 : vector<16xi32> to vector<16xi32>
      tpu.vector_store %arg10[%swap3A_152], %swap3A_155 {strides = array<i32>} : memref<16384xi32, #tpu.memory_space<vmem>>, vector<16xi32>,
      %add3A_156 = arith.constant 32 : i32
      %add3A_157 = arith.addi %select_n3A_127, %add3A_156 : i32
      %get3A_158 = arith.index_cast %add3A_121 : i32 to index
      %get3A_159 = arith.index_cast %add3A_157 : i32 to index
      %get3A_160 = tpu.vector_load %arg8[%get3A_158, %get3A_159] {strides = array<i32>} : memref<256x128xi32, #tpu.memory_space<vmem>>, vector<1x16xi32>,
      %get3A_161 = vector.shape_cast %get3A_160 : vector<1x16xi32> to vector<16xi32>
      %mul3A_162 = arith.constant 64 : i32
      %mul3A_163 = arith.muli %add3A_121, %mul3A_162 : i32
      %add3A_164 = arith.constant 32 : i32
      %add3A_165 = arith.addi %mul3A_163, %add3A_164 : i32
      %swap3A_166 = arith.index_cast %add3A_165 : i32 to index
      %swap3A_167 = tpu.vector_load %arg10[%swap3A_166] {strides = array<i32>} : memref<16384xi32, #tpu.memory_space<vmem>>, vector<16xi32>,
      %swap3A_168 = vector.shape_cast %swap3A_167 : vector<16xi32> to vector<16xi32>
      %swap3A_169 = vector.shape_cast %get3A_161 : vector<16xi32> to vector<16xi32>
      tpu.vector_store %arg10[%swap3A_166], %swap3A_169 {strides = array<i32>} : memref<16384xi32, #tpu.memory_space<vmem>>, vector<16xi32>,
      %add3A_170 = arith.constant 48 : i32
      %add3A_171 = arith.addi %select_n3A_127, %add3A_170 : i32
      %get3A_172 = arith.index_cast %add3A_121 : i32 to index
      %get3A_173 = arith.index_cast %add3A_171 : i32 to index
      %get3A_174 = tpu.vector_load %arg8[%get3A_172, %get3A_173] {strides = array<i32>} : memref<256x128xi32, #tpu.memory_space<vmem>>, vector<1x16xi32>,
      %get3A_175 = vector.shape_cast %get3A_174 : vector<1x16xi32> to vector<16xi32>
      %mul3A_176 = arith.constant 64 : i32
      %mul3A_177 = arith.muli %add3A_121, %mul3A_176 : i32
      %add3A_178 = arith.constant 48 : i32
      %add3A_179 = arith.addi %mul3A_177, %add3A_178 : i32
      %swap3A_180 = arith.index_cast %add3A_179 : i32 to index
      %swap3A_181 = tpu.vector_load %arg10[%swap3A_180] {strides = array<i32>} : memref<16384xi32, #tpu.memory_space<vmem>>, vector<16xi32>,
      %swap3A_182 = vector.shape_cast %swap3A_181 : vector<16xi32> to vector<16xi32>
      %swap3A_183 = vector.shape_cast %get3A_175 : vector<16xi32> to vector<16xi32>
      tpu.vector_store %arg10[%swap3A_180], %swap3A_183 {strides = array<i32>} : memref<16384xi32, #tpu.memory_space<vmem>>, vector<16xi32>,
      %add3A_184 = arith.constant 2 : i32
      %add3A_185 = arith.addi %mul3A_54, %add3A_184 : i32
      %slice3A_186 = vector.extract_strided_slice %get3A_59 {offsets = [2], sizes = [1], strides = [1]} : vector<16xi32> to vector<1xi32>
      %squeeze3A_187 = vector.extract %slice3A_186[0] : i32 from vector<1xi32>
      %ge3A_188 = arith.cmpi sge, %squeeze3A_187, %squeeze3A : i32
      %jit3A_189 = arith.constant 64 : i32
      %jit3A_190 = arith.constant 0 : i32
      %select_n3A_191 = arith.select %ge3A_188, %jit3A_189, %jit3A_190 : i32
      %add3A_192 = arith.constant 0 : i32
      %add3A_193 = arith.addi %select_n3A_191, %add3A_192 : i32
      %get3A_194 = arith.index_cast %add3A_185 : i32 to index
      %get3A_195 = arith.index_cast %add3A_193 : i32 to index
      %get3A_196 = tpu.vector_load %arg8[%get3A_194, %get3A_195] {strides = array<i32>} : memref<256x128xi32, #tpu.memory_space<vmem>>, vector<1x16xi32>,
      %get3A_197 = vector.shape_cast %get3A_196 : vector<1x16xi32> to vector<16xi32>
      %mul3A_198 = arith.constant 64 : i32
      %mul3A_199 = arith.muli %add3A_185, %mul3A_198 : i32
      %add3A_200 = arith.constant 0 : i32
      %add3A_201 = arith.addi %mul3A_199, %add3A_200 : i32
      %swap3A_202 = arith.index_cast %add3A_201 : i32 to index
      %swap3A_203 = tpu.vector_load %arg10[%swap3A_202] {strides = array<i32>} : memref<16384xi32, #tpu.memory_space<vmem>>, vector<16xi32>,
      %swap3A_204 = vector.shape_cast %swap3A_203 : vector<16xi32> to vector<16xi32>
      %swap3A_205 = vector.shape_cast %get3A_197 : vector<16xi32> to vector<16xi32>
      tpu.vector_store %arg10[%swap3A_202], %swap3A_205 {strides = array<i32>} : memref<16384xi32, #tpu.memory_space<vmem>>, vector<16xi32>,
      %add3A_206 = arith.constant 16 : i32
      %add3A_207 = arith.addi %select_n3A_191, %add3A_206 : i32
      %get3A_208 = arith.index_cast %add3A_185 : i32 to index
      %get3A_209 = arith.index_cast %add3A_207 : i32 to index
      %get3A_210 = tpu.vector_load %arg8[%get3A_208, %get3A_209] {strides = array<i32>} : memref<256x128xi32, #tpu.memory_space<vmem>>, vector<1x16xi32>,
      %get3A_211 = vector.shape_cast %get3A_210 : vector<1x16xi32> to vector<16xi32>
      %mul3A_212 = arith.constant 64 : i32
      %mul3A_213 = arith.muli %add3A_185, %mul3A_212 : i32
      %add3A_214 = arith.constant 16 : i32
      %add3A_215 = arith.addi %mul3A_213, %add3A_214 : i32
      %swap3A_216 = arith.index_cast %add3A_215 : i32 to index
      %swap3A_217 = tpu.vector_load %arg10[%swap3A_216] {strides = array<i32>} : memref<16384xi32, #tpu.memory_space<vmem>>, vector<16xi32>,
      %swap3A_218 = vector.shape_cast %swap3A_217 : vector<16xi32> to vector<16xi32>
      %swap3A_219 = vector.shape_cast %get3A_211 : vector<16xi32> to vector<16xi32>
      tpu.vector_store %arg10[%swap3A_216], %swap3A_219 {strides = array<i32>} : memref<16384xi32, #tpu.memory_space<vmem>>, vector<16xi32>,
      %add3A_220 = arith.constant 32 : i32
      %add3A_221 = arith.addi %select_n3A_191, %add3A_220 : i32
      %get3A_222 = arith.index_cast %add3A_185 : i32 to index
      %get3A_223 = arith.index_cast %add3A_221 : i32 to index
      %get3A_224 = tpu.vector_load %arg8[%get3A_222, %get3A_223] {strides = array<i32>} : memref<256x128xi32, #tpu.memory_space<vmem>>, vector<1x16xi32>,
      %get3A_225 = vector.shape_cast %get3A_224 : vector<1x16xi32> to vector<16xi32>
      %mul3A_226 = arith.constant 64 : i32
      %mul3A_227 = arith.muli %add3A_185, %mul3A_226 : i32
      %add3A_228 = arith.constant 32 : i32
      %add3A_229 = arith.addi %mul3A_227, %add3A_228 : i32
      %swap3A_230 = arith.index_cast %add3A_229 : i32 to index
      %swap3A_231 = tpu.vector_load %arg10[%swap3A_230] {strides = array<i32>} : memref<16384xi32, #tpu.memory_space<vmem>>, vector<16xi32>,
      %swap3A_232 = vector.shape_cast %swap3A_231 : vector<16xi32> to vector<16xi32>
      %swap3A_233 = vector.shape_cast %get3A_225 : vector<16xi32> to vector<16xi32>
      tpu.vector_store %arg10[%swap3A_230], %swap3A_233 {strides = array<i32>} : memref<16384xi32, #tpu.memory_space<vmem>>, vector<16xi32>,
      %add3A_234 = arith.constant 48 : i32
      %add3A_235 = arith.addi %select_n3A_191, %add3A_234 : i32
      %get3A_236 = arith.index_cast %add3A_185 : i32 to index
      %get3A_237 = arith.index_cast %add3A_235 : i32 to index
      %get3A_238 = tpu.vector_load %arg8[%get3A_236, %get3A_237] {strides = array<i32>} : memref<256x128xi32, #tpu.memory_space<vmem>>, vector<1x16xi32>,
      %get3A_239 = vector.shape_cast %get3A_238 : vector<1x16xi32> to vector<16xi32>
      %mul3A_240 = arith.constant 64 : i32
      %mul3A_241 = arith.muli %add3A_185, %mul3A_240 : i32
      %add3A_242 = arith.constant 48 : i32
      %add3A_243 = arith.addi %mul3A_241, %add3A_242 : i32
      %swap3A_244 = arith.index_cast %add3A_243 : i32 to index
      %swap3A_245 = tpu.vector_load %arg10[%swap3A_244] {strides = array<i32>} : memref<16384xi32, #tpu.memory_space<vmem>>, vector<16xi32>,
      %swap3A_246 = vector.shape_cast %swap3A_245 : vector<16xi32> to vector<16xi32>
      %swap3A_247 = vector.shape_cast %get3A_239 : vector<16xi32> to vector<16xi32>
      tpu.vector_store %arg10[%swap3A_244], %swap3A_247 {strides = array<i32>} : memref<16384xi32, #tpu.memory_space<vmem>>, vector<16xi32>,
      %add3A_248 = arith.constant 3 : i32
      %add3A_249 = arith.addi %mul3A_54, %add3A_248 : i32
      %slice3A_250 = vector.extract_strided_slice %get3A_59 {offsets = [3], sizes = [1], strides = [1]} : vector<16xi32> to vector<1xi32>
      %squeeze3A_251 = vector.extract %slice3A_250[0] : i32 from vector<1xi32>
      %ge3A_252 = arith.cmpi sge, %squeeze3A_251, %squeeze3A : i32
      %jit3A_253 = arith.constant 64 : i32
      %jit3A_254 = arith.constant 0 : i32
      %select_n3A_255 = arith.select %ge3A_252, %jit3A_253, %jit3A_254 : i32
      %add3A_256 = arith.constant 0 : i32
      %add3A_257 = arith.addi %select_n3A_255, %add3A_256 : i32
      %get3A_258 = arith.index_cast %add3A_249 : i32 to index
      %get3A_259 = arith.index_cast %add3A_257 : i32 to index
      %get3A_260 = tpu.vector_load %arg8[%get3A_258, %get3A_259] {strides = array<i32>} : memref<256x128xi32, #tpu.memory_space<vmem>>, vector<1x16xi32>,
      %get3A_261 = vector.shape_cast %get3A_260 : vector<1x16xi32> to vector<16xi32>
      %mul3A_262 = arith.constant 64 : i32
      %mul3A_263 = arith.muli %add3A_249, %mul3A_262 : i32
      %add3A_264 = arith.constant 0 : i32
      %add3A_265 = arith.addi %mul3A_263, %add3A_264 : i32
      %swap3A_266 = arith.index_cast %add3A_265 : i32 to index
      %swap3A_267 = tpu.vector_load %arg10[%swap3A_266] {strides = array<i32>} : memref<16384xi32, #tpu.memory_space<vmem>>, vector<16xi32>,
      %swap3A_268 = vector.shape_cast %swap3A_267 : vector<16xi32> to vector<16xi32>
      %swap3A_269 = vector.shape_cast %get3A_261 : vector<16xi32> to vector<16xi32>
      tpu.vector_store %arg10[%swap3A_266], %swap3A_269 {strides = array<i32>} : memref<16384xi32, #tpu.memory_space<vmem>>, vector<16xi32>,
      %add3A_270 = arith.constant 16 : i32
      %add3A_271 = arith.addi %select_n3A_255, %add3A_270 : i32
      %get3A_272 = arith.index_cast %add3A_249 : i32 to index
      %get3A_273 = arith.index_cast %add3A_271 : i32 to index
      %get3A_274 = tpu.vector_load %arg8[%get3A_272, %get3A_273] {strides = array<i32>} : memref<256x128xi32, #tpu.memory_space<vmem>>, vector<1x16xi32>,
      %get3A_275 = vector.shape_cast %get3A_274 : vector<1x16xi32> to vector<16xi32>
      %mul3A_276 = arith.constant 64 : i32
      %mul3A_277 = arith.muli %add3A_249, %mul3A_276 : i32
      %add3A_278 = arith.constant 16 : i32
      %add3A_279 = arith.addi %mul3A_277, %add3A_278 : i32
      %swap3A_280 = arith.index_cast %add3A_279 : i32 to index
      %swap3A_281 = tpu.vector_load %arg10[%swap3A_280] {strides = array<i32>} : memref<16384xi32, #tpu.memory_space<vmem>>, vector<16xi32>,
      %swap3A_282 = vector.shape_cast %swap3A_281 : vector<16xi32> to vector<16xi32>
      %swap3A_283 = vector.shape_cast %get3A_275 : vector<16xi32> to vector<16xi32>
      tpu.vector_store %arg10[%swap3A_280], %swap3A_283 {strides = array<i32>} : memref<16384xi32, #tpu.memory_space<vmem>>, vector<16xi32>,
      %add3A_284 = arith.constant 32 : i32
      %add3A_285 = arith.addi %select_n3A_255, %add3A_284 : i32
      %get3A_286 = arith.index_cast %add3A_249 : i32 to index
      %get3A_287 = arith.index_cast %add3A_285 : i32 to index
      %get3A_288 = tpu.vector_load %arg8[%get3A_286, %get3A_287] {strides = array<i32>} : memref<256x128xi32, #tpu.memory_space<vmem>>, vector<1x16xi32>,
      %get3A_289 = vector.shape_cast %get3A_288 : vector<1x16xi32> to vector<16xi32>
      %mul3A_290 = arith.constant 64 : i32
      %mul3A_291 = arith.muli %add3A_249, %mul3A_290 : i32
      %add3A_292 = arith.constant 32 : i32
      %add3A_293 = arith.addi %mul3A_291, %add3A_292 : i32
      %swap3A_294 = arith.index_cast %add3A_293 : i32 to index
      %swap3A_295 = tpu.vector_load %arg10[%swap3A_294] {strides = array<i32>} : memref<16384xi32, #tpu.memory_space<vmem>>, vector<16xi32>,
      %swap3A_296 = vector.shape_cast %swap3A_295 : vector<16xi32> to vector<16xi32>
      %swap3A_297 = vector.shape_cast %get3A_289 : vector<16xi32> to vector<16xi32>
      tpu.vector_store %arg10[%swap3A_294], %swap3A_297 {strides = array<i32>} : memref<16384xi32, #tpu.memory_space<vmem>>, vector<16xi32>,
      %add3A_298 = arith.constant 48 : i32
      %add3A_299 = arith.addi %select_n3A_255, %add3A_298 : i32
      %get3A_300 = arith.index_cast %add3A_249 : i32 to index
      %get3A_301 = arith.index_cast %add3A_299 : i32 to index
      %get3A_302 = tpu.vector_load %arg8[%get3A_300, %get3A_301] {strides = array<i32>} : memref<256x128xi32, #tpu.memory_space<vmem>>, vector<1x16xi32>,
      %get3A_303 = vector.shape_cast %get3A_302 : vector<1x16xi32> to vector<16xi32>
      %mul3A_304 = arith.constant 64 : i32
      %mul3A_305 = arith.muli %add3A_249, %mul3A_304 : i32
      %add3A_306 = arith.constant 48 : i32
      %add3A_307 = arith.addi %mul3A_305, %add3A_306 : i32
      %swap3A_308 = arith.index_cast %add3A_307 : i32 to index
      %swap3A_309 = tpu.vector_load %arg10[%swap3A_308] {strides = array<i32>} : memref<16384xi32, #tpu.memory_space<vmem>>, vector<16xi32>,
      %swap3A_310 = vector.shape_cast %swap3A_309 : vector<16xi32> to vector<16xi32>
      %swap3A_311 = vector.shape_cast %get3A_303 : vector<16xi32> to vector<16xi32>
      tpu.vector_store %arg10[%swap3A_308], %swap3A_311 {strides = array<i32>} : memref<16384xi32, #tpu.memory_space<vmem>>, vector<16xi32>,
      %add3A_312 = arith.constant 4 : i32
      %add3A_313 = arith.addi %mul3A_54, %add3A_312 : i32
      %slice3A_314 = vector.extract_strided_slice %get3A_59 {offsets = [4], sizes = [1], strides = [1]} : vector<16xi32> to vector<1xi32>
      %squeeze3A_315 = vector.extract %slice3A_314[0] : i32 from vector<1xi32>
      %ge3A_316 = arith.cmpi sge, %squeeze3A_315, %squeeze3A : i32
      %jit3A_317 = arith.constant 64 : i32
      %jit3A_318 = arith.constant 0 : i32
      %select_n3A_319 = arith.select %ge3A_316, %jit3A_317, %jit3A_318 : i32
      %add3A_320 = arith.constant 0 : i32
      %add3A_321 = arith.addi %select_n3A_319, %add3A_320 : i32
      %get3A_322 = arith.index_cast %add3A_313 : i32 to index
      %get3A_323 = arith.index_cast %add3A_321 : i32 to index
      %get3A_324 = tpu.vector_load %arg8[%get3A_322, %get3A_323] {strides = array<i32>} : memref<256x128xi32, #tpu.memory_space<vmem>>, vector<1x16xi32>,
      %get3A_325 = vector.shape_cast %get3A_324 : vector<1x16xi32> to vector<16xi32>
      %mul3A_326 = arith.constant 64 : i32
      %mul3A_327 = arith.muli %add3A_313, %mul3A_326 : i32
      %add3A_328 = arith.constant 0 : i32
      %add3A_329 = arith.addi %mul3A_327, %add3A_328 : i32
      %swap3A_330 = arith.index_cast %add3A_329 : i32 to index
      %swap3A_331 = tpu.vector_load %arg10[%swap3A_330] {strides = array<i32>} : memref<16384xi32, #tpu.memory_space<vmem>>, vector<16xi32>,
      %swap3A_332 = vector.shape_cast %swap3A_331 : vector<16xi32> to vector<16xi32>
      %swap3A_333 = vector.shape_cast %get3A_325 : vector<16xi32> to vector<16xi32>
      tpu.vector_store %arg10[%swap3A_330], %swap3A_333 {strides = array<i32>} : memref<16384xi32, #tpu.memory_space<vmem>>, vector<16xi32>,
      %add3A_334 = arith.constant 16 : i32
      %add3A_335 = arith.addi %select_n3A_319, %add3A_334 : i32
      %get3A_336 = arith.index_cast %add3A_313 : i32 to index
      %get3A_337 = arith.index_cast %add3A_335 : i32 to index
      %get3A_338 = tpu.vector_load %arg8[%get3A_336, %get3A_337] {strides = array<i32>} : memref<256x128xi32, #tpu.memory_space<vmem>>, vector<1x16xi32>,
      %get3A_339 = vector.shape_cast %get3A_338 : vector<1x16xi32> to vector<16xi32>
      %mul3A_340 = arith.constant 64 : i32
      %mul3A_341 = arith.muli %add3A_313, %mul3A_340 : i32
      %add3A_342 = arith.constant 16 : i32
      %add3A_343 = arith.addi %mul3A_341, %add3A_342 : i32
      %swap3A_344 = arith.index_cast %add3A_343 : i32 to index
      %swap3A_345 = tpu.vector_load %arg10[%swap3A_344] {strides = array<i32>} : memref<16384xi32, #tpu.memory_space<vmem>>, vector<16xi32>,
      %swap3A_346 = vector.shape_cast %swap3A_345 : vector<16xi32> to vector<16xi32>
      %swap3A_347 = vector.shape_cast %get3A_339 : vector<16xi32> to vector<16xi32>
      tpu.vector_store %arg10[%swap3A_344], %swap3A_347 {strides = array<i32>} : memref<16384xi32, #tpu.memory_space<vmem>>, vector<16xi32>,
      %add3A_348 = arith.constant 32 : i32
      %add3A_349 = arith.addi %select_n3A_319, %add3A_348 : i32
      %get3A_350 = arith.index_cast %add3A_313 : i32 to index
      %get3A_351 = arith.index_cast %add3A_349 : i32 to index
      %get3A_352 = tpu.vector_load %arg8[%get3A_350, %get3A_351] {strides = array<i32>} : memref<256x128xi32, #tpu.memory_space<vmem>>, vector<1x16xi32>,
      %get3A_353 = vector.shape_cast %get3A_352 : vector<1x16xi32> to vector<16xi32>
      %mul3A_354 = arith.constant 64 : i32
      %mul3A_355 = arith.muli %add3A_313, %mul3A_354 : i32
      %add3A_356 = arith.constant 32 : i32
      %add3A_357 = arith.addi %mul3A_355, %add3A_356 : i32
      %swap3A_358 = arith.index_cast %add3A_357 : i32 to index
      %swap3A_359 = tpu.vector_load %arg10[%swap3A_358] {strides = array<i32>} : memref<16384xi32, #tpu.memory_space<vmem>>, vector<16xi32>,
      %swap3A_360 = vector.shape_cast %swap3A_359 : vector<16xi32> to vector<16xi32>
      %swap3A_361 = vector.shape_cast %get3A_353 : vector<16xi32> to vector<16xi32>
      tpu.vector_store %arg10[%swap3A_358], %swap3A_361 {strides = array<i32>} : memref<16384xi32, #tpu.memory_space<vmem>>, vector<16xi32>,
      %add3A_362 = arith.constant 48 : i32
      %add3A_363 = arith.addi %select_n3A_319, %add3A_362 : i32
      %get3A_364 = arith.index_cast %add3A_313 : i32 to index
      %get3A_365 = arith.index_cast %add3A_363 : i32 to index
      %get3A_366 = tpu.vector_load %arg8[%get3A_364, %get3A_365] {strides = array<i32>} : memref<256x128xi32, #tpu.memory_space<vmem>>, vector<1x16xi32>,
      %get3A_367 = vector.shape_cast %get3A_366 : vector<1x16xi32> to vector<16xi32>
      %mul3A_368 = arith.constant 64 : i32
      %mul3A_369 = arith.muli %add3A_313, %mul3A_368 : i32
      %add3A_370 = arith.constant 48 : i32
      %add3A_371 = arith.addi %mul3A_369, %add3A_370 : i32
      %swap3A_372 = arith.index_cast %add3A_371 : i32 to index
      %swap3A_373 = tpu.vector_load %arg10[%swap3A_372] {strides = array<i32>} : memref<16384xi32, #tpu.memory_space<vmem>>, vector<16xi32>,
      %swap3A_374 = vector.shape_cast %swap3A_373 : vector<16xi32> to vector<16xi32>
      %swap3A_375 = vector.shape_cast %get3A_367 : vector<16xi32> to vector<16xi32>
      tpu.vector_store %arg10[%swap3A_372], %swap3A_375 {strides = array<i32>} : memref<16384xi32, #tpu.memory_space<vmem>>, vector<16xi32>,
      %add3A_376 = arith.constant 5 : i32
      %add3A_377 = arith.addi %mul3A_54, %add3A_376 : i32
      %slice3A_378 = vector.extract_strided_slice %get3A_59 {offsets = [5], sizes = [1], strides = [1]} : vector<16xi32> to vector<1xi32>
      %squeeze3A_379 = vector.extract %slice3A_378[0] : i32 from vector<1xi32>
      %ge3A_380 = arith.cmpi sge, %squeeze3A_379, %squeeze3A : i32
      %jit3A_381 = arith.constant 64 : i32
      %jit3A_382 = arith.constant 0 : i32
      %select_n3A_383 = arith.select %ge3A_380, %jit3A_381, %jit3A_382 : i32
      %add3A_384 = arith.constant 0 : i32
      %add3A_385 = arith.addi %select_n3A_383, %add3A_384 : i32
      %get3A_386 = arith.index_cast %add3A_377 : i32 to index
      %get3A_387 = arith.index_cast %add3A_385 : i32 to index
      %get3A_388 = tpu.vector_load %arg8[%get3A_386, %get3A_387] {strides = array<i32>} : memref<256x128xi32, #tpu.memory_space<vmem>>, vector<1x16xi32>,
      %get3A_389 = vector.shape_cast %get3A_388 : vector<1x16xi32> to vector<16xi32>
      %mul3A_390 = arith.constant 64 : i32
      %mul3A_391 = arith.muli %add3A_377, %mul3A_390 : i32
      %add3A_392 = arith.constant 0 : i32
      %add3A_393 = arith.addi %mul3A_391, %add3A_392 : i32
      %swap3A_394 = arith.index_cast %add3A_393 : i32 to index
      %swap3A_395 = tpu.vector_load %arg10[%swap3A_394] {strides = array<i32>} : memref<16384xi32, #tpu.memory_space<vmem>>, vector<16xi32>,
      %swap3A_396 = vector.shape_cast %swap3A_395 : vector<16xi32> to vector<16xi32>
      %swap3A_397 = vector.shape_cast %get3A_389 : vector<16xi32> to vector<16xi32>
      tpu.vector_store %arg10[%swap3A_394], %swap3A_397 {strides = array<i32>} : memref<16384xi32, #tpu.memory_space<vmem>>, vector<16xi32>,
      %add3A_398 = arith.constant 16 : i32
      %add3A_399 = arith.addi %select_n3A_383, %add3A_398 : i32
      %get3A_400 = arith.index_cast %add3A_377 : i32 to index
      %get3A_401 = arith.index_cast %add3A_399 : i32 to index
      %get3A_402 = tpu.vector_load %arg8[%get3A_400, %get3A_401] {strides = array<i32>} : memref<256x128xi32, #tpu.memory_space<vmem>>, vector<1x16xi32>,
      %get3A_403 = vector.shape_cast %get3A_402 : vector<1x16xi32> to vector<16xi32>
      %mul3A_404 = arith.constant 64 : i32
      %mul3A_405 = arith.muli %add3A_377, %mul3A_404 : i32
      %add3A_406 = arith.constant 16 : i32
      %add3A_407 = arith.addi %mul3A_405, %add3A_406 : i32
      %swap3A_408 = arith.index_cast %add3A_407 : i32 to index
      %swap3A_409 = tpu.vector_load %arg10[%swap3A_408] {strides = array<i32>} : memref<16384xi32, #tpu.memory_space<vmem>>, vector<16xi32>,
      %swap3A_410 = vector.shape_cast %swap3A_409 : vector<16xi32> to vector<16xi32>
      %swap3A_411 = vector.shape_cast %get3A_403 : vector<16xi32> to vector<16xi32>
      tpu.vector_store %arg10[%swap3A_408], %swap3A_411 {strides = array<i32>} : memref<16384xi32, #tpu.memory_space<vmem>>, vector<16xi32>,
      %add3A_412 = arith.constant 32 : i32
      %add3A_413 = arith.addi %select_n3A_383, %add3A_412 : i32
      %get3A_414 = arith.index_cast %add3A_377 : i32 to index
      %get3A_415 = arith.index_cast %add3A_413 : i32 to index
      %get3A_416 = tpu.vector_load %arg8[%get3A_414, %get3A_415] {strides = array<i32>} : memref<256x128xi32, #tpu.memory_space<vmem>>, vector<1x16xi32>,
      %get3A_417 = vector.shape_cast %get3A_416 : vector<1x16xi32> to vector<16xi32>
      %mul3A_418 = arith.constant 64 : i32
      %mul3A_419 = arith.muli %add3A_377, %mul3A_418 : i32
      %add3A_420 = arith.constant 32 : i32
      %add3A_421 = arith.addi %mul3A_419, %add3A_420 : i32
      %swap3A_422 = arith.index_cast %add3A_421 : i32 to index
      %swap3A_423 = tpu.vector_load %arg10[%swap3A_422] {strides = array<i32>} : memref<16384xi32, #tpu.memory_space<vmem>>, vector<16xi32>,
      %swap3A_424 = vector.shape_cast %swap3A_423 : vector<16xi32> to vector<16xi32>
      %swap3A_425 = vector.shape_cast %get3A_417 : vector<16xi32> to vector<16xi32>
      tpu.vector_store %arg10[%swap3A_422], %swap3A_425 {strides = array<i32>} : memref<16384xi32, #tpu.memory_space<vmem>>, vector<16xi32>,
      %add3A_426 = arith.constant 48 : i32
      %add3A_427 = arith.addi %select_n3A_383, %add3A_426 : i32
      %get3A_428 = arith.index_cast %add3A_377 : i32 to index
      %get3A_429 = arith.index_cast %add3A_427 : i32 to index
      %get3A_430 = tpu.vector_load %arg8[%get3A_428, %get3A_429] {strides = array<i32>} : memref<256x128xi32, #tpu.memory_space<vmem>>, vector<1x16xi32>,
      %get3A_431 = vector.shape_cast %get3A_430 : vector<1x16xi32> to vector<16xi32>
      %mul3A_432 = arith.constant 64 : i32
      %mul3A_433 = arith.muli %add3A_377, %mul3A_432 : i32
      %add3A_434 = arith.constant 48 : i32
      %add3A_435 = arith.addi %mul3A_433, %add3A_434 : i32
      %swap3A_436 = arith.index_cast %add3A_435 : i32 to index
      %swap3A_437 = tpu.vector_load %arg10[%swap3A_436] {strides = array<i32>} : memref<16384xi32, #tpu.memory_space<vmem>>, vector<16xi32>,
      %swap3A_438 = vector.shape_cast %swap3A_437 : vector<16xi32> to vector<16xi32>
      %swap3A_439 = vector.shape_cast %get3A_431 : vector<16xi32> to vector<16xi32>
      tpu.vector_store %arg10[%swap3A_436], %swap3A_439 {strides = array<i32>} : memref<16384xi32, #tpu.memory_space<vmem>>, vector<16xi32>,
      %add3A_440 = arith.constant 6 : i32
      %add3A_441 = arith.addi %mul3A_54, %add3A_440 : i32
      %slice3A_442 = vector.extract_strided_slice %get3A_59 {offsets = [6], sizes = [1], strides = [1]} : vector<16xi32> to vector<1xi32>
      %squeeze3A_443 = vector.extract %slice3A_442[0] : i32 from vector<1xi32>
      %ge3A_444 = arith.cmpi sge, %squeeze3A_443, %squeeze3A : i32
      %jit3A_445 = arith.constant 64 : i32
      %jit3A_446 = arith.constant 0 : i32
      %select_n3A_447 = arith.select %ge3A_444, %jit3A_445, %jit3A_446 : i32
      %add3A_448 = arith.constant 0 : i32
      %add3A_449 = arith.addi %select_n3A_447, %add3A_448 : i32
      %get3A_450 = arith.index_cast %add3A_441 : i32 to index
      %get3A_451 = arith.index_cast %add3A_449 : i32 to index
      %get3A_452 = tpu.vector_load %arg8[%get3A_450, %get3A_451] {strides = array<i32>} : memref<256x128xi32, #tpu.memory_space<vmem>>, vector<1x16xi32>,
      %get3A_453 = vector.shape_cast %get3A_452 : vector<1x16xi32> to vector<16xi32>
      %mul3A_454 = arith.constant 64 : i32
      %mul3A_455 = arith.muli %add3A_441, %mul3A_454 : i32
      %add3A_456 = arith.constant 0 : i32
      %add3A_457 = arith.addi %mul3A_455, %add3A_456 : i32
      %swap3A_458 = arith.index_cast %add3A_457 : i32 to index
      %swap3A_459 = tpu.vector_load %arg10[%swap3A_458] {strides = array<i32>} : memref<16384xi32, #tpu.memory_space<vmem>>, vector<16xi32>,
      %swap3A_460 = vector.shape_cast %swap3A_459 : vector<16xi32> to vector<16xi32>
      %swap3A_461 = vector.shape_cast %get3A_453 : vector<16xi32> to vector<16xi32>
      tpu.vector_store %arg10[%swap3A_458], %swap3A_461 {strides = array<i32>} : memref<16384xi32, #tpu.memory_space<vmem>>, vector<16xi32>,
      %add3A_462 = arith.constant 16 : i32
      %add3A_463 = arith.addi %select_n3A_447, %add3A_462 : i32
      %get3A_464 = arith.index_cast %add3A_441 : i32 to index
      %get3A_465 = arith.index_cast %add3A_463 : i32 to index
      %get3A_466 = tpu.vector_load %arg8[%get3A_464, %get3A_465] {strides = array<i32>} : memref<256x128xi32, #tpu.memory_space<vmem>>, vector<1x16xi32>,
      %get3A_467 = vector.shape_cast %get3A_466 : vector<1x16xi32> to vector<16xi32>
      %mul3A_468 = arith.constant 64 : i32
      %mul3A_469 = arith.muli %add3A_441, %mul3A_468 : i32
      %add3A_470 = arith.constant 16 : i32
      %add3A_471 = arith.addi %mul3A_469, %add3A_470 : i32
      %swap3A_472 = arith.index_cast %add3A_471 : i32 to index
      %swap3A_473 = tpu.vector_load %arg10[%swap3A_472] {strides = array<i32>} : memref<16384xi32, #tpu.memory_space<vmem>>, vector<16xi32>,
      %swap3A_474 = vector.shape_cast %swap3A_473 : vector<16xi32> to vector<16xi32>
      %swap3A_475 = vector.shape_cast %get3A_467 : vector<16xi32> to vector<16xi32>
      tpu.vector_store %arg10[%swap3A_472], %swap3A_475 {strides = array<i32>} : memref<16384xi32, #tpu.memory_space<vmem>>, vector<16xi32>,
      %add3A_476 = arith.constant 32 : i32
      %add3A_477 = arith.addi %select_n3A_447, %add3A_476 : i32
      %get3A_478 = arith.index_cast %add3A_441 : i32 to index
      %get3A_479 = arith.index_cast %add3A_477 : i32 to index
      %get3A_480 = tpu.vector_load %arg8[%get3A_478, %get3A_479] {strides = array<i32>} : memref<256x128xi32, #tpu.memory_space<vmem>>, vector<1x16xi32>,
      %get3A_481 = vector.shape_cast %get3A_480 : vector<1x16xi32> to vector<16xi32>
      %mul3A_482 = arith.constant 64 : i32
      %mul3A_483 = arith.muli %add3A_441, %mul3A_482 : i32
      %add3A_484 = arith.constant 32 : i32
      %add3A_485 = arith.addi %mul3A_483, %add3A_484 : i32
      %swap3A_486 = arith.index_cast %add3A_485 : i32 to index
      %swap3A_487 = tpu.vector_load %arg10[%swap3A_486] {strides = array<i32>} : memref<16384xi32, #tpu.memory_space<vmem>>, vector<16xi32>,
      %swap3A_488 = vector.shape_cast %swap3A_487 : vector<16xi32> to vector<16xi32>
      %swap3A_489 = vector.shape_cast %get3A_481 : vector<16xi32> to vector<16xi32>
      tpu.vector_store %arg10[%swap3A_486], %swap3A_489 {strides = array<i32>} : memref<16384xi32, #tpu.memory_space<vmem>>, vector<16xi32>,
      %add3A_490 = arith.constant 48 : i32
      %add3A_491 = arith.addi %select_n3A_447, %add3A_490 : i32
      %get3A_492 = arith.index_cast %add3A_441 : i32 to index
      %get3A_493 = arith.index_cast %add3A_491 : i32 to index
      %get3A_494 = tpu.vector_load %arg8[%get3A_492, %get3A_493] {strides = array<i32>} : memref<256x128xi32, #tpu.memory_space<vmem>>, vector<1x16xi32>,
      %get3A_495 = vector.shape_cast %get3A_494 : vector<1x16xi32> to vector<16xi32>
      %mul3A_496 = arith.constant 64 : i32
      %mul3A_497 = arith.muli %add3A_441, %mul3A_496 : i32
      %add3A_498 = arith.constant 48 : i32
      %add3A_499 = arith.addi %mul3A_497, %add3A_498 : i32
      %swap3A_500 = arith.index_cast %add3A_499 : i32 to index
      %swap3A_501 = tpu.vector_load %arg10[%swap3A_500] {strides = array<i32>} : memref<16384xi32, #tpu.memory_space<vmem>>, vector<16xi32>,
      %swap3A_502 = vector.shape_cast %swap3A_501 : vector<16xi32> to vector<16xi32>
      %swap3A_503 = vector.shape_cast %get3A_495 : vector<16xi32> to vector<16xi32>
      tpu.vector_store %arg10[%swap3A_500], %swap3A_503 {strides = array<i32>} : memref<16384xi32, #tpu.memory_space<vmem>>, vector<16xi32>,
      %add3A_504 = arith.constant 7 : i32
      %add3A_505 = arith.addi %mul3A_54, %add3A_504 : i32
      %slice3A_506 = vector.extract_strided_slice %get3A_59 {offsets = [7], sizes = [1], strides = [1]} : vector<16xi32> to vector<1xi32>
      %squeeze3A_507 = vector.extract %slice3A_506[0] : i32 from vector<1xi32>
      %ge3A_508 = arith.cmpi sge, %squeeze3A_507, %squeeze3A : i32
      %jit3A_509 = arith.constant 64 : i32
      %jit3A_510 = arith.constant 0 : i32
      %select_n3A_511 = arith.select %ge3A_508, %jit3A_509, %jit3A_510 : i32
      %add3A_512 = arith.constant 0 : i32
      %add3A_513 = arith.addi %select_n3A_511, %add3A_512 : i32
      %get3A_514 = arith.index_cast %add3A_505 : i32 to index
      %get3A_515 = arith.index_cast %add3A_513 : i32 to index
      %get3A_516 = tpu.vector_load %arg8[%get3A_514, %get3A_515] {strides = array<i32>} : memref<256x128xi32, #tpu.memory_space<vmem>>, vector<1x16xi32>,
      %get3A_517 = vector.shape_cast %get3A_516 : vector<1x16xi32> to vector<16xi32>
      %mul3A_518 = arith.constant 64 : i32
      %mul3A_519 = arith.muli %add3A_505, %mul3A_518 : i32
      %add3A_520 = arith.constant 0 : i32
      %add3A_521 = arith.addi %mul3A_519, %add3A_520 : i32
      %swap3A_522 = arith.index_cast %add3A_521 : i32 to index
      %swap3A_523 = tpu.vector_load %arg10[%swap3A_522] {strides = array<i32>} : memref<16384xi32, #tpu.memory_space<vmem>>, vector<16xi32>,
      %swap3A_524 = vector.shape_cast %swap3A_523 : vector<16xi32> to vector<16xi32>
      %swap3A_525 = vector.shape_cast %get3A_517 : vector<16xi32> to vector<16xi32>
      tpu.vector_store %arg10[%swap3A_522], %swap3A_525 {strides = array<i32>} : memref<16384xi32, #tpu.memory_space<vmem>>, vector<16xi32>,
      %add3A_526 = arith.constant 16 : i32
      %add3A_527 = arith.addi %select_n3A_511, %add3A_526 : i32
      %get3A_528 = arith.index_cast %add3A_505 : i32 to index
      %get3A_529 = arith.index_cast %add3A_527 : i32 to index
      %get3A_530 = tpu.vector_load %arg8[%get3A_528, %get3A_529] {strides = array<i32>} : memref<256x128xi32, #tpu.memory_space<vmem>>, vector<1x16xi32>,
      %get3A_531 = vector.shape_cast %get3A_530 : vector<1x16xi32> to vector<16xi32>
      %mul3A_532 = arith.constant 64 : i32
      %mul3A_533 = arith.muli %add3A_505, %mul3A_532 : i32
      %add3A_534 = arith.constant 16 : i32
      %add3A_535 = arith.addi %mul3A_533, %add3A_534 : i32
      %swap3A_536 = arith.index_cast %add3A_535 : i32 to index
      %swap3A_537 = tpu.vector_load %arg10[%swap3A_536] {strides = array<i32>} : memref<16384xi32, #tpu.memory_space<vmem>>, vector<16xi32>,
      %swap3A_538 = vector.shape_cast %swap3A_537 : vector<16xi32> to vector<16xi32>
      %swap3A_539 = vector.shape_cast %get3A_531 : vector<16xi32> to vector<16xi32>
      tpu.vector_store %arg10[%swap3A_536], %swap3A_539 {strides = array<i32>} : memref<16384xi32, #tpu.memory_space<vmem>>, vector<16xi32>,
      %add3A_540 = arith.constant 32 : i32
      %add3A_541 = arith.addi %select_n3A_511, %add3A_540 : i32
      %get3A_542 = arith.index_cast %add3A_505 : i32 to index
      %get3A_543 = arith.index_cast %add3A_541 : i32 to index
      %get3A_544 = tpu.vector_load %arg8[%get3A_542, %get3A_543] {strides = array<i32>} : memref<256x128xi32, #tpu.memory_space<vmem>>, vector<1x16xi32>,
      %get3A_545 = vector.shape_cast %get3A_544 : vector<1x16xi32> to vector<16xi32>
      %mul3A_546 = arith.constant 64 : i32
      %mul3A_547 = arith.muli %add3A_505, %mul3A_546 : i32
      %add3A_548 = arith.constant 32 : i32
      %add3A_549 = arith.addi %mul3A_547, %add3A_548 : i32
      %swap3A_550 = arith.index_cast %add3A_549 : i32 to index
      %swap3A_551 = tpu.vector_load %arg10[%swap3A_550] {strides = array<i32>} : memref<16384xi32, #tpu.memory_space<vmem>>, vector<16xi32>,
      %swap3A_552 = vector.shape_cast %swap3A_551 : vector<16xi32> to vector<16xi32>
      %swap3A_553 = vector.shape_cast %get3A_545 : vector<16xi32> to vector<16xi32>
      tpu.vector_store %arg10[%swap3A_550], %swap3A_553 {strides = array<i32>} : memref<16384xi32, #tpu.memory_space<vmem>>, vector<16xi32>,
      %add3A_554 = arith.constant 48 : i32
      %add3A_555 = arith.addi %select_n3A_511, %add3A_554 : i32
      %get3A_556 = arith.index_cast %add3A_505 : i32 to index
      %get3A_557 = arith.index_cast %add3A_555 : i32 to index
      %get3A_558 = tpu.vector_load %arg8[%get3A_556, %get3A_557] {strides = array<i32>} : memref<256x128xi32, #tpu.memory_space<vmem>>, vector<1x16xi32>,
      %get3A_559 = vector.shape_cast %get3A_558 : vector<1x16xi32> to vector<16xi32>
      %mul3A_560 = arith.constant 64 : i32
      %mul3A_561 = arith.muli %add3A_505, %mul3A_560 : i32
      %add3A_562 = arith.constant 48 : i32
      %add3A_563 = arith.addi %mul3A_561, %add3A_562 : i32
      %swap3A_564 = arith.index_cast %add3A_563 : i32 to index
      %swap3A_565 = tpu.vector_load %arg10[%swap3A_564] {strides = array<i32>} : memref<16384xi32, #tpu.memory_space<vmem>>, vector<16xi32>,
      %swap3A_566 = vector.shape_cast %swap3A_565 : vector<16xi32> to vector<16xi32>
      %swap3A_567 = vector.shape_cast %get3A_559 : vector<16xi32> to vector<16xi32>
      tpu.vector_store %arg10[%swap3A_564], %swap3A_567 {strides = array<i32>} : memref<16384xi32, #tpu.memory_space<vmem>>, vector<16xi32>,
      %add3A_568 = arith.constant 8 : i32
      %add3A_569 = arith.addi %mul3A_54, %add3A_568 : i32
      %slice3A_570 = vector.extract_strided_slice %get3A_59 {offsets = [8], sizes = [1], strides = [1]} : vector<16xi32> to vector<1xi32>
      %squeeze3A_571 = vector.extract %slice3A_570[0] : i32 from vector<1xi32>
      %ge3A_572 = arith.cmpi sge, %squeeze3A_571, %squeeze3A : i32
      %jit3A_573 = arith.constant 64 : i32
      %jit3A_574 = arith.constant 0 : i32
      %select_n3A_575 = arith.select %ge3A_572, %jit3A_573, %jit3A_574 : i32
      %add3A_576 = arith.constant 0 : i32
      %add3A_577 = arith.addi %select_n3A_575, %add3A_576 : i32
      %get3A_578 = arith.index_cast %add3A_569 : i32 to index
      %get3A_579 = arith.index_cast %add3A_577 : i32 to index
      %get3A_580 = tpu.vector_load %arg8[%get3A_578, %get3A_579] {strides = array<i32>} : memref<256x128xi32, #tpu.memory_space<vmem>>, vector<1x16xi32>,
      %get3A_581 = vector.shape_cast %get3A_580 : vector<1x16xi32> to vector<16xi32>
      %mul3A_582 = arith.constant 64 : i32
      %mul3A_583 = arith.muli %add3A_569, %mul3A_582 : i32
      %add3A_584 = arith.constant 0 : i32
      %add3A_585 = arith.addi %mul3A_583, %add3A_584 : i32
      %swap3A_586 = arith.index_cast %add3A_585 : i32 to index
      %swap3A_587 = tpu.vector_load %arg10[%swap3A_586] {strides = array<i32>} : memref<16384xi32, #tpu.memory_space<vmem>>, vector<16xi32>,
      %swap3A_588 = vector.shape_cast %swap3A_587 : vector<16xi32> to vector<16xi32>
      %swap3A_589 = vector.shape_cast %get3A_581 : vector<16xi32> to vector<16xi32>
      tpu.vector_store %arg10[%swap3A_586], %swap3A_589 {strides = array<i32>} : memref<16384xi32, #tpu.memory_space<vmem>>, vector<16xi32>,
      %add3A_590 = arith.constant 16 : i32
      %add3A_591 = arith.addi %select_n3A_575, %add3A_590 : i32
      %get3A_592 = arith.index_cast %add3A_569 : i32 to index
      %get3A_593 = arith.index_cast %add3A_591 : i32 to index
      %get3A_594 = tpu.vector_load %arg8[%get3A_592, %get3A_593] {strides = array<i32>} : memref<256x128xi32, #tpu.memory_space<vmem>>, vector<1x16xi32>,
      %get3A_595 = vector.shape_cast %get3A_594 : vector<1x16xi32> to vector<16xi32>
      %mul3A_596 = arith.constant 64 : i32
      %mul3A_597 = arith.muli %add3A_569, %mul3A_596 : i32
      %add3A_598 = arith.constant 16 : i32
      %add3A_599 = arith.addi %mul3A_597, %add3A_598 : i32
      %swap3A_600 = arith.index_cast %add3A_599 : i32 to index
      %swap3A_601 = tpu.vector_load %arg10[%swap3A_600] {strides = array<i32>} : memref<16384xi32, #tpu.memory_space<vmem>>, vector<16xi32>,
      %swap3A_602 = vector.shape_cast %swap3A_601 : vector<16xi32> to vector<16xi32>
      %swap3A_603 = vector.shape_cast %get3A_595 : vector<16xi32> to vector<16xi32>
      tpu.vector_store %arg10[%swap3A_600], %swap3A_603 {strides = array<i32>} : memref<16384xi32, #tpu.memory_space<vmem>>, vector<16xi32>,
      %add3A_604 = arith.constant 32 : i32
      %add3A_605 = arith.addi %select_n3A_575, %add3A_604 : i32
      %get3A_606 = arith.index_cast %add3A_569 : i32 to index
      %get3A_607 = arith.index_cast %add3A_605 : i32 to index
      %get3A_608 = tpu.vector_load %arg8[%get3A_606, %get3A_607] {strides = array<i32>} : memref<256x128xi32, #tpu.memory_space<vmem>>, vector<1x16xi32>,
      %get3A_609 = vector.shape_cast %get3A_608 : vector<1x16xi32> to vector<16xi32>
      %mul3A_610 = arith.constant 64 : i32
      %mul3A_611 = arith.muli %add3A_569, %mul3A_610 : i32
      %add3A_612 = arith.constant 32 : i32
      %add3A_613 = arith.addi %mul3A_611, %add3A_612 : i32
      %swap3A_614 = arith.index_cast %add3A_613 : i32 to index
      %swap3A_615 = tpu.vector_load %arg10[%swap3A_614] {strides = array<i32>} : memref<16384xi32, #tpu.memory_space<vmem>>, vector<16xi32>,
      %swap3A_616 = vector.shape_cast %swap3A_615 : vector<16xi32> to vector<16xi32>
      %swap3A_617 = vector.shape_cast %get3A_609 : vector<16xi32> to vector<16xi32>
      tpu.vector_store %arg10[%swap3A_614], %swap3A_617 {strides = array<i32>} : memref<16384xi32, #tpu.memory_space<vmem>>, vector<16xi32>,
      %add3A_618 = arith.constant 48 : i32
      %add3A_619 = arith.addi %select_n3A_575, %add3A_618 : i32
      %get3A_620 = arith.index_cast %add3A_569 : i32 to index
      %get3A_621 = arith.index_cast %add3A_619 : i32 to index
      %get3A_622 = tpu.vector_load %arg8[%get3A_620, %get3A_621] {strides = array<i32>} : memref<256x128xi32, #tpu.memory_space<vmem>>, vector<1x16xi32>,
      %get3A_623 = vector.shape_cast %get3A_622 : vector<1x16xi32> to vector<16xi32>
      %mul3A_624 = arith.constant 64 : i32
      %mul3A_625 = arith.muli %add3A_569, %mul3A_624 : i32
      %add3A_626 = arith.constant 48 : i32
      %add3A_627 = arith.addi %mul3A_625, %add3A_626 : i32
      %swap3A_628 = arith.index_cast %add3A_627 : i32 to index
      %swap3A_629 = tpu.vector_load %arg10[%swap3A_628] {strides = array<i32>} : memref<16384xi32, #tpu.memory_space<vmem>>, vector<16xi32>,
      %swap3A_630 = vector.shape_cast %swap3A_629 : vector<16xi32> to vector<16xi32>
      %swap3A_631 = vector.shape_cast %get3A_623 : vector<16xi32> to vector<16xi32>
      tpu.vector_store %arg10[%swap3A_628], %swap3A_631 {strides = array<i32>} : memref<16384xi32, #tpu.memory_space<vmem>>, vector<16xi32>,
      %add3A_632 = arith.constant 9 : i32
      %add3A_633 = arith.addi %mul3A_54, %add3A_632 : i32
      %slice3A_634 = vector.extract_strided_slice %get3A_59 {offsets = [9], sizes = [1], strides = [1]} : vector<16xi32> to vector<1xi32>
      %squeeze3A_635 = vector.extract %slice3A_634[0] : i32 from vector<1xi32>
      %ge3A_636 = arith.cmpi sge, %squeeze3A_635, %squeeze3A : i32
      %jit3A_637 = arith.constant 64 : i32
      %jit3A_638 = arith.constant 0 : i32
      %select_n3A_639 = arith.select %ge3A_636, %jit3A_637, %jit3A_638 : i32
      %add3A_640 = arith.constant 0 : i32
      %add3A_641 = arith.addi %select_n3A_639, %add3A_640 : i32
      %get3A_642 = arith.index_cast %add3A_633 : i32 to index
      %get3A_643 = arith.index_cast %add3A_641 : i32 to index
      %get3A_644 = tpu.vector_load %arg8[%get3A_642, %get3A_643] {strides = array<i32>} : memref<256x128xi32, #tpu.memory_space<vmem>>, vector<1x16xi32>,
      %get3A_645 = vector.shape_cast %get3A_644 : vector<1x16xi32> to vector<16xi32>
      %mul3A_646 = arith.constant 64 : i32
      %mul3A_647 = arith.muli %add3A_633, %mul3A_646 : i32
      %add3A_648 = arith.constant 0 : i32
      %add3A_649 = arith.addi %mul3A_647, %add3A_648 : i32
      %swap3A_650 = arith.index_cast %add3A_649 : i32 to index
      %swap3A_651 = tpu.vector_load %arg10[%swap3A_650] {strides = array<i32>} : memref<16384xi32, #tpu.memory_space<vmem>>, vector<16xi32>,
      %swap3A_652 = vector.shape_cast %swap3A_651 : vector<16xi32> to vector<16xi32>
      %swap3A_653 = vector.shape_cast %get3A_645 : vector<16xi32> to vector<16xi32>
      tpu.vector_store %arg10[%swap3A_650], %swap3A_653 {strides = array<i32>} : memref<16384xi32, #tpu.memory_space<vmem>>, vector<16xi32>,
      %add3A_654 = arith.constant 16 : i32
      %add3A_655 = arith.addi %select_n3A_639, %add3A_654 : i32
      %get3A_656 = arith.index_cast %add3A_633 : i32 to index
      %get3A_657 = arith.index_cast %add3A_655 : i32 to index
      %get3A_658 = tpu.vector_load %arg8[%get3A_656, %get3A_657] {strides = array<i32>} : memref<256x128xi32, #tpu.memory_space<vmem>>, vector<1x16xi32>,
      %get3A_659 = vector.shape_cast %get3A_658 : vector<1x16xi32> to vector<16xi32>
      %mul3A_660 = arith.constant 64 : i32
      %mul3A_661 = arith.muli %add3A_633, %mul3A_660 : i32
      %add3A_662 = arith.constant 16 : i32
      %add3A_663 = arith.addi %mul3A_661, %add3A_662 : i32
      %swap3A_664 = arith.index_cast %add3A_663 : i32 to index
      %swap3A_665 = tpu.vector_load %arg10[%swap3A_664] {strides = array<i32>} : memref<16384xi32, #tpu.memory_space<vmem>>, vector<16xi32>,
      %swap3A_666 = vector.shape_cast %swap3A_665 : vector<16xi32> to vector<16xi32>
      %swap3A_667 = vector.shape_cast %get3A_659 : vector<16xi32> to vector<16xi32>
      tpu.vector_store %arg10[%swap3A_664], %swap3A_667 {strides = array<i32>} : memref<16384xi32, #tpu.memory_space<vmem>>, vector<16xi32>,
      %add3A_668 = arith.constant 32 : i32
      %add3A_669 = arith.addi %select_n3A_639, %add3A_668 : i32
      %get3A_670 = arith.index_cast %add3A_633 : i32 to index
      %get3A_671 = arith.index_cast %add3A_669 : i32 to index
      %get3A_672 = tpu.vector_load %arg8[%get3A_670, %get3A_671] {strides = array<i32>} : memref<256x128xi32, #tpu.memory_space<vmem>>, vector<1x16xi32>,
      %get3A_673 = vector.shape_cast %get3A_672 : vector<1x16xi32> to vector<16xi32>
      %mul3A_674 = arith.constant 64 : i32
      %mul3A_675 = arith.muli %add3A_633, %mul3A_674 : i32
      %add3A_676 = arith.constant 32 : i32
      %add3A_677 = arith.addi %mul3A_675, %add3A_676 : i32
      %swap3A_678 = arith.index_cast %add3A_677 : i32 to index
      %swap3A_679 = tpu.vector_load %arg10[%swap3A_678] {strides = array<i32>} : memref<16384xi32, #tpu.memory_space<vmem>>, vector<16xi32>,
      %swap3A_680 = vector.shape_cast %swap3A_679 : vector<16xi32> to vector<16xi32>
      %swap3A_681 = vector.shape_cast %get3A_673 : vector<16xi32> to vector<16xi32>
      tpu.vector_store %arg10[%swap3A_678], %swap3A_681 {strides = array<i32>} : memref<16384xi32, #tpu.memory_space<vmem>>, vector<16xi32>,
      %add3A_682 = arith.constant 48 : i32
      %add3A_683 = arith.addi %select_n3A_639, %add3A_682 : i32
      %get3A_684 = arith.index_cast %add3A_633 : i32 to index
      %get3A_685 = arith.index_cast %add3A_683 : i32 to index
      %get3A_686 = tpu.vector_load %arg8[%get3A_684, %get3A_685] {strides = array<i32>} : memref<256x128xi32, #tpu.memory_space<vmem>>, vector<1x16xi32>,
      %get3A_687 = vector.shape_cast %get3A_686 : vector<1x16xi32> to vector<16xi32>
      %mul3A_688 = arith.constant 64 : i32
      %mul3A_689 = arith.muli %add3A_633, %mul3A_688 : i32
      %add3A_690 = arith.constant 48 : i32
      %add3A_691 = arith.addi %mul3A_689, %add3A_690 : i32
      %swap3A_692 = arith.index_cast %add3A_691 : i32 to index
      %swap3A_693 = tpu.vector_load %arg10[%swap3A_692] {strides = array<i32>} : memref<16384xi32, #tpu.memory_space<vmem>>, vector<16xi32>,
      %swap3A_694 = vector.shape_cast %swap3A_693 : vector<16xi32> to vector<16xi32>
      %swap3A_695 = vector.shape_cast %get3A_687 : vector<16xi32> to vector<16xi32>
      tpu.vector_store %arg10[%swap3A_692], %swap3A_695 {strides = array<i32>} : memref<16384xi32, #tpu.memory_space<vmem>>, vector<16xi32>,
      %add3A_696 = arith.constant 10 : i32
      %add3A_697 = arith.addi %mul3A_54, %add3A_696 : i32
      %slice3A_698 = vector.extract_strided_slice %get3A_59 {offsets = [10], sizes = [1], strides = [1]} : vector<16xi32> to vector<1xi32>
      %squeeze3A_699 = vector.extract %slice3A_698[0] : i32 from vector<1xi32>
      %ge3A_700 = arith.cmpi sge, %squeeze3A_699, %squeeze3A : i32
      %jit3A_701 = arith.constant 64 : i32
      %jit3A_702 = arith.constant 0 : i32
      %select_n3A_703 = arith.select %ge3A_700, %jit3A_701, %jit3A_702 : i32
      %add3A_704 = arith.constant 0 : i32
      %add3A_705 = arith.addi %select_n3A_703, %add3A_704 : i32
      %get3A_706 = arith.index_cast %add3A_697 : i32 to index
      %get3A_707 = arith.index_cast %add3A_705 : i32 to index
      %get3A_708 = tpu.vector_load %arg8[%get3A_706, %get3A_707] {strides = array<i32>} : memref<256x128xi32, #tpu.memory_space<vmem>>, vector<1x16xi32>,
      %get3A_709 = vector.shape_cast %get3A_708 : vector<1x16xi32> to vector<16xi32>
      %mul3A_710 = arith.constant 64 : i32
      %mul3A_711 = arith.muli %add3A_697, %mul3A_710 : i32
      %add3A_712 = arith.constant 0 : i32
      %add3A_713 = arith.addi %mul3A_711, %add3A_712 : i32
      %swap3A_714 = arith.index_cast %add3A_713 : i32 to index
      %swap3A_715 = tpu.vector_load %arg10[%swap3A_714] {strides = array<i32>} : memref<16384xi32, #tpu.memory_space<vmem>>, vector<16xi32>,
      %swap3A_716 = vector.shape_cast %swap3A_715 : vector<16xi32> to vector<16xi32>
      %swap3A_717 = vector.shape_cast %get3A_709 : vector<16xi32> to vector<16xi32>
      tpu.vector_store %arg10[%swap3A_714], %swap3A_717 {strides = array<i32>} : memref<16384xi32, #tpu.memory_space<vmem>>, vector<16xi32>,
      %add3A_718 = arith.constant 16 : i32
      %add3A_719 = arith.addi %select_n3A_703, %add3A_718 : i32
      %get3A_720 = arith.index_cast %add3A_697 : i32 to index
      %get3A_721 = arith.index_cast %add3A_719 : i32 to index
      %get3A_722 = tpu.vector_load %arg8[%get3A_720, %get3A_721] {strides = array<i32>} : memref<256x128xi32, #tpu.memory_space<vmem>>, vector<1x16xi32>,
      %get3A_723 = vector.shape_cast %get3A_722 : vector<1x16xi32> to vector<16xi32>
      %mul3A_724 = arith.constant 64 : i32
      %mul3A_725 = arith.muli %add3A_697, %mul3A_724 : i32
      %add3A_726 = arith.constant 16 : i32
      %add3A_727 = arith.addi %mul3A_725, %add3A_726 : i32
      %swap3A_728 = arith.index_cast %add3A_727 : i32 to index
      %swap3A_729 = tpu.vector_load %arg10[%swap3A_728] {strides = array<i32>} : memref<16384xi32, #tpu.memory_space<vmem>>, vector<16xi32>,
      %swap3A_730 = vector.shape_cast %swap3A_729 : vector<16xi32> to vector<16xi32>
      %swap3A_731 = vector.shape_cast %get3A_723 : vector<16xi32> to vector<16xi32>
      tpu.vector_store %arg10[%swap3A_728], %swap3A_731 {strides = array<i32>} : memref<16384xi32, #tpu.memory_space<vmem>>, vector<16xi32>,
      %add3A_732 = arith.constant 32 : i32
      %add3A_733 = arith.addi %select_n3A_703, %add3A_732 : i32
      %get3A_734 = arith.index_cast %add3A_697 : i32 to index
      %get3A_735 = arith.index_cast %add3A_733 : i32 to index
      %get3A_736 = tpu.vector_load %arg8[%get3A_734, %get3A_735] {strides = array<i32>} : memref<256x128xi32, #tpu.memory_space<vmem>>, vector<1x16xi32>,
      %get3A_737 = vector.shape_cast %get3A_736 : vector<1x16xi32> to vector<16xi32>
      %mul3A_738 = arith.constant 64 : i32
      %mul3A_739 = arith.muli %add3A_697, %mul3A_738 : i32
      %add3A_740 = arith.constant 32 : i32
      %add3A_741 = arith.addi %mul3A_739, %add3A_740 : i32
      %swap3A_742 = arith.index_cast %add3A_741 : i32 to index
      %swap3A_743 = tpu.vector_load %arg10[%swap3A_742] {strides = array<i32>} : memref<16384xi32, #tpu.memory_space<vmem>>, vector<16xi32>,
      %swap3A_744 = vector.shape_cast %swap3A_743 : vector<16xi32> to vector<16xi32>
      %swap3A_745 = vector.shape_cast %get3A_737 : vector<16xi32> to vector<16xi32>
      tpu.vector_store %arg10[%swap3A_742], %swap3A_745 {strides = array<i32>} : memref<16384xi32, #tpu.memory_space<vmem>>, vector<16xi32>,
      %add3A_746 = arith.constant 48 : i32
      %add3A_747 = arith.addi %select_n3A_703, %add3A_746 : i32
      %get3A_748 = arith.index_cast %add3A_697 : i32 to index
      %get3A_749 = arith.index_cast %add3A_747 : i32 to index
      %get3A_750 = tpu.vector_load %arg8[%get3A_748, %get3A_749] {strides = array<i32>} : memref<256x128xi32, #tpu.memory_space<vmem>>, vector<1x16xi32>,
      %get3A_751 = vector.shape_cast %get3A_750 : vector<1x16xi32> to vector<16xi32>
      %mul3A_752 = arith.constant 64 : i32
      %mul3A_753 = arith.muli %add3A_697, %mul3A_752 : i32
      %add3A_754 = arith.constant 48 : i32
      %add3A_755 = arith.addi %mul3A_753, %add3A_754 : i32
      %swap3A_756 = arith.index_cast %add3A_755 : i32 to index
      %swap3A_757 = tpu.vector_load %arg10[%swap3A_756] {strides = array<i32>} : memref<16384xi32, #tpu.memory_space<vmem>>, vector<16xi32>,
      %swap3A_758 = vector.shape_cast %swap3A_757 : vector<16xi32> to vector<16xi32>
      %swap3A_759 = vector.shape_cast %get3A_751 : vector<16xi32> to vector<16xi32>
      tpu.vector_store %arg10[%swap3A_756], %swap3A_759 {strides = array<i32>} : memref<16384xi32, #tpu.memory_space<vmem>>, vector<16xi32>,
      %add3A_760 = arith.constant 11 : i32
      %add3A_761 = arith.addi %mul3A_54, %add3A_760 : i32
      %slice3A_762 = vector.extract_strided_slice %get3A_59 {offsets = [11], sizes = [1], strides = [1]} : vector<16xi32> to vector<1xi32>
      %squeeze3A_763 = vector.extract %slice3A_762[0] : i32 from vector<1xi32>
      %ge3A_764 = arith.cmpi sge, %squeeze3A_763, %squeeze3A : i32
      %jit3A_765 = arith.constant 64 : i32
      %jit3A_766 = arith.constant 0 : i32
      %select_n3A_767 = arith.select %ge3A_764, %jit3A_765, %jit3A_766 : i32
      %add3A_768 = arith.constant 0 : i32
      %add3A_769 = arith.addi %select_n3A_767, %add3A_768 : i32
      %get3A_770 = arith.index_cast %add3A_761 : i32 to index
      %get3A_771 = arith.index_cast %add3A_769 : i32 to index
      %get3A_772 = tpu.vector_load %arg8[%get3A_770, %get3A_771] {strides = array<i32>} : memref<256x128xi32, #tpu.memory_space<vmem>>, vector<1x16xi32>,
      %get3A_773 = vector.shape_cast %get3A_772 : vector<1x16xi32> to vector<16xi32>
      %mul3A_774 = arith.constant 64 : i32
      %mul3A_775 = arith.muli %add3A_761, %mul3A_774 : i32
      %add3A_776 = arith.constant 0 : i32
      %add3A_777 = arith.addi %mul3A_775, %add3A_776 : i32
      %swap3A_778 = arith.index_cast %add3A_777 : i32 to index
      %swap3A_779 = tpu.vector_load %arg10[%swap3A_778] {strides = array<i32>} : memref<16384xi32, #tpu.memory_space<vmem>>, vector<16xi32>,
      %swap3A_780 = vector.shape_cast %swap3A_779 : vector<16xi32> to vector<16xi32>
      %swap3A_781 = vector.shape_cast %get3A_773 : vector<16xi32> to vector<16xi32>
      tpu.vector_store %arg10[%swap3A_778], %swap3A_781 {strides = array<i32>} : memref<16384xi32, #tpu.memory_space<vmem>>, vector<16xi32>,
      %add3A_782 = arith.constant 16 : i32
      %add3A_783 = arith.addi %select_n3A_767, %add3A_782 : i32
      %get3A_784 = arith.index_cast %add3A_761 : i32 to index
      %get3A_785 = arith.index_cast %add3A_783 : i32 to index
      %get3A_786 = tpu.vector_load %arg8[%get3A_784, %get3A_785] {strides = array<i32>} : memref<256x128xi32, #tpu.memory_space<vmem>>, vector<1x16xi32>,
      %get3A_787 = vector.shape_cast %get3A_786 : vector<1x16xi32> to vector<16xi32>
      %mul3A_788 = arith.constant 64 : i32
      %mul3A_789 = arith.muli %add3A_761, %mul3A_788 : i32
      %add3A_790 = arith.constant 16 : i32
      %add3A_791 = arith.addi %mul3A_789, %add3A_790 : i32
      %swap3A_792 = arith.index_cast %add3A_791 : i32 to index
      %swap3A_793 = tpu.vector_load %arg10[%swap3A_792] {strides = array<i32>} : memref<16384xi32, #tpu.memory_space<vmem>>, vector<16xi32>,
      %swap3A_794 = vector.shape_cast %swap3A_793 : vector<16xi32> to vector<16xi32>
      %swap3A_795 = vector.shape_cast %get3A_787 : vector<16xi32> to vector<16xi32>
      tpu.vector_store %arg10[%swap3A_792], %swap3A_795 {strides = array<i32>} : memref<16384xi32, #tpu.memory_space<vmem>>, vector<16xi32>,
      %add3A_796 = arith.constant 32 : i32
      %add3A_797 = arith.addi %select_n3A_767, %add3A_796 : i32
      %get3A_798 = arith.index_cast %add3A_761 : i32 to index
      %get3A_799 = arith.index_cast %add3A_797 : i32 to index
      %get3A_800 = tpu.vector_load %arg8[%get3A_798, %get3A_799] {strides = array<i32>} : memref<256x128xi32, #tpu.memory_space<vmem>>, vector<1x16xi32>,
      %get3A_801 = vector.shape_cast %get3A_800 : vector<1x16xi32> to vector<16xi32>
      %mul3A_802 = arith.constant 64 : i32
      %mul3A_803 = arith.muli %add3A_761, %mul3A_802 : i32
      %add3A_804 = arith.constant 32 : i32
      %add3A_805 = arith.addi %mul3A_803, %add3A_804 : i32
      %swap3A_806 = arith.index_cast %add3A_805 : i32 to index
      %swap3A_807 = tpu.vector_load %arg10[%swap3A_806] {strides = array<i32>} : memref<16384xi32, #tpu.memory_space<vmem>>, vector<16xi32>,
      %swap3A_808 = vector.shape_cast %swap3A_807 : vector<16xi32> to vector<16xi32>
      %swap3A_809 = vector.shape_cast %get3A_801 : vector<16xi32> to vector<16xi32>
      tpu.vector_store %arg10[%swap3A_806], %swap3A_809 {strides = array<i32>} : memref<16384xi32, #tpu.memory_space<vmem>>, vector<16xi32>,
      %add3A_810 = arith.constant 48 : i32
      %add3A_811 = arith.addi %select_n3A_767, %add3A_810 : i32
      %get3A_812 = arith.index_cast %add3A_761 : i32 to index
      %get3A_813 = arith.index_cast %add3A_811 : i32 to index
      %get3A_814 = tpu.vector_load %arg8[%get3A_812, %get3A_813] {strides = array<i32>} : memref<256x128xi32, #tpu.memory_space<vmem>>, vector<1x16xi32>,
      %get3A_815 = vector.shape_cast %get3A_814 : vector<1x16xi32> to vector<16xi32>
      %mul3A_816 = arith.constant 64 : i32
      %mul3A_817 = arith.muli %add3A_761, %mul3A_816 : i32
      %add3A_818 = arith.constant 48 : i32
      %add3A_819 = arith.addi %mul3A_817, %add3A_818 : i32
      %swap3A_820 = arith.index_cast %add3A_819 : i32 to index
      %swap3A_821 = tpu.vector_load %arg10[%swap3A_820] {strides = array<i32>} : memref<16384xi32, #tpu.memory_space<vmem>>, vector<16xi32>,
      %swap3A_822 = vector.shape_cast %swap3A_821 : vector<16xi32> to vector<16xi32>
      %swap3A_823 = vector.shape_cast %get3A_815 : vector<16xi32> to vector<16xi32>
      tpu.vector_store %arg10[%swap3A_820], %swap3A_823 {strides = array<i32>} : memref<16384xi32, #tpu.memory_space<vmem>>, vector<16xi32>,
      %add3A_824 = arith.constant 12 : i32
      %add3A_825 = arith.addi %mul3A_54, %add3A_824 : i32
      %slice3A_826 = vector.extract_strided_slice %get3A_59 {offsets = [12], sizes = [1], strides = [1]} : vector<16xi32> to vector<1xi32>
      %squeeze3A_827 = vector.extract %slice3A_826[0] : i32 from vector<1xi32>
      %ge3A_828 = arith.cmpi sge, %squeeze3A_827, %squeeze3A : i32
      %jit3A_829 = arith.constant 64 : i32
      %jit3A_830 = arith.constant 0 : i32
      %select_n3A_831 = arith.select %ge3A_828, %jit3A_829, %jit3A_830 : i32
      %add3A_832 = arith.constant 0 : i32
      %add3A_833 = arith.addi %select_n3A_831, %add3A_832 : i32
      %get3A_834 = arith.index_cast %add3A_825 : i32 to index
      %get3A_835 = arith.index_cast %add3A_833 : i32 to index
      %get3A_836 = tpu.vector_load %arg8[%get3A_834, %get3A_835] {strides = array<i32>} : memref<256x128xi32, #tpu.memory_space<vmem>>, vector<1x16xi32>,
      %get3A_837 = vector.shape_cast %get3A_836 : vector<1x16xi32> to vector<16xi32>
      %mul3A_838 = arith.constant 64 : i32
      %mul3A_839 = arith.muli %add3A_825, %mul3A_838 : i32
      %add3A_840 = arith.constant 0 : i32
      %add3A_841 = arith.addi %mul3A_839, %add3A_840 : i32
      %swap3A_842 = arith.index_cast %add3A_841 : i32 to index
      %swap3A_843 = tpu.vector_load %arg10[%swap3A_842] {strides = array<i32>} : memref<16384xi32, #tpu.memory_space<vmem>>, vector<16xi32>,
      %swap3A_844 = vector.shape_cast %swap3A_843 : vector<16xi32> to vector<16xi32>
      %swap3A_845 = vector.shape_cast %get3A_837 : vector<16xi32> to vector<16xi32>
      tpu.vector_store %arg10[%swap3A_842], %swap3A_845 {strides = array<i32>} : memref<16384xi32, #tpu.memory_space<vmem>>, vector<16xi32>,
      %add3A_846 = arith.constant 16 : i32
      %add3A_847 = arith.addi %select_n3A_831, %add3A_846 : i32
      %get3A_848 = arith.index_cast %add3A_825 : i32 to index
      %get3A_849 = arith.index_cast %add3A_847 : i32 to index
      %get3A_850 = tpu.vector_load %arg8[%get3A_848, %get3A_849] {strides = array<i32>} : memref<256x128xi32, #tpu.memory_space<vmem>>, vector<1x16xi32>,
      %get3A_851 = vector.shape_cast %get3A_850 : vector<1x16xi32> to vector<16xi32>
      %mul3A_852 = arith.constant 64 : i32
      %mul3A_853 = arith.muli %add3A_825, %mul3A_852 : i32
      %add3A_854 = arith.constant 16 : i32
      %add3A_855 = arith.addi %mul3A_853, %add3A_854 : i32
      %swap3A_856 = arith.index_cast %add3A_855 : i32 to index
      %swap3A_857 = tpu.vector_load %arg10[%swap3A_856] {strides = array<i32>} : memref<16384xi32, #tpu.memory_space<vmem>>, vector<16xi32>,
      %swap3A_858 = vector.shape_cast %swap3A_857 : vector<16xi32> to vector<16xi32>
      %swap3A_859 = vector.shape_cast %get3A_851 : vector<16xi32> to vector<16xi32>
      tpu.vector_store %arg10[%swap3A_856], %swap3A_859 {strides = array<i32>} : memref<16384xi32, #tpu.memory_space<vmem>>, vector<16xi32>,
      %add3A_860 = arith.constant 32 : i32
      %add3A_861 = arith.addi %select_n3A_831, %add3A_860 : i32
      %get3A_862 = arith.index_cast %add3A_825 : i32 to index
      %get3A_863 = arith.index_cast %add3A_861 : i32 to index
      %get3A_864 = tpu.vector_load %arg8[%get3A_862, %get3A_863] {strides = array<i32>} : memref<256x128xi32, #tpu.memory_space<vmem>>, vector<1x16xi32>,
      %get3A_865 = vector.shape_cast %get3A_864 : vector<1x16xi32> to vector<16xi32>
      %mul3A_866 = arith.constant 64 : i32
      %mul3A_867 = arith.muli %add3A_825, %mul3A_866 : i32
      %add3A_868 = arith.constant 32 : i32
      %add3A_869 = arith.addi %mul3A_867, %add3A_868 : i32
      %swap3A_870 = arith.index_cast %add3A_869 : i32 to index
      %swap3A_871 = tpu.vector_load %arg10[%swap3A_870] {strides = array<i32>} : memref<16384xi32, #tpu.memory_space<vmem>>, vector<16xi32>,
      %swap3A_872 = vector.shape_cast %swap3A_871 : vector<16xi32> to vector<16xi32>
      %swap3A_873 = vector.shape_cast %get3A_865 : vector<16xi32> to vector<16xi32>
      tpu.vector_store %arg10[%swap3A_870], %swap3A_873 {strides = array<i32>} : memref<16384xi32, #tpu.memory_space<vmem>>, vector<16xi32>,
      %add3A_874 = arith.constant 48 : i32
      %add3A_875 = arith.addi %select_n3A_831, %add3A_874 : i32
      %get3A_876 = arith.index_cast %add3A_825 : i32 to index
      %get3A_877 = arith.index_cast %add3A_875 : i32 to index
      %get3A_878 = tpu.vector_load %arg8[%get3A_876, %get3A_877] {strides = array<i32>} : memref<256x128xi32, #tpu.memory_space<vmem>>, vector<1x16xi32>,
      %get3A_879 = vector.shape_cast %get3A_878 : vector<1x16xi32> to vector<16xi32>
      %mul3A_880 = arith.constant 64 : i32
      %mul3A_881 = arith.muli %add3A_825, %mul3A_880 : i32
      %add3A_882 = arith.constant 48 : i32
      %add3A_883 = arith.addi %mul3A_881, %add3A_882 : i32
      %swap3A_884 = arith.index_cast %add3A_883 : i32 to index
      %swap3A_885 = tpu.vector_load %arg10[%swap3A_884] {strides = array<i32>} : memref<16384xi32, #tpu.memory_space<vmem>>, vector<16xi32>,
      %swap3A_886 = vector.shape_cast %swap3A_885 : vector<16xi32> to vector<16xi32>
      %swap3A_887 = vector.shape_cast %get3A_879 : vector<16xi32> to vector<16xi32>
      tpu.vector_store %arg10[%swap3A_884], %swap3A_887 {strides = array<i32>} : memref<16384xi32, #tpu.memory_space<vmem>>, vector<16xi32>,
      %add3A_888 = arith.constant 13 : i32
      %add3A_889 = arith.addi %mul3A_54, %add3A_888 : i32
      %slice3A_890 = vector.extract_strided_slice %get3A_59 {offsets = [13], sizes = [1], strides = [1]} : vector<16xi32> to vector<1xi32>
      %squeeze3A_891 = vector.extract %slice3A_890[0] : i32 from vector<1xi32>
      %ge3A_892 = arith.cmpi sge, %squeeze3A_891, %squeeze3A : i32
      %jit3A_893 = arith.constant 64 : i32
      %jit3A_894 = arith.constant 0 : i32
      %select_n3A_895 = arith.select %ge3A_892, %jit3A_893, %jit3A_894 : i32
      %add3A_896 = arith.constant 0 : i32
      %add3A_897 = arith.addi %select_n3A_895, %add3A_896 : i32
      %get3A_898 = arith.index_cast %add3A_889 : i32 to index
      %get3A_899 = arith.index_cast %add3A_897 : i32 to index
      %get3A_900 = tpu.vector_load %arg8[%get3A_898, %get3A_899] {strides = array<i32>} : memref<256x128xi32, #tpu.memory_space<vmem>>, vector<1x16xi32>,
      %get3A_901 = vector.shape_cast %get3A_900 : vector<1x16xi32> to vector<16xi32>
      %mul3A_902 = arith.constant 64 : i32
      %mul3A_903 = arith.muli %add3A_889, %mul3A_902 : i32
      %add3A_904 = arith.constant 0 : i32
      %add3A_905 = arith.addi %mul3A_903, %add3A_904 : i32
      %swap3A_906 = arith.index_cast %add3A_905 : i32 to index
      %swap3A_907 = tpu.vector_load %arg10[%swap3A_906] {strides = array<i32>} : memref<16384xi32, #tpu.memory_space<vmem>>, vector<16xi32>,
      %swap3A_908 = vector.shape_cast %swap3A_907 : vector<16xi32> to vector<16xi32>
      %swap3A_909 = vector.shape_cast %get3A_901 : vector<16xi32> to vector<16xi32>
      tpu.vector_store %arg10[%swap3A_906], %swap3A_909 {strides = array<i32>} : memref<16384xi32, #tpu.memory_space<vmem>>, vector<16xi32>,
      %add3A_910 = arith.constant 16 : i32
      %add3A_911 = arith.addi %select_n3A_895, %add3A_910 : i32
      %get3A_912 = arith.index_cast %add3A_889 : i32 to index
      %get3A_913 = arith.index_cast %add3A_911 : i32 to index
      %get3A_914 = tpu.vector_load %arg8[%get3A_912, %get3A_913] {strides = array<i32>} : memref<256x128xi32, #tpu.memory_space<vmem>>, vector<1x16xi32>,
      %get3A_915 = vector.shape_cast %get3A_914 : vector<1x16xi32> to vector<16xi32>
      %mul3A_916 = arith.constant 64 : i32
      %mul3A_917 = arith.muli %add3A_889, %mul3A_916 : i32
      %add3A_918 = arith.constant 16 : i32
      %add3A_919 = arith.addi %mul3A_917, %add3A_918 : i32
      %swap3A_920 = arith.index_cast %add3A_919 : i32 to index
      %swap3A_921 = tpu.vector_load %arg10[%swap3A_920] {strides = array<i32>} : memref<16384xi32, #tpu.memory_space<vmem>>, vector<16xi32>,
      %swap3A_922 = vector.shape_cast %swap3A_921 : vector<16xi32> to vector<16xi32>
      %swap3A_923 = vector.shape_cast %get3A_915 : vector<16xi32> to vector<16xi32>
      tpu.vector_store %arg10[%swap3A_920], %swap3A_923 {strides = array<i32>} : memref<16384xi32, #tpu.memory_space<vmem>>, vector<16xi32>,
      %add3A_924 = arith.constant 32 : i32
      %add3A_925 = arith.addi %select_n3A_895, %add3A_924 : i32
      %get3A_926 = arith.index_cast %add3A_889 : i32 to index
      %get3A_927 = arith.index_cast %add3A_925 : i32 to index
      %get3A_928 = tpu.vector_load %arg8[%get3A_926, %get3A_927] {strides = array<i32>} : memref<256x128xi32, #tpu.memory_space<vmem>>, vector<1x16xi32>,
      %get3A_929 = vector.shape_cast %get3A_928 : vector<1x16xi32> to vector<16xi32>
      %mul3A_930 = arith.constant 64 : i32
      %mul3A_931 = arith.muli %add3A_889, %mul3A_930 : i32
      %add3A_932 = arith.constant 32 : i32
      %add3A_933 = arith.addi %mul3A_931, %add3A_932 : i32
      %swap3A_934 = arith.index_cast %add3A_933 : i32 to index
      %swap3A_935 = tpu.vector_load %arg10[%swap3A_934] {strides = array<i32>} : memref<16384xi32, #tpu.memory_space<vmem>>, vector<16xi32>,
      %swap3A_936 = vector.shape_cast %swap3A_935 : vector<16xi32> to vector<16xi32>
      %swap3A_937 = vector.shape_cast %get3A_929 : vector<16xi32> to vector<16xi32>
      tpu.vector_store %arg10[%swap3A_934], %swap3A_937 {strides = array<i32>} : memref<16384xi32, #tpu.memory_space<vmem>>, vector<16xi32>,
      %add3A_938 = arith.constant 48 : i32
      %add3A_939 = arith.addi %select_n3A_895, %add3A_938 : i32
      %get3A_940 = arith.index_cast %add3A_889 : i32 to index
      %get3A_941 = arith.index_cast %add3A_939 : i32 to index
      %get3A_942 = tpu.vector_load %arg8[%get3A_940, %get3A_941] {strides = array<i32>} : memref<256x128xi32, #tpu.memory_space<vmem>>, vector<1x16xi32>,
      %get3A_943 = vector.shape_cast %get3A_942 : vector<1x16xi32> to vector<16xi32>
      %mul3A_944 = arith.constant 64 : i32
      %mul3A_945 = arith.muli %add3A_889, %mul3A_944 : i32
      %add3A_946 = arith.constant 48 : i32
      %add3A_947 = arith.addi %mul3A_945, %add3A_946 : i32
      %swap3A_948 = arith.index_cast %add3A_947 : i32 to index
      %swap3A_949 = tpu.vector_load %arg10[%swap3A_948] {strides = array<i32>} : memref<16384xi32, #tpu.memory_space<vmem>>, vector<16xi32>,
      %swap3A_950 = vector.shape_cast %swap3A_949 : vector<16xi32> to vector<16xi32>
      %swap3A_951 = vector.shape_cast %get3A_943 : vector<16xi32> to vector<16xi32>
      tpu.vector_store %arg10[%swap3A_948], %swap3A_951 {strides = array<i32>} : memref<16384xi32, #tpu.memory_space<vmem>>, vector<16xi32>,
      %add3A_952 = arith.constant 14 : i32
      %add3A_953 = arith.addi %mul3A_54, %add3A_952 : i32
      %slice3A_954 = vector.extract_strided_slice %get3A_59 {offsets = [14], sizes = [1], strides = [1]} : vector<16xi32> to vector<1xi32>
      %squeeze3A_955 = vector.extract %slice3A_954[0] : i32 from vector<1xi32>
      %ge3A_956 = arith.cmpi sge, %squeeze3A_955, %squeeze3A : i32
      %jit3A_957 = arith.constant 64 : i32
      %jit3A_958 = arith.constant 0 : i32
      %select_n3A_959 = arith.select %ge3A_956, %jit3A_957, %jit3A_958 : i32
      %add3A_960 = arith.constant 0 : i32
      %add3A_961 = arith.addi %select_n3A_959, %add3A_960 : i32
      %get3A_962 = arith.index_cast %add3A_953 : i32 to index
      %get3A_963 = arith.index_cast %add3A_961 : i32 to index
      %get3A_964 = tpu.vector_load %arg8[%get3A_962, %get3A_963] {strides = array<i32>} : memref<256x128xi32, #tpu.memory_space<vmem>>, vector<1x16xi32>,
      %get3A_965 = vector.shape_cast %get3A_964 : vector<1x16xi32> to vector<16xi32>
      %mul3A_966 = arith.constant 64 : i32
      %mul3A_967 = arith.muli %add3A_953, %mul3A_966 : i32
      %add3A_968 = arith.constant 0 : i32
      %add3A_969 = arith.addi %mul3A_967, %add3A_968 : i32
      %swap3A_970 = arith.index_cast %add3A_969 : i32 to index
      %swap3A_971 = tpu.vector_load %arg10[%swap3A_970] {strides = array<i32>} : memref<16384xi32, #tpu.memory_space<vmem>>, vector<16xi32>,
      %swap3A_972 = vector.shape_cast %swap3A_971 : vector<16xi32> to vector<16xi32>
      %swap3A_973 = vector.shape_cast %get3A_965 : vector<16xi32> to vector<16xi32>
      tpu.vector_store %arg10[%swap3A_970], %swap3A_973 {strides = array<i32>} : memref<16384xi32, #tpu.memory_space<vmem>>, vector<16xi32>,
      %add3A_974 = arith.constant 16 : i32
      %add3A_975 = arith.addi %select_n3A_959, %add3A_974 : i32
      %get3A_976 = arith.index_cast %add3A_953 : i32 to index
      %get3A_977 = arith.index_cast %add3A_975 : i32 to index
      %get3A_978 = tpu.vector_load %arg8[%get3A_976, %get3A_977] {strides = array<i32>} : memref<256x128xi32, #tpu.memory_space<vmem>>, vector<1x16xi32>,
      %get3A_979 = vector.shape_cast %get3A_978 : vector<1x16xi32> to vector<16xi32>
      %mul3A_980 = arith.constant 64 : i32
      %mul3A_981 = arith.muli %add3A_953, %mul3A_980 : i32
      %add3A_982 = arith.constant 16 : i32
      %add3A_983 = arith.addi %mul3A_981, %add3A_982 : i32
      %swap3A_984 = arith.index_cast %add3A_983 : i32 to index
      %swap3A_985 = tpu.vector_load %arg10[%swap3A_984] {strides = array<i32>} : memref<16384xi32, #tpu.memory_space<vmem>>, vector<16xi32>,
      %swap3A_986 = vector.shape_cast %swap3A_985 : vector<16xi32> to vector<16xi32>
      %swap3A_987 = vector.shape_cast %get3A_979 : vector<16xi32> to vector<16xi32>
      tpu.vector_store %arg10[%swap3A_984], %swap3A_987 {strides = array<i32>} : memref<16384xi32, #tpu.memory_space<vmem>>, vector<16xi32>,
      %add3A_988 = arith.constant 32 : i32
      %add3A_989 = arith.addi %select_n3A_959, %add3A_988 : i32
      %get3A_990 = arith.index_cast %add3A_953 : i32 to index
      %get3A_991 = arith.index_cast %add3A_989 : i32 to index
      %get3A_992 = tpu.vector_load %arg8[%get3A_990, %get3A_991] {strides = array<i32>} : memref<256x128xi32, #tpu.memory_space<vmem>>, vector<1x16xi32>,
      %get3A_993 = vector.shape_cast %get3A_992 : vector<1x16xi32> to vector<16xi32>
      %mul3A_994 = arith.constant 64 : i32
      %mul3A_995 = arith.muli %add3A_953, %mul3A_994 : i32
      %add3A_996 = arith.constant 32 : i32
      %add3A_997 = arith.addi %mul3A_995, %add3A_996 : i32
      %swap3A_998 = arith.index_cast %add3A_997 : i32 to index
      %swap3A_999 = tpu.vector_load %arg10[%swap3A_998] {strides = array<i32>} : memref<16384xi32, #tpu.memory_space<vmem>>, vector<16xi32>,
      %swap3A_1000 = vector.shape_cast %swap3A_999 : vector<16xi32> to vector<16xi32>
      %swap3A_1001 = vector.shape_cast %get3A_993 : vector<16xi32> to vector<16xi32>
      tpu.vector_store %arg10[%swap3A_998], %swap3A_1001 {strides = array<i32>} : memref<16384xi32, #tpu.memory_space<vmem>>, vector<16xi32>,
      %add3A_1002 = arith.constant 48 : i32
      %add3A_1003 = arith.addi %select_n3A_959, %add3A_1002 : i32
      %get3A_1004 = arith.index_cast %add3A_953 : i32 to index
      %get3A_1005 = arith.index_cast %add3A_1003 : i32 to index
      %get3A_1006 = tpu.vector_load %arg8[%get3A_1004, %get3A_1005] {strides = array<i32>} : memref<256x128xi32, #tpu.memory_space<vmem>>, vector<1x16xi32>,
      %get3A_1007 = vector.shape_cast %get3A_1006 : vector<1x16xi32> to vector<16xi32>
      %mul3A_1008 = arith.constant 64 : i32
      %mul3A_1009 = arith.muli %add3A_953, %mul3A_1008 : i32
      %add3A_1010 = arith.constant 48 : i32
      %add3A_1011 = arith.addi %mul3A_1009, %add3A_1010 : i32
      %swap3A_1012 = arith.index_cast %add3A_1011 : i32 to index
      %swap3A_1013 = tpu.vector_load %arg10[%swap3A_1012] {strides = array<i32>} : memref<16384xi32, #tpu.memory_space<vmem>>, vector<16xi32>,
      %swap3A_1014 = vector.shape_cast %swap3A_1013 : vector<16xi32> to vector<16xi32>
      %swap3A_1015 = vector.shape_cast %get3A_1007 : vector<16xi32> to vector<16xi32>
      tpu.vector_store %arg10[%swap3A_1012], %swap3A_1015 {strides = array<i32>} : memref<16384xi32, #tpu.memory_space<vmem>>, vector<16xi32>,
      %add3A_1016 = arith.constant 15 : i32
      %add3A_1017 = arith.addi %mul3A_54, %add3A_1016 : i32
      %slice3A_1018 = vector.extract_strided_slice %get3A_59 {offsets = [15], sizes = [1], strides = [1]} : vector<16xi32> to vector<1xi32>
      %squeeze3A_1019 = vector.extract %slice3A_1018[0] : i32 from vector<1xi32>
      %ge3A_1020 = arith.cmpi sge, %squeeze3A_1019, %squeeze3A : i32
      %jit3A_1021 = arith.constant 64 : i32
      %jit3A_1022 = arith.constant 0 : i32
      %select_n3A_1023 = arith.select %ge3A_1020, %jit3A_1021, %jit3A_1022 : i32
      %add3A_1024 = arith.constant 0 : i32
      %add3A_1025 = arith.addi %select_n3A_1023, %add3A_1024 : i32
      %get3A_1026 = arith.index_cast %add3A_1017 : i32 to index
      %get3A_1027 = arith.index_cast %add3A_1025 : i32 to index
      %get3A_1028 = tpu.vector_load %arg8[%get3A_1026, %get3A_1027] {strides = array<i32>} : memref<256x128xi32, #tpu.memory_space<vmem>>, vector<1x16xi32>,
      %get3A_1029 = vector.shape_cast %get3A_1028 : vector<1x16xi32> to vector<16xi32>
      %mul3A_1030 = arith.constant 64 : i32
      %mul3A_1031 = arith.muli %add3A_1017, %mul3A_1030 : i32
      %add3A_1032 = arith.constant 0 : i32
      %add3A_1033 = arith.addi %mul3A_1031, %add3A_1032 : i32
      %swap3A_1034 = arith.index_cast %add3A_1033 : i32 to index
      %swap3A_1035 = tpu.vector_load %arg10[%swap3A_1034] {strides = array<i32>} : memref<16384xi32, #tpu.memory_space<vmem>>, vector<16xi32>,
      %swap3A_1036 = vector.shape_cast %swap3A_1035 : vector<16xi32> to vector<16xi32>
      %swap3A_1037 = vector.shape_cast %get3A_1029 : vector<16xi32> to vector<16xi32>
      tpu.vector_store %arg10[%swap3A_1034], %swap3A_1037 {strides = array<i32>} : memref<16384xi32, #tpu.memory_space<vmem>>, vector<16xi32>,
      %add3A_1038 = arith.constant 16 : i32
      %add3A_1039 = arith.addi %select_n3A_1023, %add3A_1038 : i32
      %get3A_1040 = arith.index_cast %add3A_1017 : i32 to index
      %get3A_1041 = arith.index_cast %add3A_1039 : i32 to index
      %get3A_1042 = tpu.vector_load %arg8[%get3A_1040, %get3A_1041] {strides = array<i32>} : memref<256x128xi32, #tpu.memory_space<vmem>>, vector<1x16xi32>,
      %get3A_1043 = vector.shape_cast %get3A_1042 : vector<1x16xi32> to vector<16xi32>
      %mul3A_1044 = arith.constant 64 : i32
      %mul3A_1045 = arith.muli %add3A_1017, %mul3A_1044 : i32
      %add3A_1046 = arith.constant 16 : i32
      %add3A_1047 = arith.addi %mul3A_1045, %add3A_1046 : i32
      %swap3A_1048 = arith.index_cast %add3A_1047 : i32 to index
      %swap3A_1049 = tpu.vector_load %arg10[%swap3A_1048] {strides = array<i32>} : memref<16384xi32, #tpu.memory_space<vmem>>, vector<16xi32>,
      %swap3A_1050 = vector.shape_cast %swap3A_1049 : vector<16xi32> to vector<16xi32>
      %swap3A_1051 = vector.shape_cast %get3A_1043 : vector<16xi32> to vector<16xi32>
      tpu.vector_store %arg10[%swap3A_1048], %swap3A_1051 {strides = array<i32>} : memref<16384xi32, #tpu.memory_space<vmem>>, vector<16xi32>,
      %add3A_1052 = arith.constant 32 : i32
      %add3A_1053 = arith.addi %select_n3A_1023, %add3A_1052 : i32
      %get3A_1054 = arith.index_cast %add3A_1017 : i32 to index
      %get3A_1055 = arith.index_cast %add3A_1053 : i32 to index
      %get3A_1056 = tpu.vector_load %arg8[%get3A_1054, %get3A_1055] {strides = array<i32>} : memref<256x128xi32, #tpu.memory_space<vmem>>, vector<1x16xi32>,
      %get3A_1057 = vector.shape_cast %get3A_1056 : vector<1x16xi32> to vector<16xi32>
      %mul3A_1058 = arith.constant 64 : i32
      %mul3A_1059 = arith.muli %add3A_1017, %mul3A_1058 : i32
      %add3A_1060 = arith.constant 32 : i32
      %add3A_1061 = arith.addi %mul3A_1059, %add3A_1060 : i32
      %swap3A_1062 = arith.index_cast %add3A_1061 : i32 to index
      %swap3A_1063 = tpu.vector_load %arg10[%swap3A_1062] {strides = array<i32>} : memref<16384xi32, #tpu.memory_space<vmem>>, vector<16xi32>,
      %swap3A_1064 = vector.shape_cast %swap3A_1063 : vector<16xi32> to vector<16xi32>
      %swap3A_1065 = vector.shape_cast %get3A_1057 : vector<16xi32> to vector<16xi32>
      tpu.vector_store %arg10[%swap3A_1062], %swap3A_1065 {strides = array<i32>} : memref<16384xi32, #tpu.memory_space<vmem>>, vector<16xi32>,
      %add3A_1066 = arith.constant 48 : i32
      %add3A_1067 = arith.addi %select_n3A_1023, %add3A_1066 : i32
      %get3A_1068 = arith.index_cast %add3A_1017 : i32 to index
      %get3A_1069 = arith.index_cast %add3A_1067 : i32 to index
      %get3A_1070 = tpu.vector_load %arg8[%get3A_1068, %get3A_1069] {strides = array<i32>} : memref<256x128xi32, #tpu.memory_space<vmem>>, vector<1x16xi32>,
      %get3A_1071 = vector.shape_cast %get3A_1070 : vector<1x16xi32> to vector<16xi32>
      %mul3A_1072 = arith.constant 64 : i32
      %mul3A_1073 = arith.muli %add3A_1017, %mul3A_1072 : i32
      %add3A_1074 = arith.constant 48 : i32
      %add3A_1075 = arith.addi %mul3A_1073, %add3A_1074 : i32
      %swap3A_1076 = arith.index_cast %add3A_1075 : i32 to index
      %swap3A_1077 = tpu.vector_load %arg10[%swap3A_1076] {strides = array<i32>} : memref<16384xi32, #tpu.memory_space<vmem>>, vector<16xi32>,
      %swap3A_1078 = vector.shape_cast %swap3A_1077 : vector<16xi32> to vector<16xi32>
      %swap3A_1079 = vector.shape_cast %get3A_1071 : vector<16xi32> to vector<16xi32>
      tpu.vector_store %arg10[%swap3A_1076], %swap3A_1079 {strides = array<i32>} : memref<16384xi32, #tpu.memory_space<vmem>>, vector<16xi32>,
      %scan3A_1080 = arith.constant 0 : i32
      scf.yield %scan3A_1080 : i32
    }
    %scan3A_30 = arith.constant 16 : i32
    %add3A_31 = arith.constant 0 : i32
    %add3A_32 = arith.addi %mul3A_4, %add3A_31 : i32
    %mul3A_33 = arith.constant 64 : i32
    %mul3A_34 = arith.muli %add3A_32, %mul3A_33 : i32
    "tpu.region"() ({
      %run_scoped3A = tpu.sem_alloc : memref<!tpu.dma_semaphore, #tpu.memory_space<semaphore_mem>>
      %dma_start3A_51 = tpu.memref_slice %arg5[%mul3A_34] : memref<1048576xi32, #tpu.memory_space<hbm>> -> memref<16384xi32, #tpu.memory_space<hbm>>
      %dma_start3A_52 = tpu.memref_slice %arg5[%mul3A_34] : memref<1048576xi32, #tpu.memory_space<hbm>> -> memref<16384xi32, #tpu.memory_space<hbm>>
      tpu.enqueue_dma source(%arg10 : memref<16384xi32, #tpu.memory_space<vmem>>) target(%dma_start3A_52 : memref<16384xi32, #tpu.memory_space<hbm>>) target_semaphore(%run_scoped3A : memref<!tpu.dma_semaphore, #tpu.memory_space<semaphore_mem>>)
      %dma_wait3A_53 = tpu.memref_slice %arg5[%mul3A_34] : memref<1048576xi32, #tpu.memory_space<hbm>> -> memref<16384xi32, #tpu.memory_space<hbm>>
      %dma_wait3A_54 = tpu.memref_slice %arg5[%mul3A_34] : memref<1048576xi32, #tpu.memory_space<hbm>> -> memref<16384xi32, #tpu.memory_space<hbm>>
      tpu.wait_dma2 semaphore(%run_scoped3A : memref<!tpu.dma_semaphore, #tpu.memory_space<semaphore_mem>>) src(%arg10 : memref<16384xi32, #tpu.memory_space<vmem>>) dst(%dma_wait3A_54 : memref<16384xi32, #tpu.memory_space<hbm>>)
      tpu.yield
    }) : () -> ()
    %dma_wait3A_35 = arith.constant 256 : i32
    %dma_wait3A_36 = tpu.memref_slice %arg7[%dma_wait3A_35] : memref<512xi32, #tpu.memory_space<vmem>> -> memref<256xi32, #tpu.memory_space<vmem>>
    %dma_wait3A_37 = arith.constant 0 : i32
    %dma_wait3A_38 = arith.constant 0 : i32
    %dma_wait3A_39 = tpu.memref_slice %arg3[%dma_wait3A_37, %dma_wait3A_38] : memref<262144x128xi32, #tpu.memory_space<hbm>> -> memref<262144x128xi32, #tpu.memory_space<hbm>>
    tpu.wait_indirect_dma semaphore(%arg12 : memref<!tpu.dma_semaphore, #tpu.memory_space<semaphore_mem>>) src(%dma_wait3A_39 : memref<262144x128xi32, #tpu.memory_space<hbm>>) dst(%arg9 : memref<256x128xi32, #tpu.memory_space<vmem>>)
    %scan3A_40 = arith.constant 0 : i32
    %scan3A_41 = arith.constant 0 : i32
    %scan3A_42 = arith.constant 16 : i32
    %scan3A_43 = arith.addi %scan3A_41, %scan3A_42 : i32
    %scan3A_44 = arith.constant 1 : i32
    %scan3A_45 = scf.for %scan3A_51 = %scan3A_41 to %scan3A_43 step %scan3A_44 iter_args(%scan3A_52 = %scan3A_40) -> (i32)  : i32 {
      %mul3A_53 = arith.constant 16 : i32
      %mul3A_54 = arith.muli %scan3A_51, %mul3A_53 : i32
      %add3A_55 = arith.constant 256 : i32
      %add3A_56 = arith.addi %add3A_55, %mul3A_54 : i32
      %get3A_57 = arith.index_cast %add3A_56 : i32 to index
      %get3A_58 = tpu.vector_load %arg6[%get3A_57] {strides = array<i32>} : memref<512xi32, #tpu.memory_space<vmem>>, vector<16xi32>,
      %get3A_59 = vector.shape_cast %get3A_58 : vector<16xi32> to vector<16xi32>
      %add3A_60 = arith.constant 0 : i32
      %add3A_61 = arith.addi %mul3A_54, %add3A_60 : i32
      %slice3A_62 = vector.extract_strided_slice %get3A_59 {offsets = [0], sizes = [1], strides = [1]} : vector<16xi32> to vector<1xi32>
      %squeeze3A_63 = vector.extract %slice3A_62[0] : i32 from vector<1xi32>
      %ge3A = arith.cmpi sge, %squeeze3A_63, %squeeze3A : i32
      %jit3A = arith.constant 64 : i32
      %jit3A_64 = arith.constant 0 : i32
      %select_n3A = arith.select %ge3A, %jit3A, %jit3A_64 : i32
      %add3A_65 = arith.constant 0 : i32
      %add3A_66 = arith.addi %select_n3A, %add3A_65 : i32
      %get3A_67 = arith.index_cast %add3A_61 : i32 to index
      %get3A_68 = arith.index_cast %add3A_66 : i32 to index
      %get3A_69 = tpu.vector_load %arg9[%get3A_67, %get3A_68] {strides = array<i32>} : memref<256x128xi32, #tpu.memory_space<vmem>>, vector<1x16xi32>,
      %get3A_70 = vector.shape_cast %get3A_69 : vector<1x16xi32> to vector<16xi32>
      %mul3A_71 = arith.constant 64 : i32
      %mul3A_72 = arith.muli %add3A_61, %mul3A_71 : i32
      %add3A_73 = arith.constant 0 : i32
      %add3A_74 = arith.addi %mul3A_72, %add3A_73 : i32
      %swap3A = arith.index_cast %add3A_74 : i32 to index
      %swap3A_75 = tpu.vector_load %arg10[%swap3A] {strides = array<i32>} : memref<16384xi32, #tpu.memory_space<vmem>>, vector<16xi32>,
      %swap3A_76 = vector.shape_cast %swap3A_75 : vector<16xi32> to vector<16xi32>
      %swap3A_77 = vector.shape_cast %get3A_70 : vector<16xi32> to vector<16xi32>
      tpu.vector_store %arg10[%swap3A], %swap3A_77 {strides = array<i32>} : memref<16384xi32, #tpu.memory_space<vmem>>, vector<16xi32>,
      %add3A_78 = arith.constant 16 : i32
      %add3A_79 = arith.addi %select_n3A, %add3A_78 : i32
      %get3A_80 = arith.index_cast %add3A_61 : i32 to index
      %get3A_81 = arith.index_cast %add3A_79 : i32 to index
      %get3A_82 = tpu.vector_load %arg9[%get3A_80, %get3A_81] {strides = array<i32>} : memref<256x128xi32, #tpu.memory_space<vmem>>, vector<1x16xi32>,
      %get3A_83 = vector.shape_cast %get3A_82 : vector<1x16xi32> to vector<16xi32>
      %mul3A_84 = arith.constant 64 : i32
      %mul3A_85 = arith.muli %add3A_61, %mul3A_84 : i32
      %add3A_86 = arith.constant 16 : i32
      %add3A_87 = arith.addi %mul3A_85, %add3A_86 : i32
      %swap3A_88 = arith.index_cast %add3A_87 : i32 to index
      %swap3A_89 = tpu.vector_load %arg10[%swap3A_88] {strides = array<i32>} : memref<16384xi32, #tpu.memory_space<vmem>>, vector<16xi32>,
      %swap3A_90 = vector.shape_cast %swap3A_89 : vector<16xi32> to vector<16xi32>
      %swap3A_91 = vector.shape_cast %get3A_83 : vector<16xi32> to vector<16xi32>
      tpu.vector_store %arg10[%swap3A_88], %swap3A_91 {strides = array<i32>} : memref<16384xi32, #tpu.memory_space<vmem>>, vector<16xi32>,
      %add3A_92 = arith.constant 32 : i32
      %add3A_93 = arith.addi %select_n3A, %add3A_92 : i32
      %get3A_94 = arith.index_cast %add3A_61 : i32 to index
      %get3A_95 = arith.index_cast %add3A_93 : i32 to index
      %get3A_96 = tpu.vector_load %arg9[%get3A_94, %get3A_95] {strides = array<i32>} : memref<256x128xi32, #tpu.memory_space<vmem>>, vector<1x16xi32>,
      %get3A_97 = vector.shape_cast %get3A_96 : vector<1x16xi32> to vector<16xi32>
      %mul3A_98 = arith.constant 64 : i32
      %mul3A_99 = arith.muli %add3A_61, %mul3A_98 : i32
      %add3A_100 = arith.constant 32 : i32
      %add3A_101 = arith.addi %mul3A_99, %add3A_100 : i32
      %swap3A_102 = arith.index_cast %add3A_101 : i32 to index
      %swap3A_103 = tpu.vector_load %arg10[%swap3A_102] {strides = array<i32>} : memref<16384xi32, #tpu.memory_space<vmem>>, vector<16xi32>,
      %swap3A_104 = vector.shape_cast %swap3A_103 : vector<16xi32> to vector<16xi32>
      %swap3A_105 = vector.shape_cast %get3A_97 : vector<16xi32> to vector<16xi32>
      tpu.vector_store %arg10[%swap3A_102], %swap3A_105 {strides = array<i32>} : memref<16384xi32, #tpu.memory_space<vmem>>, vector<16xi32>,
      %add3A_106 = arith.constant 48 : i32
      %add3A_107 = arith.addi %select_n3A, %add3A_106 : i32
      %get3A_108 = arith.index_cast %add3A_61 : i32 to index
      %get3A_109 = arith.index_cast %add3A_107 : i32 to index
      %get3A_110 = tpu.vector_load %arg9[%get3A_108, %get3A_109] {strides = array<i32>} : memref<256x128xi32, #tpu.memory_space<vmem>>, vector<1x16xi32>,
      %get3A_111 = vector.shape_cast %get3A_110 : vector<1x16xi32> to vector<16xi32>
      %mul3A_112 = arith.constant 64 : i32
      %mul3A_113 = arith.muli %add3A_61, %mul3A_112 : i32
      %add3A_114 = arith.constant 48 : i32
      %add3A_115 = arith.addi %mul3A_113, %add3A_114 : i32
      %swap3A_116 = arith.index_cast %add3A_115 : i32 to index
      %swap3A_117 = tpu.vector_load %arg10[%swap3A_116] {strides = array<i32>} : memref<16384xi32, #tpu.memory_space<vmem>>, vector<16xi32>,
      %swap3A_118 = vector.shape_cast %swap3A_117 : vector<16xi32> to vector<16xi32>
      %swap3A_119 = vector.shape_cast %get3A_111 : vector<16xi32> to vector<16xi32>
      tpu.vector_store %arg10[%swap3A_116], %swap3A_119 {strides = array<i32>} : memref<16384xi32, #tpu.memory_space<vmem>>, vector<16xi32>,
      %add3A_120 = arith.constant 1 : i32
      %add3A_121 = arith.addi %mul3A_54, %add3A_120 : i32
      %slice3A_122 = vector.extract_strided_slice %get3A_59 {offsets = [1], sizes = [1], strides = [1]} : vector<16xi32> to vector<1xi32>
      %squeeze3A_123 = vector.extract %slice3A_122[0] : i32 from vector<1xi32>
      %ge3A_124 = arith.cmpi sge, %squeeze3A_123, %squeeze3A : i32
      %jit3A_125 = arith.constant 64 : i32
      %jit3A_126 = arith.constant 0 : i32
      %select_n3A_127 = arith.select %ge3A_124, %jit3A_125, %jit3A_126 : i32
      %add3A_128 = arith.constant 0 : i32
      %add3A_129 = arith.addi %select_n3A_127, %add3A_128 : i32
      %get3A_130 = arith.index_cast %add3A_121 : i32 to index
      %get3A_131 = arith.index_cast %add3A_129 : i32 to index
      %get3A_132 = tpu.vector_load %arg9[%get3A_130, %get3A_131] {strides = array<i32>} : memref<256x128xi32, #tpu.memory_space<vmem>>, vector<1x16xi32>,
      %get3A_133 = vector.shape_cast %get3A_132 : vector<1x16xi32> to vector<16xi32>
      %mul3A_134 = arith.constant 64 : i32
      %mul3A_135 = arith.muli %add3A_121, %mul3A_134 : i32
      %add3A_136 = arith.constant 0 : i32
      %add3A_137 = arith.addi %mul3A_135, %add3A_136 : i32
      %swap3A_138 = arith.index_cast %add3A_137 : i32 to index
      %swap3A_139 = tpu.vector_load %arg10[%swap3A_138] {strides = array<i32>} : memref<16384xi32, #tpu.memory_space<vmem>>, vector<16xi32>,
      %swap3A_140 = vector.shape_cast %swap3A_139 : vector<16xi32> to vector<16xi32>
      %swap3A_141 = vector.shape_cast %get3A_133 : vector<16xi32> to vector<16xi32>
      tpu.vector_store %arg10[%swap3A_138], %swap3A_141 {strides = array<i32>} : memref<16384xi32, #tpu.memory_space<vmem>>, vector<16xi32>,
      %add3A_142 = arith.constant 16 : i32
      %add3A_143 = arith.addi %select_n3A_127, %add3A_142 : i32
      %get3A_144 = arith.index_cast %add3A_121 : i32 to index
      %get3A_145 = arith.index_cast %add3A_143 : i32 to index
      %get3A_146 = tpu.vector_load %arg9[%get3A_144, %get3A_145] {strides = array<i32>} : memref<256x128xi32, #tpu.memory_space<vmem>>, vector<1x16xi32>,
      %get3A_147 = vector.shape_cast %get3A_146 : vector<1x16xi32> to vector<16xi32>
      %mul3A_148 = arith.constant 64 : i32
      %mul3A_149 = arith.muli %add3A_121, %mul3A_148 : i32
      %add3A_150 = arith.constant 16 : i32
      %add3A_151 = arith.addi %mul3A_149, %add3A_150 : i32
      %swap3A_152 = arith.index_cast %add3A_151 : i32 to index
      %swap3A_153 = tpu.vector_load %arg10[%swap3A_152] {strides = array<i32>} : memref<16384xi32, #tpu.memory_space<vmem>>, vector<16xi32>,
      %swap3A_154 = vector.shape_cast %swap3A_153 : vector<16xi32> to vector<16xi32>
      %swap3A_155 = vector.shape_cast %get3A_147 : vector<16xi32> to vector<16xi32>
      tpu.vector_store %arg10[%swap3A_152], %swap3A_155 {strides = array<i32>} : memref<16384xi32, #tpu.memory_space<vmem>>, vector<16xi32>,
      %add3A_156 = arith.constant 32 : i32
      %add3A_157 = arith.addi %select_n3A_127, %add3A_156 : i32
      %get3A_158 = arith.index_cast %add3A_121 : i32 to index
      %get3A_159 = arith.index_cast %add3A_157 : i32 to index
      %get3A_160 = tpu.vector_load %arg9[%get3A_158, %get3A_159] {strides = array<i32>} : memref<256x128xi32, #tpu.memory_space<vmem>>, vector<1x16xi32>,
      %get3A_161 = vector.shape_cast %get3A_160 : vector<1x16xi32> to vector<16xi32>
      %mul3A_162 = arith.constant 64 : i32
      %mul3A_163 = arith.muli %add3A_121, %mul3A_162 : i32
      %add3A_164 = arith.constant 32 : i32
      %add3A_165 = arith.addi %mul3A_163, %add3A_164 : i32
      %swap3A_166 = arith.index_cast %add3A_165 : i32 to index
      %swap3A_167 = tpu.vector_load %arg10[%swap3A_166] {strides = array<i32>} : memref<16384xi32, #tpu.memory_space<vmem>>, vector<16xi32>,
      %swap3A_168 = vector.shape_cast %swap3A_167 : vector<16xi32> to vector<16xi32>
      %swap3A_169 = vector.shape_cast %get3A_161 : vector<16xi32> to vector<16xi32>
      tpu.vector_store %arg10[%swap3A_166], %swap3A_169 {strides = array<i32>} : memref<16384xi32, #tpu.memory_space<vmem>>, vector<16xi32>,
      %add3A_170 = arith.constant 48 : i32
      %add3A_171 = arith.addi %select_n3A_127, %add3A_170 : i32
      %get3A_172 = arith.index_cast %add3A_121 : i32 to index
      %get3A_173 = arith.index_cast %add3A_171 : i32 to index
      %get3A_174 = tpu.vector_load %arg9[%get3A_172, %get3A_173] {strides = array<i32>} : memref<256x128xi32, #tpu.memory_space<vmem>>, vector<1x16xi32>,
      %get3A_175 = vector.shape_cast %get3A_174 : vector<1x16xi32> to vector<16xi32>
      %mul3A_176 = arith.constant 64 : i32
      %mul3A_177 = arith.muli %add3A_121, %mul3A_176 : i32
      %add3A_178 = arith.constant 48 : i32
      %add3A_179 = arith.addi %mul3A_177, %add3A_178 : i32
      %swap3A_180 = arith.index_cast %add3A_179 : i32 to index
      %swap3A_181 = tpu.vector_load %arg10[%swap3A_180] {strides = array<i32>} : memref<16384xi32, #tpu.memory_space<vmem>>, vector<16xi32>,
      %swap3A_182 = vector.shape_cast %swap3A_181 : vector<16xi32> to vector<16xi32>
      %swap3A_183 = vector.shape_cast %get3A_175 : vector<16xi32> to vector<16xi32>
      tpu.vector_store %arg10[%swap3A_180], %swap3A_183 {strides = array<i32>} : memref<16384xi32, #tpu.memory_space<vmem>>, vector<16xi32>,
      %add3A_184 = arith.constant 2 : i32
      %add3A_185 = arith.addi %mul3A_54, %add3A_184 : i32
      %slice3A_186 = vector.extract_strided_slice %get3A_59 {offsets = [2], sizes = [1], strides = [1]} : vector<16xi32> to vector<1xi32>
      %squeeze3A_187 = vector.extract %slice3A_186[0] : i32 from vector<1xi32>
      %ge3A_188 = arith.cmpi sge, %squeeze3A_187, %squeeze3A : i32
      %jit3A_189 = arith.constant 64 : i32
      %jit3A_190 = arith.constant 0 : i32
      %select_n3A_191 = arith.select %ge3A_188, %jit3A_189, %jit3A_190 : i32
      %add3A_192 = arith.constant 0 : i32
      %add3A_193 = arith.addi %select_n3A_191, %add3A_192 : i32
      %get3A_194 = arith.index_cast %add3A_185 : i32 to index
      %get3A_195 = arith.index_cast %add3A_193 : i32 to index
      %get3A_196 = tpu.vector_load %arg9[%get3A_194, %get3A_195] {strides = array<i32>} : memref<256x128xi32, #tpu.memory_space<vmem>>, vector<1x16xi32>,
      %get3A_197 = vector.shape_cast %get3A_196 : vector<1x16xi32> to vector<16xi32>
      %mul3A_198 = arith.constant 64 : i32
      %mul3A_199 = arith.muli %add3A_185, %mul3A_198 : i32
      %add3A_200 = arith.constant 0 : i32
      %add3A_201 = arith.addi %mul3A_199, %add3A_200 : i32
      %swap3A_202 = arith.index_cast %add3A_201 : i32 to index
      %swap3A_203 = tpu.vector_load %arg10[%swap3A_202] {strides = array<i32>} : memref<16384xi32, #tpu.memory_space<vmem>>, vector<16xi32>,
      %swap3A_204 = vector.shape_cast %swap3A_203 : vector<16xi32> to vector<16xi32>
      %swap3A_205 = vector.shape_cast %get3A_197 : vector<16xi32> to vector<16xi32>
      tpu.vector_store %arg10[%swap3A_202], %swap3A_205 {strides = array<i32>} : memref<16384xi32, #tpu.memory_space<vmem>>, vector<16xi32>,
      %add3A_206 = arith.constant 16 : i32
      %add3A_207 = arith.addi %select_n3A_191, %add3A_206 : i32
      %get3A_208 = arith.index_cast %add3A_185 : i32 to index
      %get3A_209 = arith.index_cast %add3A_207 : i32 to index
      %get3A_210 = tpu.vector_load %arg9[%get3A_208, %get3A_209] {strides = array<i32>} : memref<256x128xi32, #tpu.memory_space<vmem>>, vector<1x16xi32>,
      %get3A_211 = vector.shape_cast %get3A_210 : vector<1x16xi32> to vector<16xi32>
      %mul3A_212 = arith.constant 64 : i32
      %mul3A_213 = arith.muli %add3A_185, %mul3A_212 : i32
      %add3A_214 = arith.constant 16 : i32
      %add3A_215 = arith.addi %mul3A_213, %add3A_214 : i32
      %swap3A_216 = arith.index_cast %add3A_215 : i32 to index
      %swap3A_217 = tpu.vector_load %arg10[%swap3A_216] {strides = array<i32>} : memref<16384xi32, #tpu.memory_space<vmem>>, vector<16xi32>,
      %swap3A_218 = vector.shape_cast %swap3A_217 : vector<16xi32> to vector<16xi32>
      %swap3A_219 = vector.shape_cast %get3A_211 : vector<16xi32> to vector<16xi32>
      tpu.vector_store %arg10[%swap3A_216], %swap3A_219 {strides = array<i32>} : memref<16384xi32, #tpu.memory_space<vmem>>, vector<16xi32>,
      %add3A_220 = arith.constant 32 : i32
      %add3A_221 = arith.addi %select_n3A_191, %add3A_220 : i32
      %get3A_222 = arith.index_cast %add3A_185 : i32 to index
      %get3A_223 = arith.index_cast %add3A_221 : i32 to index
      %get3A_224 = tpu.vector_load %arg9[%get3A_222, %get3A_223] {strides = array<i32>} : memref<256x128xi32, #tpu.memory_space<vmem>>, vector<1x16xi32>,
      %get3A_225 = vector.shape_cast %get3A_224 : vector<1x16xi32> to vector<16xi32>
      %mul3A_226 = arith.constant 64 : i32
      %mul3A_227 = arith.muli %add3A_185, %mul3A_226 : i32
      %add3A_228 = arith.constant 32 : i32
      %add3A_229 = arith.addi %mul3A_227, %add3A_228 : i32
      %swap3A_230 = arith.index_cast %add3A_229 : i32 to index
      %swap3A_231 = tpu.vector_load %arg10[%swap3A_230] {strides = array<i32>} : memref<16384xi32, #tpu.memory_space<vmem>>, vector<16xi32>,
      %swap3A_232 = vector.shape_cast %swap3A_231 : vector<16xi32> to vector<16xi32>
      %swap3A_233 = vector.shape_cast %get3A_225 : vector<16xi32> to vector<16xi32>
      tpu.vector_store %arg10[%swap3A_230], %swap3A_233 {strides = array<i32>} : memref<16384xi32, #tpu.memory_space<vmem>>, vector<16xi32>,
      %add3A_234 = arith.constant 48 : i32
      %add3A_235 = arith.addi %select_n3A_191, %add3A_234 : i32
      %get3A_236 = arith.index_cast %add3A_185 : i32 to index
      %get3A_237 = arith.index_cast %add3A_235 : i32 to index
      %get3A_238 = tpu.vector_load %arg9[%get3A_236, %get3A_237] {strides = array<i32>} : memref<256x128xi32, #tpu.memory_space<vmem>>, vector<1x16xi32>,
      %get3A_239 = vector.shape_cast %get3A_238 : vector<1x16xi32> to vector<16xi32>
      %mul3A_240 = arith.constant 64 : i32
      %mul3A_241 = arith.muli %add3A_185, %mul3A_240 : i32
      %add3A_242 = arith.constant 48 : i32
      %add3A_243 = arith.addi %mul3A_241, %add3A_242 : i32
      %swap3A_244 = arith.index_cast %add3A_243 : i32 to index
      %swap3A_245 = tpu.vector_load %arg10[%swap3A_244] {strides = array<i32>} : memref<16384xi32, #tpu.memory_space<vmem>>, vector<16xi32>,
      %swap3A_246 = vector.shape_cast %swap3A_245 : vector<16xi32> to vector<16xi32>
      %swap3A_247 = vector.shape_cast %get3A_239 : vector<16xi32> to vector<16xi32>
      tpu.vector_store %arg10[%swap3A_244], %swap3A_247 {strides = array<i32>} : memref<16384xi32, #tpu.memory_space<vmem>>, vector<16xi32>,
      %add3A_248 = arith.constant 3 : i32
      %add3A_249 = arith.addi %mul3A_54, %add3A_248 : i32
      %slice3A_250 = vector.extract_strided_slice %get3A_59 {offsets = [3], sizes = [1], strides = [1]} : vector<16xi32> to vector<1xi32>
      %squeeze3A_251 = vector.extract %slice3A_250[0] : i32 from vector<1xi32>
      %ge3A_252 = arith.cmpi sge, %squeeze3A_251, %squeeze3A : i32
      %jit3A_253 = arith.constant 64 : i32
      %jit3A_254 = arith.constant 0 : i32
      %select_n3A_255 = arith.select %ge3A_252, %jit3A_253, %jit3A_254 : i32
      %add3A_256 = arith.constant 0 : i32
      %add3A_257 = arith.addi %select_n3A_255, %add3A_256 : i32
      %get3A_258 = arith.index_cast %add3A_249 : i32 to index
      %get3A_259 = arith.index_cast %add3A_257 : i32 to index
      %get3A_260 = tpu.vector_load %arg9[%get3A_258, %get3A_259] {strides = array<i32>} : memref<256x128xi32, #tpu.memory_space<vmem>>, vector<1x16xi32>,
      %get3A_261 = vector.shape_cast %get3A_260 : vector<1x16xi32> to vector<16xi32>
      %mul3A_262 = arith.constant 64 : i32
      %mul3A_263 = arith.muli %add3A_249, %mul3A_262 : i32
      %add3A_264 = arith.constant 0 : i32
      %add3A_265 = arith.addi %mul3A_263, %add3A_264 : i32
      %swap3A_266 = arith.index_cast %add3A_265 : i32 to index
      %swap3A_267 = tpu.vector_load %arg10[%swap3A_266] {strides = array<i32>} : memref<16384xi32, #tpu.memory_space<vmem>>, vector<16xi32>,
      %swap3A_268 = vector.shape_cast %swap3A_267 : vector<16xi32> to vector<16xi32>
      %swap3A_269 = vector.shape_cast %get3A_261 : vector<16xi32> to vector<16xi32>
      tpu.vector_store %arg10[%swap3A_266], %swap3A_269 {strides = array<i32>} : memref<16384xi32, #tpu.memory_space<vmem>>, vector<16xi32>,
      %add3A_270 = arith.constant 16 : i32
      %add3A_271 = arith.addi %select_n3A_255, %add3A_270 : i32
      %get3A_272 = arith.index_cast %add3A_249 : i32 to index
      %get3A_273 = arith.index_cast %add3A_271 : i32 to index
      %get3A_274 = tpu.vector_load %arg9[%get3A_272, %get3A_273] {strides = array<i32>} : memref<256x128xi32, #tpu.memory_space<vmem>>, vector<1x16xi32>,
      %get3A_275 = vector.shape_cast %get3A_274 : vector<1x16xi32> to vector<16xi32>
      %mul3A_276 = arith.constant 64 : i32
      %mul3A_277 = arith.muli %add3A_249, %mul3A_276 : i32
      %add3A_278 = arith.constant 16 : i32
      %add3A_279 = arith.addi %mul3A_277, %add3A_278 : i32
      %swap3A_280 = arith.index_cast %add3A_279 : i32 to index
      %swap3A_281 = tpu.vector_load %arg10[%swap3A_280] {strides = array<i32>} : memref<16384xi32, #tpu.memory_space<vmem>>, vector<16xi32>,
      %swap3A_282 = vector.shape_cast %swap3A_281 : vector<16xi32> to vector<16xi32>
      %swap3A_283 = vector.shape_cast %get3A_275 : vector<16xi32> to vector<16xi32>
      tpu.vector_store %arg10[%swap3A_280], %swap3A_283 {strides = array<i32>} : memref<16384xi32, #tpu.memory_space<vmem>>, vector<16xi32>,
      %add3A_284 = arith.constant 32 : i32
      %add3A_285 = arith.addi %select_n3A_255, %add3A_284 : i32
      %get3A_286 = arith.index_cast %add3A_249 : i32 to index
      %get3A_287 = arith.index_cast %add3A_285 : i32 to index
      %get3A_288 = tpu.vector_load %arg9[%get3A_286, %get3A_287] {strides = array<i32>} : memref<256x128xi32, #tpu.memory_space<vmem>>, vector<1x16xi32>,
      %get3A_289 = vector.shape_cast %get3A_288 : vector<1x16xi32> to vector<16xi32>
      %mul3A_290 = arith.constant 64 : i32
      %mul3A_291 = arith.muli %add3A_249, %mul3A_290 : i32
      %add3A_292 = arith.constant 32 : i32
      %add3A_293 = arith.addi %mul3A_291, %add3A_292 : i32
      %swap3A_294 = arith.index_cast %add3A_293 : i32 to index
      %swap3A_295 = tpu.vector_load %arg10[%swap3A_294] {strides = array<i32>} : memref<16384xi32, #tpu.memory_space<vmem>>, vector<16xi32>,
      %swap3A_296 = vector.shape_cast %swap3A_295 : vector<16xi32> to vector<16xi32>
      %swap3A_297 = vector.shape_cast %get3A_289 : vector<16xi32> to vector<16xi32>
      tpu.vector_store %arg10[%swap3A_294], %swap3A_297 {strides = array<i32>} : memref<16384xi32, #tpu.memory_space<vmem>>, vector<16xi32>,
      %add3A_298 = arith.constant 48 : i32
      %add3A_299 = arith.addi %select_n3A_255, %add3A_298 : i32
      %get3A_300 = arith.index_cast %add3A_249 : i32 to index
      %get3A_301 = arith.index_cast %add3A_299 : i32 to index
      %get3A_302 = tpu.vector_load %arg9[%get3A_300, %get3A_301] {strides = array<i32>} : memref<256x128xi32, #tpu.memory_space<vmem>>, vector<1x16xi32>,
      %get3A_303 = vector.shape_cast %get3A_302 : vector<1x16xi32> to vector<16xi32>
      %mul3A_304 = arith.constant 64 : i32
      %mul3A_305 = arith.muli %add3A_249, %mul3A_304 : i32
      %add3A_306 = arith.constant 48 : i32
      %add3A_307 = arith.addi %mul3A_305, %add3A_306 : i32
      %swap3A_308 = arith.index_cast %add3A_307 : i32 to index
      %swap3A_309 = tpu.vector_load %arg10[%swap3A_308] {strides = array<i32>} : memref<16384xi32, #tpu.memory_space<vmem>>, vector<16xi32>,
      %swap3A_310 = vector.shape_cast %swap3A_309 : vector<16xi32> to vector<16xi32>
      %swap3A_311 = vector.shape_cast %get3A_303 : vector<16xi32> to vector<16xi32>
      tpu.vector_store %arg10[%swap3A_308], %swap3A_311 {strides = array<i32>} : memref<16384xi32, #tpu.memory_space<vmem>>, vector<16xi32>,
      %add3A_312 = arith.constant 4 : i32
      %add3A_313 = arith.addi %mul3A_54, %add3A_312 : i32
      %slice3A_314 = vector.extract_strided_slice %get3A_59 {offsets = [4], sizes = [1], strides = [1]} : vector<16xi32> to vector<1xi32>
      %squeeze3A_315 = vector.extract %slice3A_314[0] : i32 from vector<1xi32>
      %ge3A_316 = arith.cmpi sge, %squeeze3A_315, %squeeze3A : i32
      %jit3A_317 = arith.constant 64 : i32
      %jit3A_318 = arith.constant 0 : i32
      %select_n3A_319 = arith.select %ge3A_316, %jit3A_317, %jit3A_318 : i32
      %add3A_320 = arith.constant 0 : i32
      %add3A_321 = arith.addi %select_n3A_319, %add3A_320 : i32
      %get3A_322 = arith.index_cast %add3A_313 : i32 to index
      %get3A_323 = arith.index_cast %add3A_321 : i32 to index
      %get3A_324 = tpu.vector_load %arg9[%get3A_322, %get3A_323] {strides = array<i32>} : memref<256x128xi32, #tpu.memory_space<vmem>>, vector<1x16xi32>,
      %get3A_325 = vector.shape_cast %get3A_324 : vector<1x16xi32> to vector<16xi32>
      %mul3A_326 = arith.constant 64 : i32
      %mul3A_327 = arith.muli %add3A_313, %mul3A_326 : i32
      %add3A_328 = arith.constant 0 : i32
      %add3A_329 = arith.addi %mul3A_327, %add3A_328 : i32
      %swap3A_330 = arith.index_cast %add3A_329 : i32 to index
      %swap3A_331 = tpu.vector_load %arg10[%swap3A_330] {strides = array<i32>} : memref<16384xi32, #tpu.memory_space<vmem>>, vector<16xi32>,
      %swap3A_332 = vector.shape_cast %swap3A_331 : vector<16xi32> to vector<16xi32>
      %swap3A_333 = vector.shape_cast %get3A_325 : vector<16xi32> to vector<16xi32>
      tpu.vector_store %arg10[%swap3A_330], %swap3A_333 {strides = array<i32>} : memref<16384xi32, #tpu.memory_space<vmem>>, vector<16xi32>,
      %add3A_334 = arith.constant 16 : i32
      %add3A_335 = arith.addi %select_n3A_319, %add3A_334 : i32
      %get3A_336 = arith.index_cast %add3A_313 : i32 to index
      %get3A_337 = arith.index_cast %add3A_335 : i32 to index
      %get3A_338 = tpu.vector_load %arg9[%get3A_336, %get3A_337] {strides = array<i32>} : memref<256x128xi32, #tpu.memory_space<vmem>>, vector<1x16xi32>,
      %get3A_339 = vector.shape_cast %get3A_338 : vector<1x16xi32> to vector<16xi32>
      %mul3A_340 = arith.constant 64 : i32
      %mul3A_341 = arith.muli %add3A_313, %mul3A_340 : i32
      %add3A_342 = arith.constant 16 : i32
      %add3A_343 = arith.addi %mul3A_341, %add3A_342 : i32
      %swap3A_344 = arith.index_cast %add3A_343 : i32 to index
      %swap3A_345 = tpu.vector_load %arg10[%swap3A_344] {strides = array<i32>} : memref<16384xi32, #tpu.memory_space<vmem>>, vector<16xi32>,
      %swap3A_346 = vector.shape_cast %swap3A_345 : vector<16xi32> to vector<16xi32>
      %swap3A_347 = vector.shape_cast %get3A_339 : vector<16xi32> to vector<16xi32>
      tpu.vector_store %arg10[%swap3A_344], %swap3A_347 {strides = array<i32>} : memref<16384xi32, #tpu.memory_space<vmem>>, vector<16xi32>,
      %add3A_348 = arith.constant 32 : i32
      %add3A_349 = arith.addi %select_n3A_319, %add3A_348 : i32
      %get3A_350 = arith.index_cast %add3A_313 : i32 to index
      %get3A_351 = arith.index_cast %add3A_349 : i32 to index
      %get3A_352 = tpu.vector_load %arg9[%get3A_350, %get3A_351] {strides = array<i32>} : memref<256x128xi32, #tpu.memory_space<vmem>>, vector<1x16xi32>,
      %get3A_353 = vector.shape_cast %get3A_352 : vector<1x16xi32> to vector<16xi32>
      %mul3A_354 = arith.constant 64 : i32
      %mul3A_355 = arith.muli %add3A_313, %mul3A_354 : i32
      %add3A_356 = arith.constant 32 : i32
      %add3A_357 = arith.addi %mul3A_355, %add3A_356 : i32
      %swap3A_358 = arith.index_cast %add3A_357 : i32 to index
      %swap3A_359 = tpu.vector_load %arg10[%swap3A_358] {strides = array<i32>} : memref<16384xi32, #tpu.memory_space<vmem>>, vector<16xi32>,
      %swap3A_360 = vector.shape_cast %swap3A_359 : vector<16xi32> to vector<16xi32>
      %swap3A_361 = vector.shape_cast %get3A_353 : vector<16xi32> to vector<16xi32>
      tpu.vector_store %arg10[%swap3A_358], %swap3A_361 {strides = array<i32>} : memref<16384xi32, #tpu.memory_space<vmem>>, vector<16xi32>,
      %add3A_362 = arith.constant 48 : i32
      %add3A_363 = arith.addi %select_n3A_319, %add3A_362 : i32
      %get3A_364 = arith.index_cast %add3A_313 : i32 to index
      %get3A_365 = arith.index_cast %add3A_363 : i32 to index
      %get3A_366 = tpu.vector_load %arg9[%get3A_364, %get3A_365] {strides = array<i32>} : memref<256x128xi32, #tpu.memory_space<vmem>>, vector<1x16xi32>,
      %get3A_367 = vector.shape_cast %get3A_366 : vector<1x16xi32> to vector<16xi32>
      %mul3A_368 = arith.constant 64 : i32
      %mul3A_369 = arith.muli %add3A_313, %mul3A_368 : i32
      %add3A_370 = arith.constant 48 : i32
      %add3A_371 = arith.addi %mul3A_369, %add3A_370 : i32
      %swap3A_372 = arith.index_cast %add3A_371 : i32 to index
      %swap3A_373 = tpu.vector_load %arg10[%swap3A_372] {strides = array<i32>} : memref<16384xi32, #tpu.memory_space<vmem>>, vector<16xi32>,
      %swap3A_374 = vector.shape_cast %swap3A_373 : vector<16xi32> to vector<16xi32>
      %swap3A_375 = vector.shape_cast %get3A_367 : vector<16xi32> to vector<16xi32>
      tpu.vector_store %arg10[%swap3A_372], %swap3A_375 {strides = array<i32>} : memref<16384xi32, #tpu.memory_space<vmem>>, vector<16xi32>,
      %add3A_376 = arith.constant 5 : i32
      %add3A_377 = arith.addi %mul3A_54, %add3A_376 : i32
      %slice3A_378 = vector.extract_strided_slice %get3A_59 {offsets = [5], sizes = [1], strides = [1]} : vector<16xi32> to vector<1xi32>
      %squeeze3A_379 = vector.extract %slice3A_378[0] : i32 from vector<1xi32>
      %ge3A_380 = arith.cmpi sge, %squeeze3A_379, %squeeze3A : i32
      %jit3A_381 = arith.constant 64 : i32
      %jit3A_382 = arith.constant 0 : i32
      %select_n3A_383 = arith.select %ge3A_380, %jit3A_381, %jit3A_382 : i32
      %add3A_384 = arith.constant 0 : i32
      %add3A_385 = arith.addi %select_n3A_383, %add3A_384 : i32
      %get3A_386 = arith.index_cast %add3A_377 : i32 to index
      %get3A_387 = arith.index_cast %add3A_385 : i32 to index
      %get3A_388 = tpu.vector_load %arg9[%get3A_386, %get3A_387] {strides = array<i32>} : memref<256x128xi32, #tpu.memory_space<vmem>>, vector<1x16xi32>,
      %get3A_389 = vector.shape_cast %get3A_388 : vector<1x16xi32> to vector<16xi32>
      %mul3A_390 = arith.constant 64 : i32
      %mul3A_391 = arith.muli %add3A_377, %mul3A_390 : i32
      %add3A_392 = arith.constant 0 : i32
      %add3A_393 = arith.addi %mul3A_391, %add3A_392 : i32
      %swap3A_394 = arith.index_cast %add3A_393 : i32 to index
      %swap3A_395 = tpu.vector_load %arg10[%swap3A_394] {strides = array<i32>} : memref<16384xi32, #tpu.memory_space<vmem>>, vector<16xi32>,
      %swap3A_396 = vector.shape_cast %swap3A_395 : vector<16xi32> to vector<16xi32>
      %swap3A_397 = vector.shape_cast %get3A_389 : vector<16xi32> to vector<16xi32>
      tpu.vector_store %arg10[%swap3A_394], %swap3A_397 {strides = array<i32>} : memref<16384xi32, #tpu.memory_space<vmem>>, vector<16xi32>,
      %add3A_398 = arith.constant 16 : i32
      %add3A_399 = arith.addi %select_n3A_383, %add3A_398 : i32
      %get3A_400 = arith.index_cast %add3A_377 : i32 to index
      %get3A_401 = arith.index_cast %add3A_399 : i32 to index
      %get3A_402 = tpu.vector_load %arg9[%get3A_400, %get3A_401] {strides = array<i32>} : memref<256x128xi32, #tpu.memory_space<vmem>>, vector<1x16xi32>,
      %get3A_403 = vector.shape_cast %get3A_402 : vector<1x16xi32> to vector<16xi32>
      %mul3A_404 = arith.constant 64 : i32
      %mul3A_405 = arith.muli %add3A_377, %mul3A_404 : i32
      %add3A_406 = arith.constant 16 : i32
      %add3A_407 = arith.addi %mul3A_405, %add3A_406 : i32
      %swap3A_408 = arith.index_cast %add3A_407 : i32 to index
      %swap3A_409 = tpu.vector_load %arg10[%swap3A_408] {strides = array<i32>} : memref<16384xi32, #tpu.memory_space<vmem>>, vector<16xi32>,
      %swap3A_410 = vector.shape_cast %swap3A_409 : vector<16xi32> to vector<16xi32>
      %swap3A_411 = vector.shape_cast %get3A_403 : vector<16xi32> to vector<16xi32>
      tpu.vector_store %arg10[%swap3A_408], %swap3A_411 {strides = array<i32>} : memref<16384xi32, #tpu.memory_space<vmem>>, vector<16xi32>,
      %add3A_412 = arith.constant 32 : i32
      %add3A_413 = arith.addi %select_n3A_383, %add3A_412 : i32
      %get3A_414 = arith.index_cast %add3A_377 : i32 to index
      %get3A_415 = arith.index_cast %add3A_413 : i32 to index
      %get3A_416 = tpu.vector_load %arg9[%get3A_414, %get3A_415] {strides = array<i32>} : memref<256x128xi32, #tpu.memory_space<vmem>>, vector<1x16xi32>,
      %get3A_417 = vector.shape_cast %get3A_416 : vector<1x16xi32> to vector<16xi32>
      %mul3A_418 = arith.constant 64 : i32
      %mul3A_419 = arith.muli %add3A_377, %mul3A_418 : i32
      %add3A_420 = arith.constant 32 : i32
      %add3A_421 = arith.addi %mul3A_419, %add3A_420 : i32
      %swap3A_422 = arith.index_cast %add3A_421 : i32 to index
      %swap3A_423 = tpu.vector_load %arg10[%swap3A_422] {strides = array<i32>} : memref<16384xi32, #tpu.memory_space<vmem>>, vector<16xi32>,
      %swap3A_424 = vector.shape_cast %swap3A_423 : vector<16xi32> to vector<16xi32>
      %swap3A_425 = vector.shape_cast %get3A_417 : vector<16xi32> to vector<16xi32>
      tpu.vector_store %arg10[%swap3A_422], %swap3A_425 {strides = array<i32>} : memref<16384xi32, #tpu.memory_space<vmem>>, vector<16xi32>,
      %add3A_426 = arith.constant 48 : i32
      %add3A_427 = arith.addi %select_n3A_383, %add3A_426 : i32
      %get3A_428 = arith.index_cast %add3A_377 : i32 to index
      %get3A_429 = arith.index_cast %add3A_427 : i32 to index
      %get3A_430 = tpu.vector_load %arg9[%get3A_428, %get3A_429] {strides = array<i32>} : memref<256x128xi32, #tpu.memory_space<vmem>>, vector<1x16xi32>,
      %get3A_431 = vector.shape_cast %get3A_430 : vector<1x16xi32> to vector<16xi32>
      %mul3A_432 = arith.constant 64 : i32
      %mul3A_433 = arith.muli %add3A_377, %mul3A_432 : i32
      %add3A_434 = arith.constant 48 : i32
      %add3A_435 = arith.addi %mul3A_433, %add3A_434 : i32
      %swap3A_436 = arith.index_cast %add3A_435 : i32 to index
      %swap3A_437 = tpu.vector_load %arg10[%swap3A_436] {strides = array<i32>} : memref<16384xi32, #tpu.memory_space<vmem>>, vector<16xi32>,
      %swap3A_438 = vector.shape_cast %swap3A_437 : vector<16xi32> to vector<16xi32>
      %swap3A_439 = vector.shape_cast %get3A_431 : vector<16xi32> to vector<16xi32>
      tpu.vector_store %arg10[%swap3A_436], %swap3A_439 {strides = array<i32>} : memref<16384xi32, #tpu.memory_space<vmem>>, vector<16xi32>,
      %add3A_440 = arith.constant 6 : i32
      %add3A_441 = arith.addi %mul3A_54, %add3A_440 : i32
      %slice3A_442 = vector.extract_strided_slice %get3A_59 {offsets = [6], sizes = [1], strides = [1]} : vector<16xi32> to vector<1xi32>
      %squeeze3A_443 = vector.extract %slice3A_442[0] : i32 from vector<1xi32>
      %ge3A_444 = arith.cmpi sge, %squeeze3A_443, %squeeze3A : i32
      %jit3A_445 = arith.constant 64 : i32
      %jit3A_446 = arith.constant 0 : i32
      %select_n3A_447 = arith.select %ge3A_444, %jit3A_445, %jit3A_446 : i32
      %add3A_448 = arith.constant 0 : i32
      %add3A_449 = arith.addi %select_n3A_447, %add3A_448 : i32
      %get3A_450 = arith.index_cast %add3A_441 : i32 to index
      %get3A_451 = arith.index_cast %add3A_449 : i32 to index
      %get3A_452 = tpu.vector_load %arg9[%get3A_450, %get3A_451] {strides = array<i32>} : memref<256x128xi32, #tpu.memory_space<vmem>>, vector<1x16xi32>,
      %get3A_453 = vector.shape_cast %get3A_452 : vector<1x16xi32> to vector<16xi32>
      %mul3A_454 = arith.constant 64 : i32
      %mul3A_455 = arith.muli %add3A_441, %mul3A_454 : i32
      %add3A_456 = arith.constant 0 : i32
      %add3A_457 = arith.addi %mul3A_455, %add3A_456 : i32
      %swap3A_458 = arith.index_cast %add3A_457 : i32 to index
      %swap3A_459 = tpu.vector_load %arg10[%swap3A_458] {strides = array<i32>} : memref<16384xi32, #tpu.memory_space<vmem>>, vector<16xi32>,
      %swap3A_460 = vector.shape_cast %swap3A_459 : vector<16xi32> to vector<16xi32>
      %swap3A_461 = vector.shape_cast %get3A_453 : vector<16xi32> to vector<16xi32>
      tpu.vector_store %arg10[%swap3A_458], %swap3A_461 {strides = array<i32>} : memref<16384xi32, #tpu.memory_space<vmem>>, vector<16xi32>,
      %add3A_462 = arith.constant 16 : i32
      %add3A_463 = arith.addi %select_n3A_447, %add3A_462 : i32
      %get3A_464 = arith.index_cast %add3A_441 : i32 to index
      %get3A_465 = arith.index_cast %add3A_463 : i32 to index
      %get3A_466 = tpu.vector_load %arg9[%get3A_464, %get3A_465] {strides = array<i32>} : memref<256x128xi32, #tpu.memory_space<vmem>>, vector<1x16xi32>,
      %get3A_467 = vector.shape_cast %get3A_466 : vector<1x16xi32> to vector<16xi32>
      %mul3A_468 = arith.constant 64 : i32
      %mul3A_469 = arith.muli %add3A_441, %mul3A_468 : i32
      %add3A_470 = arith.constant 16 : i32
      %add3A_471 = arith.addi %mul3A_469, %add3A_470 : i32
      %swap3A_472 = arith.index_cast %add3A_471 : i32 to index
      %swap3A_473 = tpu.vector_load %arg10[%swap3A_472] {strides = array<i32>} : memref<16384xi32, #tpu.memory_space<vmem>>, vector<16xi32>,
      %swap3A_474 = vector.shape_cast %swap3A_473 : vector<16xi32> to vector<16xi32>
      %swap3A_475 = vector.shape_cast %get3A_467 : vector<16xi32> to vector<16xi32>
      tpu.vector_store %arg10[%swap3A_472], %swap3A_475 {strides = array<i32>} : memref<16384xi32, #tpu.memory_space<vmem>>, vector<16xi32>,
      %add3A_476 = arith.constant 32 : i32
      %add3A_477 = arith.addi %select_n3A_447, %add3A_476 : i32
      %get3A_478 = arith.index_cast %add3A_441 : i32 to index
      %get3A_479 = arith.index_cast %add3A_477 : i32 to index
      %get3A_480 = tpu.vector_load %arg9[%get3A_478, %get3A_479] {strides = array<i32>} : memref<256x128xi32, #tpu.memory_space<vmem>>, vector<1x16xi32>,
      %get3A_481 = vector.shape_cast %get3A_480 : vector<1x16xi32> to vector<16xi32>
      %mul3A_482 = arith.constant 64 : i32
      %mul3A_483 = arith.muli %add3A_441, %mul3A_482 : i32
      %add3A_484 = arith.constant 32 : i32
      %add3A_485 = arith.addi %mul3A_483, %add3A_484 : i32
      %swap3A_486 = arith.index_cast %add3A_485 : i32 to index
      %swap3A_487 = tpu.vector_load %arg10[%swap3A_486] {strides = array<i32>} : memref<16384xi32, #tpu.memory_space<vmem>>, vector<16xi32>,
      %swap3A_488 = vector.shape_cast %swap3A_487 : vector<16xi32> to vector<16xi32>
      %swap3A_489 = vector.shape_cast %get3A_481 : vector<16xi32> to vector<16xi32>
      tpu.vector_store %arg10[%swap3A_486], %swap3A_489 {strides = array<i32>} : memref<16384xi32, #tpu.memory_space<vmem>>, vector<16xi32>,
      %add3A_490 = arith.constant 48 : i32
      %add3A_491 = arith.addi %select_n3A_447, %add3A_490 : i32
      %get3A_492 = arith.index_cast %add3A_441 : i32 to index
      %get3A_493 = arith.index_cast %add3A_491 : i32 to index
      %get3A_494 = tpu.vector_load %arg9[%get3A_492, %get3A_493] {strides = array<i32>} : memref<256x128xi32, #tpu.memory_space<vmem>>, vector<1x16xi32>,
      %get3A_495 = vector.shape_cast %get3A_494 : vector<1x16xi32> to vector<16xi32>
      %mul3A_496 = arith.constant 64 : i32
      %mul3A_497 = arith.muli %add3A_441, %mul3A_496 : i32
      %add3A_498 = arith.constant 48 : i32
      %add3A_499 = arith.addi %mul3A_497, %add3A_498 : i32
      %swap3A_500 = arith.index_cast %add3A_499 : i32 to index
      %swap3A_501 = tpu.vector_load %arg10[%swap3A_500] {strides = array<i32>} : memref<16384xi32, #tpu.memory_space<vmem>>, vector<16xi32>,
      %swap3A_502 = vector.shape_cast %swap3A_501 : vector<16xi32> to vector<16xi32>
      %swap3A_503 = vector.shape_cast %get3A_495 : vector<16xi32> to vector<16xi32>
      tpu.vector_store %arg10[%swap3A_500], %swap3A_503 {strides = array<i32>} : memref<16384xi32, #tpu.memory_space<vmem>>, vector<16xi32>,
      %add3A_504 = arith.constant 7 : i32
      %add3A_505 = arith.addi %mul3A_54, %add3A_504 : i32
      %slice3A_506 = vector.extract_strided_slice %get3A_59 {offsets = [7], sizes = [1], strides = [1]} : vector<16xi32> to vector<1xi32>
      %squeeze3A_507 = vector.extract %slice3A_506[0] : i32 from vector<1xi32>
      %ge3A_508 = arith.cmpi sge, %squeeze3A_507, %squeeze3A : i32
      %jit3A_509 = arith.constant 64 : i32
      %jit3A_510 = arith.constant 0 : i32
      %select_n3A_511 = arith.select %ge3A_508, %jit3A_509, %jit3A_510 : i32
      %add3A_512 = arith.constant 0 : i32
      %add3A_513 = arith.addi %select_n3A_511, %add3A_512 : i32
      %get3A_514 = arith.index_cast %add3A_505 : i32 to index
      %get3A_515 = arith.index_cast %add3A_513 : i32 to index
      %get3A_516 = tpu.vector_load %arg9[%get3A_514, %get3A_515] {strides = array<i32>} : memref<256x128xi32, #tpu.memory_space<vmem>>, vector<1x16xi32>,
      %get3A_517 = vector.shape_cast %get3A_516 : vector<1x16xi32> to vector<16xi32>
      %mul3A_518 = arith.constant 64 : i32
      %mul3A_519 = arith.muli %add3A_505, %mul3A_518 : i32
      %add3A_520 = arith.constant 0 : i32
      %add3A_521 = arith.addi %mul3A_519, %add3A_520 : i32
      %swap3A_522 = arith.index_cast %add3A_521 : i32 to index
      %swap3A_523 = tpu.vector_load %arg10[%swap3A_522] {strides = array<i32>} : memref<16384xi32, #tpu.memory_space<vmem>>, vector<16xi32>,
      %swap3A_524 = vector.shape_cast %swap3A_523 : vector<16xi32> to vector<16xi32>
      %swap3A_525 = vector.shape_cast %get3A_517 : vector<16xi32> to vector<16xi32>
      tpu.vector_store %arg10[%swap3A_522], %swap3A_525 {strides = array<i32>} : memref<16384xi32, #tpu.memory_space<vmem>>, vector<16xi32>,
      %add3A_526 = arith.constant 16 : i32
      %add3A_527 = arith.addi %select_n3A_511, %add3A_526 : i32
      %get3A_528 = arith.index_cast %add3A_505 : i32 to index
      %get3A_529 = arith.index_cast %add3A_527 : i32 to index
      %get3A_530 = tpu.vector_load %arg9[%get3A_528, %get3A_529] {strides = array<i32>} : memref<256x128xi32, #tpu.memory_space<vmem>>, vector<1x16xi32>,
      %get3A_531 = vector.shape_cast %get3A_530 : vector<1x16xi32> to vector<16xi32>
      %mul3A_532 = arith.constant 64 : i32
      %mul3A_533 = arith.muli %add3A_505, %mul3A_532 : i32
      %add3A_534 = arith.constant 16 : i32
      %add3A_535 = arith.addi %mul3A_533, %add3A_534 : i32
      %swap3A_536 = arith.index_cast %add3A_535 : i32 to index
      %swap3A_537 = tpu.vector_load %arg10[%swap3A_536] {strides = array<i32>} : memref<16384xi32, #tpu.memory_space<vmem>>, vector<16xi32>,
      %swap3A_538 = vector.shape_cast %swap3A_537 : vector<16xi32> to vector<16xi32>
      %swap3A_539 = vector.shape_cast %get3A_531 : vector<16xi32> to vector<16xi32>
      tpu.vector_store %arg10[%swap3A_536], %swap3A_539 {strides = array<i32>} : memref<16384xi32, #tpu.memory_space<vmem>>, vector<16xi32>,
      %add3A_540 = arith.constant 32 : i32
      %add3A_541 = arith.addi %select_n3A_511, %add3A_540 : i32
      %get3A_542 = arith.index_cast %add3A_505 : i32 to index
      %get3A_543 = arith.index_cast %add3A_541 : i32 to index
      %get3A_544 = tpu.vector_load %arg9[%get3A_542, %get3A_543] {strides = array<i32>} : memref<256x128xi32, #tpu.memory_space<vmem>>, vector<1x16xi32>,
      %get3A_545 = vector.shape_cast %get3A_544 : vector<1x16xi32> to vector<16xi32>
      %mul3A_546 = arith.constant 64 : i32
      %mul3A_547 = arith.muli %add3A_505, %mul3A_546 : i32
      %add3A_548 = arith.constant 32 : i32
      %add3A_549 = arith.addi %mul3A_547, %add3A_548 : i32
      %swap3A_550 = arith.index_cast %add3A_549 : i32 to index
      %swap3A_551 = tpu.vector_load %arg10[%swap3A_550] {strides = array<i32>} : memref<16384xi32, #tpu.memory_space<vmem>>, vector<16xi32>,
      %swap3A_552 = vector.shape_cast %swap3A_551 : vector<16xi32> to vector<16xi32>
      %swap3A_553 = vector.shape_cast %get3A_545 : vector<16xi32> to vector<16xi32>
      tpu.vector_store %arg10[%swap3A_550], %swap3A_553 {strides = array<i32>} : memref<16384xi32, #tpu.memory_space<vmem>>, vector<16xi32>,
      %add3A_554 = arith.constant 48 : i32
      %add3A_555 = arith.addi %select_n3A_511, %add3A_554 : i32
      %get3A_556 = arith.index_cast %add3A_505 : i32 to index
      %get3A_557 = arith.index_cast %add3A_555 : i32 to index
      %get3A_558 = tpu.vector_load %arg9[%get3A_556, %get3A_557] {strides = array<i32>} : memref<256x128xi32, #tpu.memory_space<vmem>>, vector<1x16xi32>,
      %get3A_559 = vector.shape_cast %get3A_558 : vector<1x16xi32> to vector<16xi32>
      %mul3A_560 = arith.constant 64 : i32
      %mul3A_561 = arith.muli %add3A_505, %mul3A_560 : i32
      %add3A_562 = arith.constant 48 : i32
      %add3A_563 = arith.addi %mul3A_561, %add3A_562 : i32
      %swap3A_564 = arith.index_cast %add3A_563 : i32 to index
      %swap3A_565 = tpu.vector_load %arg10[%swap3A_564] {strides = array<i32>} : memref<16384xi32, #tpu.memory_space<vmem>>, vector<16xi32>,
      %swap3A_566 = vector.shape_cast %swap3A_565 : vector<16xi32> to vector<16xi32>
      %swap3A_567 = vector.shape_cast %get3A_559 : vector<16xi32> to vector<16xi32>
      tpu.vector_store %arg10[%swap3A_564], %swap3A_567 {strides = array<i32>} : memref<16384xi32, #tpu.memory_space<vmem>>, vector<16xi32>,
      %add3A_568 = arith.constant 8 : i32
      %add3A_569 = arith.addi %mul3A_54, %add3A_568 : i32
      %slice3A_570 = vector.extract_strided_slice %get3A_59 {offsets = [8], sizes = [1], strides = [1]} : vector<16xi32> to vector<1xi32>
      %squeeze3A_571 = vector.extract %slice3A_570[0] : i32 from vector<1xi32>
      %ge3A_572 = arith.cmpi sge, %squeeze3A_571, %squeeze3A : i32
      %jit3A_573 = arith.constant 64 : i32
      %jit3A_574 = arith.constant 0 : i32
      %select_n3A_575 = arith.select %ge3A_572, %jit3A_573, %jit3A_574 : i32
      %add3A_576 = arith.constant 0 : i32
      %add3A_577 = arith.addi %select_n3A_575, %add3A_576 : i32
      %get3A_578 = arith.index_cast %add3A_569 : i32 to index
      %get3A_579 = arith.index_cast %add3A_577 : i32 to index
      %get3A_580 = tpu.vector_load %arg9[%get3A_578, %get3A_579] {strides = array<i32>} : memref<256x128xi32, #tpu.memory_space<vmem>>, vector<1x16xi32>,
      %get3A_581 = vector.shape_cast %get3A_580 : vector<1x16xi32> to vector<16xi32>
      %mul3A_582 = arith.constant 64 : i32
      %mul3A_583 = arith.muli %add3A_569, %mul3A_582 : i32
      %add3A_584 = arith.constant 0 : i32
      %add3A_585 = arith.addi %mul3A_583, %add3A_584 : i32
      %swap3A_586 = arith.index_cast %add3A_585 : i32 to index
      %swap3A_587 = tpu.vector_load %arg10[%swap3A_586] {strides = array<i32>} : memref<16384xi32, #tpu.memory_space<vmem>>, vector<16xi32>,
      %swap3A_588 = vector.shape_cast %swap3A_587 : vector<16xi32> to vector<16xi32>
      %swap3A_589 = vector.shape_cast %get3A_581 : vector<16xi32> to vector<16xi32>
      tpu.vector_store %arg10[%swap3A_586], %swap3A_589 {strides = array<i32>} : memref<16384xi32, #tpu.memory_space<vmem>>, vector<16xi32>,
      %add3A_590 = arith.constant 16 : i32
      %add3A_591 = arith.addi %select_n3A_575, %add3A_590 : i32
      %get3A_592 = arith.index_cast %add3A_569 : i32 to index
      %get3A_593 = arith.index_cast %add3A_591 : i32 to index
      %get3A_594 = tpu.vector_load %arg9[%get3A_592, %get3A_593] {strides = array<i32>} : memref<256x128xi32, #tpu.memory_space<vmem>>, vector<1x16xi32>,
      %get3A_595 = vector.shape_cast %get3A_594 : vector<1x16xi32> to vector<16xi32>
      %mul3A_596 = arith.constant 64 : i32
      %mul3A_597 = arith.muli %add3A_569, %mul3A_596 : i32
      %add3A_598 = arith.constant 16 : i32
      %add3A_599 = arith.addi %mul3A_597, %add3A_598 : i32
      %swap3A_600 = arith.index_cast %add3A_599 : i32 to index
      %swap3A_601 = tpu.vector_load %arg10[%swap3A_600] {strides = array<i32>} : memref<16384xi32, #tpu.memory_space<vmem>>, vector<16xi32>,
      %swap3A_602 = vector.shape_cast %swap3A_601 : vector<16xi32> to vector<16xi32>
      %swap3A_603 = vector.shape_cast %get3A_595 : vector<16xi32> to vector<16xi32>
      tpu.vector_store %arg10[%swap3A_600], %swap3A_603 {strides = array<i32>} : memref<16384xi32, #tpu.memory_space<vmem>>, vector<16xi32>,
      %add3A_604 = arith.constant 32 : i32
      %add3A_605 = arith.addi %select_n3A_575, %add3A_604 : i32
      %get3A_606 = arith.index_cast %add3A_569 : i32 to index
      %get3A_607 = arith.index_cast %add3A_605 : i32 to index
      %get3A_608 = tpu.vector_load %arg9[%get3A_606, %get3A_607] {strides = array<i32>} : memref<256x128xi32, #tpu.memory_space<vmem>>, vector<1x16xi32>,
      %get3A_609 = vector.shape_cast %get3A_608 : vector<1x16xi32> to vector<16xi32>
      %mul3A_610 = arith.constant 64 : i32
      %mul3A_611 = arith.muli %add3A_569, %mul3A_610 : i32
      %add3A_612 = arith.constant 32 : i32
      %add3A_613 = arith.addi %mul3A_611, %add3A_612 : i32
      %swap3A_614 = arith.index_cast %add3A_613 : i32 to index
      %swap3A_615 = tpu.vector_load %arg10[%swap3A_614] {strides = array<i32>} : memref<16384xi32, #tpu.memory_space<vmem>>, vector<16xi32>,
      %swap3A_616 = vector.shape_cast %swap3A_615 : vector<16xi32> to vector<16xi32>
      %swap3A_617 = vector.shape_cast %get3A_609 : vector<16xi32> to vector<16xi32>
      tpu.vector_store %arg10[%swap3A_614], %swap3A_617 {strides = array<i32>} : memref<16384xi32, #tpu.memory_space<vmem>>, vector<16xi32>,
      %add3A_618 = arith.constant 48 : i32
      %add3A_619 = arith.addi %select_n3A_575, %add3A_618 : i32
      %get3A_620 = arith.index_cast %add3A_569 : i32 to index
      %get3A_621 = arith.index_cast %add3A_619 : i32 to index
      %get3A_622 = tpu.vector_load %arg9[%get3A_620, %get3A_621] {strides = array<i32>} : memref<256x128xi32, #tpu.memory_space<vmem>>, vector<1x16xi32>,
      %get3A_623 = vector.shape_cast %get3A_622 : vector<1x16xi32> to vector<16xi32>
      %mul3A_624 = arith.constant 64 : i32
      %mul3A_625 = arith.muli %add3A_569, %mul3A_624 : i32
      %add3A_626 = arith.constant 48 : i32
      %add3A_627 = arith.addi %mul3A_625, %add3A_626 : i32
      %swap3A_628 = arith.index_cast %add3A_627 : i32 to index
      %swap3A_629 = tpu.vector_load %arg10[%swap3A_628] {strides = array<i32>} : memref<16384xi32, #tpu.memory_space<vmem>>, vector<16xi32>,
      %swap3A_630 = vector.shape_cast %swap3A_629 : vector<16xi32> to vector<16xi32>
      %swap3A_631 = vector.shape_cast %get3A_623 : vector<16xi32> to vector<16xi32>
      tpu.vector_store %arg10[%swap3A_628], %swap3A_631 {strides = array<i32>} : memref<16384xi32, #tpu.memory_space<vmem>>, vector<16xi32>,
      %add3A_632 = arith.constant 9 : i32
      %add3A_633 = arith.addi %mul3A_54, %add3A_632 : i32
      %slice3A_634 = vector.extract_strided_slice %get3A_59 {offsets = [9], sizes = [1], strides = [1]} : vector<16xi32> to vector<1xi32>
      %squeeze3A_635 = vector.extract %slice3A_634[0] : i32 from vector<1xi32>
      %ge3A_636 = arith.cmpi sge, %squeeze3A_635, %squeeze3A : i32
      %jit3A_637 = arith.constant 64 : i32
      %jit3A_638 = arith.constant 0 : i32
      %select_n3A_639 = arith.select %ge3A_636, %jit3A_637, %jit3A_638 : i32
      %add3A_640 = arith.constant 0 : i32
      %add3A_641 = arith.addi %select_n3A_639, %add3A_640 : i32
      %get3A_642 = arith.index_cast %add3A_633 : i32 to index
      %get3A_643 = arith.index_cast %add3A_641 : i32 to index
      %get3A_644 = tpu.vector_load %arg9[%get3A_642, %get3A_643] {strides = array<i32>} : memref<256x128xi32, #tpu.memory_space<vmem>>, vector<1x16xi32>,
      %get3A_645 = vector.shape_cast %get3A_644 : vector<1x16xi32> to vector<16xi32>
      %mul3A_646 = arith.constant 64 : i32
      %mul3A_647 = arith.muli %add3A_633, %mul3A_646 : i32
      %add3A_648 = arith.constant 0 : i32
      %add3A_649 = arith.addi %mul3A_647, %add3A_648 : i32
      %swap3A_650 = arith.index_cast %add3A_649 : i32 to index
      %swap3A_651 = tpu.vector_load %arg10[%swap3A_650] {strides = array<i32>} : memref<16384xi32, #tpu.memory_space<vmem>>, vector<16xi32>,
      %swap3A_652 = vector.shape_cast %swap3A_651 : vector<16xi32> to vector<16xi32>
      %swap3A_653 = vector.shape_cast %get3A_645 : vector<16xi32> to vector<16xi32>
      tpu.vector_store %arg10[%swap3A_650], %swap3A_653 {strides = array<i32>} : memref<16384xi32, #tpu.memory_space<vmem>>, vector<16xi32>,
      %add3A_654 = arith.constant 16 : i32
      %add3A_655 = arith.addi %select_n3A_639, %add3A_654 : i32
      %get3A_656 = arith.index_cast %add3A_633 : i32 to index
      %get3A_657 = arith.index_cast %add3A_655 : i32 to index
      %get3A_658 = tpu.vector_load %arg9[%get3A_656, %get3A_657] {strides = array<i32>} : memref<256x128xi32, #tpu.memory_space<vmem>>, vector<1x16xi32>,
      %get3A_659 = vector.shape_cast %get3A_658 : vector<1x16xi32> to vector<16xi32>
      %mul3A_660 = arith.constant 64 : i32
      %mul3A_661 = arith.muli %add3A_633, %mul3A_660 : i32
      %add3A_662 = arith.constant 16 : i32
      %add3A_663 = arith.addi %mul3A_661, %add3A_662 : i32
      %swap3A_664 = arith.index_cast %add3A_663 : i32 to index
      %swap3A_665 = tpu.vector_load %arg10[%swap3A_664] {strides = array<i32>} : memref<16384xi32, #tpu.memory_space<vmem>>, vector<16xi32>,
      %swap3A_666 = vector.shape_cast %swap3A_665 : vector<16xi32> to vector<16xi32>
      %swap3A_667 = vector.shape_cast %get3A_659 : vector<16xi32> to vector<16xi32>
      tpu.vector_store %arg10[%swap3A_664], %swap3A_667 {strides = array<i32>} : memref<16384xi32, #tpu.memory_space<vmem>>, vector<16xi32>,
      %add3A_668 = arith.constant 32 : i32
      %add3A_669 = arith.addi %select_n3A_639, %add3A_668 : i32
      %get3A_670 = arith.index_cast %add3A_633 : i32 to index
      %get3A_671 = arith.index_cast %add3A_669 : i32 to index
      %get3A_672 = tpu.vector_load %arg9[%get3A_670, %get3A_671] {strides = array<i32>} : memref<256x128xi32, #tpu.memory_space<vmem>>, vector<1x16xi32>,
      %get3A_673 = vector.shape_cast %get3A_672 : vector<1x16xi32> to vector<16xi32>
      %mul3A_674 = arith.constant 64 : i32
      %mul3A_675 = arith.muli %add3A_633, %mul3A_674 : i32
      %add3A_676 = arith.constant 32 : i32
      %add3A_677 = arith.addi %mul3A_675, %add3A_676 : i32
      %swap3A_678 = arith.index_cast %add3A_677 : i32 to index
      %swap3A_679 = tpu.vector_load %arg10[%swap3A_678] {strides = array<i32>} : memref<16384xi32, #tpu.memory_space<vmem>>, vector<16xi32>,
      %swap3A_680 = vector.shape_cast %swap3A_679 : vector<16xi32> to vector<16xi32>
      %swap3A_681 = vector.shape_cast %get3A_673 : vector<16xi32> to vector<16xi32>
      tpu.vector_store %arg10[%swap3A_678], %swap3A_681 {strides = array<i32>} : memref<16384xi32, #tpu.memory_space<vmem>>, vector<16xi32>,
      %add3A_682 = arith.constant 48 : i32
      %add3A_683 = arith.addi %select_n3A_639, %add3A_682 : i32
      %get3A_684 = arith.index_cast %add3A_633 : i32 to index
      %get3A_685 = arith.index_cast %add3A_683 : i32 to index
      %get3A_686 = tpu.vector_load %arg9[%get3A_684, %get3A_685] {strides = array<i32>} : memref<256x128xi32, #tpu.memory_space<vmem>>, vector<1x16xi32>,
      %get3A_687 = vector.shape_cast %get3A_686 : vector<1x16xi32> to vector<16xi32>
      %mul3A_688 = arith.constant 64 : i32
      %mul3A_689 = arith.muli %add3A_633, %mul3A_688 : i32
      %add3A_690 = arith.constant 48 : i32
      %add3A_691 = arith.addi %mul3A_689, %add3A_690 : i32
      %swap3A_692 = arith.index_cast %add3A_691 : i32 to index
      %swap3A_693 = tpu.vector_load %arg10[%swap3A_692] {strides = array<i32>} : memref<16384xi32, #tpu.memory_space<vmem>>, vector<16xi32>,
      %swap3A_694 = vector.shape_cast %swap3A_693 : vector<16xi32> to vector<16xi32>
      %swap3A_695 = vector.shape_cast %get3A_687 : vector<16xi32> to vector<16xi32>
      tpu.vector_store %arg10[%swap3A_692], %swap3A_695 {strides = array<i32>} : memref<16384xi32, #tpu.memory_space<vmem>>, vector<16xi32>,
      %add3A_696 = arith.constant 10 : i32
      %add3A_697 = arith.addi %mul3A_54, %add3A_696 : i32
      %slice3A_698 = vector.extract_strided_slice %get3A_59 {offsets = [10], sizes = [1], strides = [1]} : vector<16xi32> to vector<1xi32>
      %squeeze3A_699 = vector.extract %slice3A_698[0] : i32 from vector<1xi32>
      %ge3A_700 = arith.cmpi sge, %squeeze3A_699, %squeeze3A : i32
      %jit3A_701 = arith.constant 64 : i32
      %jit3A_702 = arith.constant 0 : i32
      %select_n3A_703 = arith.select %ge3A_700, %jit3A_701, %jit3A_702 : i32
      %add3A_704 = arith.constant 0 : i32
      %add3A_705 = arith.addi %select_n3A_703, %add3A_704 : i32
      %get3A_706 = arith.index_cast %add3A_697 : i32 to index
      %get3A_707 = arith.index_cast %add3A_705 : i32 to index
      %get3A_708 = tpu.vector_load %arg9[%get3A_706, %get3A_707] {strides = array<i32>} : memref<256x128xi32, #tpu.memory_space<vmem>>, vector<1x16xi32>,
      %get3A_709 = vector.shape_cast %get3A_708 : vector<1x16xi32> to vector<16xi32>
      %mul3A_710 = arith.constant 64 : i32
      %mul3A_711 = arith.muli %add3A_697, %mul3A_710 : i32
      %add3A_712 = arith.constant 0 : i32
      %add3A_713 = arith.addi %mul3A_711, %add3A_712 : i32
      %swap3A_714 = arith.index_cast %add3A_713 : i32 to index
      %swap3A_715 = tpu.vector_load %arg10[%swap3A_714] {strides = array<i32>} : memref<16384xi32, #tpu.memory_space<vmem>>, vector<16xi32>,
      %swap3A_716 = vector.shape_cast %swap3A_715 : vector<16xi32> to vector<16xi32>
      %swap3A_717 = vector.shape_cast %get3A_709 : vector<16xi32> to vector<16xi32>
      tpu.vector_store %arg10[%swap3A_714], %swap3A_717 {strides = array<i32>} : memref<16384xi32, #tpu.memory_space<vmem>>, vector<16xi32>,
      %add3A_718 = arith.constant 16 : i32
      %add3A_719 = arith.addi %select_n3A_703, %add3A_718 : i32
      %get3A_720 = arith.index_cast %add3A_697 : i32 to index
      %get3A_721 = arith.index_cast %add3A_719 : i32 to index
      %get3A_722 = tpu.vector_load %arg9[%get3A_720, %get3A_721] {strides = array<i32>} : memref<256x128xi32, #tpu.memory_space<vmem>>, vector<1x16xi32>,
      %get3A_723 = vector.shape_cast %get3A_722 : vector<1x16xi32> to vector<16xi32>
      %mul3A_724 = arith.constant 64 : i32
      %mul3A_725 = arith.muli %add3A_697, %mul3A_724 : i32
      %add3A_726 = arith.constant 16 : i32
      %add3A_727 = arith.addi %mul3A_725, %add3A_726 : i32
      %swap3A_728 = arith.index_cast %add3A_727 : i32 to index
      %swap3A_729 = tpu.vector_load %arg10[%swap3A_728] {strides = array<i32>} : memref<16384xi32, #tpu.memory_space<vmem>>, vector<16xi32>,
      %swap3A_730 = vector.shape_cast %swap3A_729 : vector<16xi32> to vector<16xi32>
      %swap3A_731 = vector.shape_cast %get3A_723 : vector<16xi32> to vector<16xi32>
      tpu.vector_store %arg10[%swap3A_728], %swap3A_731 {strides = array<i32>} : memref<16384xi32, #tpu.memory_space<vmem>>, vector<16xi32>,
      %add3A_732 = arith.constant 32 : i32
      %add3A_733 = arith.addi %select_n3A_703, %add3A_732 : i32
      %get3A_734 = arith.index_cast %add3A_697 : i32 to index
      %get3A_735 = arith.index_cast %add3A_733 : i32 to index
      %get3A_736 = tpu.vector_load %arg9[%get3A_734, %get3A_735] {strides = array<i32>} : memref<256x128xi32, #tpu.memory_space<vmem>>, vector<1x16xi32>,
      %get3A_737 = vector.shape_cast %get3A_736 : vector<1x16xi32> to vector<16xi32>
      %mul3A_738 = arith.constant 64 : i32
      %mul3A_739 = arith.muli %add3A_697, %mul3A_738 : i32
      %add3A_740 = arith.constant 32 : i32
      %add3A_741 = arith.addi %mul3A_739, %add3A_740 : i32
      %swap3A_742 = arith.index_cast %add3A_741 : i32 to index
      %swap3A_743 = tpu.vector_load %arg10[%swap3A_742] {strides = array<i32>} : memref<16384xi32, #tpu.memory_space<vmem>>, vector<16xi32>,
      %swap3A_744 = vector.shape_cast %swap3A_743 : vector<16xi32> to vector<16xi32>
      %swap3A_745 = vector.shape_cast %get3A_737 : vector<16xi32> to vector<16xi32>
      tpu.vector_store %arg10[%swap3A_742], %swap3A_745 {strides = array<i32>} : memref<16384xi32, #tpu.memory_space<vmem>>, vector<16xi32>,
      %add3A_746 = arith.constant 48 : i32
      %add3A_747 = arith.addi %select_n3A_703, %add3A_746 : i32
      %get3A_748 = arith.index_cast %add3A_697 : i32 to index
      %get3A_749 = arith.index_cast %add3A_747 : i32 to index
      %get3A_750 = tpu.vector_load %arg9[%get3A_748, %get3A_749] {strides = array<i32>} : memref<256x128xi32, #tpu.memory_space<vmem>>, vector<1x16xi32>,
      %get3A_751 = vector.shape_cast %get3A_750 : vector<1x16xi32> to vector<16xi32>
      %mul3A_752 = arith.constant 64 : i32
      %mul3A_753 = arith.muli %add3A_697, %mul3A_752 : i32
      %add3A_754 = arith.constant 48 : i32
      %add3A_755 = arith.addi %mul3A_753, %add3A_754 : i32
      %swap3A_756 = arith.index_cast %add3A_755 : i32 to index
      %swap3A_757 = tpu.vector_load %arg10[%swap3A_756] {strides = array<i32>} : memref<16384xi32, #tpu.memory_space<vmem>>, vector<16xi32>,
      %swap3A_758 = vector.shape_cast %swap3A_757 : vector<16xi32> to vector<16xi32>
      %swap3A_759 = vector.shape_cast %get3A_751 : vector<16xi32> to vector<16xi32>
      tpu.vector_store %arg10[%swap3A_756], %swap3A_759 {strides = array<i32>} : memref<16384xi32, #tpu.memory_space<vmem>>, vector<16xi32>,
      %add3A_760 = arith.constant 11 : i32
      %add3A_761 = arith.addi %mul3A_54, %add3A_760 : i32
      %slice3A_762 = vector.extract_strided_slice %get3A_59 {offsets = [11], sizes = [1], strides = [1]} : vector<16xi32> to vector<1xi32>
      %squeeze3A_763 = vector.extract %slice3A_762[0] : i32 from vector<1xi32>
      %ge3A_764 = arith.cmpi sge, %squeeze3A_763, %squeeze3A : i32
      %jit3A_765 = arith.constant 64 : i32
      %jit3A_766 = arith.constant 0 : i32
      %select_n3A_767 = arith.select %ge3A_764, %jit3A_765, %jit3A_766 : i32
      %add3A_768 = arith.constant 0 : i32
      %add3A_769 = arith.addi %select_n3A_767, %add3A_768 : i32
      %get3A_770 = arith.index_cast %add3A_761 : i32 to index
      %get3A_771 = arith.index_cast %add3A_769 : i32 to index
      %get3A_772 = tpu.vector_load %arg9[%get3A_770, %get3A_771] {strides = array<i32>} : memref<256x128xi32, #tpu.memory_space<vmem>>, vector<1x16xi32>,
      %get3A_773 = vector.shape_cast %get3A_772 : vector<1x16xi32> to vector<16xi32>
      %mul3A_774 = arith.constant 64 : i32
      %mul3A_775 = arith.muli %add3A_761, %mul3A_774 : i32
      %add3A_776 = arith.constant 0 : i32
      %add3A_777 = arith.addi %mul3A_775, %add3A_776 : i32
      %swap3A_778 = arith.index_cast %add3A_777 : i32 to index
      %swap3A_779 = tpu.vector_load %arg10[%swap3A_778] {strides = array<i32>} : memref<16384xi32, #tpu.memory_space<vmem>>, vector<16xi32>,
      %swap3A_780 = vector.shape_cast %swap3A_779 : vector<16xi32> to vector<16xi32>
      %swap3A_781 = vector.shape_cast %get3A_773 : vector<16xi32> to vector<16xi32>
      tpu.vector_store %arg10[%swap3A_778], %swap3A_781 {strides = array<i32>} : memref<16384xi32, #tpu.memory_space<vmem>>, vector<16xi32>,
      %add3A_782 = arith.constant 16 : i32
      %add3A_783 = arith.addi %select_n3A_767, %add3A_782 : i32
      %get3A_784 = arith.index_cast %add3A_761 : i32 to index
      %get3A_785 = arith.index_cast %add3A_783 : i32 to index
      %get3A_786 = tpu.vector_load %arg9[%get3A_784, %get3A_785] {strides = array<i32>} : memref<256x128xi32, #tpu.memory_space<vmem>>, vector<1x16xi32>,
      %get3A_787 = vector.shape_cast %get3A_786 : vector<1x16xi32> to vector<16xi32>
      %mul3A_788 = arith.constant 64 : i32
      %mul3A_789 = arith.muli %add3A_761, %mul3A_788 : i32
      %add3A_790 = arith.constant 16 : i32
      %add3A_791 = arith.addi %mul3A_789, %add3A_790 : i32
      %swap3A_792 = arith.index_cast %add3A_791 : i32 to index
      %swap3A_793 = tpu.vector_load %arg10[%swap3A_792] {strides = array<i32>} : memref<16384xi32, #tpu.memory_space<vmem>>, vector<16xi32>,
      %swap3A_794 = vector.shape_cast %swap3A_793 : vector<16xi32> to vector<16xi32>
      %swap3A_795 = vector.shape_cast %get3A_787 : vector<16xi32> to vector<16xi32>
      tpu.vector_store %arg10[%swap3A_792], %swap3A_795 {strides = array<i32>} : memref<16384xi32, #tpu.memory_space<vmem>>, vector<16xi32>,
      %add3A_796 = arith.constant 32 : i32
      %add3A_797 = arith.addi %select_n3A_767, %add3A_796 : i32
      %get3A_798 = arith.index_cast %add3A_761 : i32 to index
      %get3A_799 = arith.index_cast %add3A_797 : i32 to index
      %get3A_800 = tpu.vector_load %arg9[%get3A_798, %get3A_799] {strides = array<i32>} : memref<256x128xi32, #tpu.memory_space<vmem>>, vector<1x16xi32>,
      %get3A_801 = vector.shape_cast %get3A_800 : vector<1x16xi32> to vector<16xi32>
      %mul3A_802 = arith.constant 64 : i32
      %mul3A_803 = arith.muli %add3A_761, %mul3A_802 : i32
      %add3A_804 = arith.constant 32 : i32
      %add3A_805 = arith.addi %mul3A_803, %add3A_804 : i32
      %swap3A_806 = arith.index_cast %add3A_805 : i32 to index
      %swap3A_807 = tpu.vector_load %arg10[%swap3A_806] {strides = array<i32>} : memref<16384xi32, #tpu.memory_space<vmem>>, vector<16xi32>,
      %swap3A_808 = vector.shape_cast %swap3A_807 : vector<16xi32> to vector<16xi32>
      %swap3A_809 = vector.shape_cast %get3A_801 : vector<16xi32> to vector<16xi32>
      tpu.vector_store %arg10[%swap3A_806], %swap3A_809 {strides = array<i32>} : memref<16384xi32, #tpu.memory_space<vmem>>, vector<16xi32>,
      %add3A_810 = arith.constant 48 : i32
      %add3A_811 = arith.addi %select_n3A_767, %add3A_810 : i32
      %get3A_812 = arith.index_cast %add3A_761 : i32 to index
      %get3A_813 = arith.index_cast %add3A_811 : i32 to index
      %get3A_814 = tpu.vector_load %arg9[%get3A_812, %get3A_813] {strides = array<i32>} : memref<256x128xi32, #tpu.memory_space<vmem>>, vector<1x16xi32>,
      %get3A_815 = vector.shape_cast %get3A_814 : vector<1x16xi32> to vector<16xi32>
      %mul3A_816 = arith.constant 64 : i32
      %mul3A_817 = arith.muli %add3A_761, %mul3A_816 : i32
      %add3A_818 = arith.constant 48 : i32
      %add3A_819 = arith.addi %mul3A_817, %add3A_818 : i32
      %swap3A_820 = arith.index_cast %add3A_819 : i32 to index
      %swap3A_821 = tpu.vector_load %arg10[%swap3A_820] {strides = array<i32>} : memref<16384xi32, #tpu.memory_space<vmem>>, vector<16xi32>,
      %swap3A_822 = vector.shape_cast %swap3A_821 : vector<16xi32> to vector<16xi32>
      %swap3A_823 = vector.shape_cast %get3A_815 : vector<16xi32> to vector<16xi32>
      tpu.vector_store %arg10[%swap3A_820], %swap3A_823 {strides = array<i32>} : memref<16384xi32, #tpu.memory_space<vmem>>, vector<16xi32>,
      %add3A_824 = arith.constant 12 : i32
      %add3A_825 = arith.addi %mul3A_54, %add3A_824 : i32
      %slice3A_826 = vector.extract_strided_slice %get3A_59 {offsets = [12], sizes = [1], strides = [1]} : vector<16xi32> to vector<1xi32>
      %squeeze3A_827 = vector.extract %slice3A_826[0] : i32 from vector<1xi32>
      %ge3A_828 = arith.cmpi sge, %squeeze3A_827, %squeeze3A : i32
      %jit3A_829 = arith.constant 64 : i32
      %jit3A_830 = arith.constant 0 : i32
      %select_n3A_831 = arith.select %ge3A_828, %jit3A_829, %jit3A_830 : i32
      %add3A_832 = arith.constant 0 : i32
      %add3A_833 = arith.addi %select_n3A_831, %add3A_832 : i32
      %get3A_834 = arith.index_cast %add3A_825 : i32 to index
      %get3A_835 = arith.index_cast %add3A_833 : i32 to index
      %get3A_836 = tpu.vector_load %arg9[%get3A_834, %get3A_835] {strides = array<i32>} : memref<256x128xi32, #tpu.memory_space<vmem>>, vector<1x16xi32>,
      %get3A_837 = vector.shape_cast %get3A_836 : vector<1x16xi32> to vector<16xi32>
      %mul3A_838 = arith.constant 64 : i32
      %mul3A_839 = arith.muli %add3A_825, %mul3A_838 : i32
      %add3A_840 = arith.constant 0 : i32
      %add3A_841 = arith.addi %mul3A_839, %add3A_840 : i32
      %swap3A_842 = arith.index_cast %add3A_841 : i32 to index
      %swap3A_843 = tpu.vector_load %arg10[%swap3A_842] {strides = array<i32>} : memref<16384xi32, #tpu.memory_space<vmem>>, vector<16xi32>,
      %swap3A_844 = vector.shape_cast %swap3A_843 : vector<16xi32> to vector<16xi32>
      %swap3A_845 = vector.shape_cast %get3A_837 : vector<16xi32> to vector<16xi32>
      tpu.vector_store %arg10[%swap3A_842], %swap3A_845 {strides = array<i32>} : memref<16384xi32, #tpu.memory_space<vmem>>, vector<16xi32>,
      %add3A_846 = arith.constant 16 : i32
      %add3A_847 = arith.addi %select_n3A_831, %add3A_846 : i32
      %get3A_848 = arith.index_cast %add3A_825 : i32 to index
      %get3A_849 = arith.index_cast %add3A_847 : i32 to index
      %get3A_850 = tpu.vector_load %arg9[%get3A_848, %get3A_849] {strides = array<i32>} : memref<256x128xi32, #tpu.memory_space<vmem>>, vector<1x16xi32>,
      %get3A_851 = vector.shape_cast %get3A_850 : vector<1x16xi32> to vector<16xi32>
      %mul3A_852 = arith.constant 64 : i32
      %mul3A_853 = arith.muli %add3A_825, %mul3A_852 : i32
      %add3A_854 = arith.constant 16 : i32
      %add3A_855 = arith.addi %mul3A_853, %add3A_854 : i32
      %swap3A_856 = arith.index_cast %add3A_855 : i32 to index
      %swap3A_857 = tpu.vector_load %arg10[%swap3A_856] {strides = array<i32>} : memref<16384xi32, #tpu.memory_space<vmem>>, vector<16xi32>,
      %swap3A_858 = vector.shape_cast %swap3A_857 : vector<16xi32> to vector<16xi32>
      %swap3A_859 = vector.shape_cast %get3A_851 : vector<16xi32> to vector<16xi32>
      tpu.vector_store %arg10[%swap3A_856], %swap3A_859 {strides = array<i32>} : memref<16384xi32, #tpu.memory_space<vmem>>, vector<16xi32>,
      %add3A_860 = arith.constant 32 : i32
      %add3A_861 = arith.addi %select_n3A_831, %add3A_860 : i32
      %get3A_862 = arith.index_cast %add3A_825 : i32 to index
      %get3A_863 = arith.index_cast %add3A_861 : i32 to index
      %get3A_864 = tpu.vector_load %arg9[%get3A_862, %get3A_863] {strides = array<i32>} : memref<256x128xi32, #tpu.memory_space<vmem>>, vector<1x16xi32>,
      %get3A_865 = vector.shape_cast %get3A_864 : vector<1x16xi32> to vector<16xi32>
      %mul3A_866 = arith.constant 64 : i32
      %mul3A_867 = arith.muli %add3A_825, %mul3A_866 : i32
      %add3A_868 = arith.constant 32 : i32
      %add3A_869 = arith.addi %mul3A_867, %add3A_868 : i32
      %swap3A_870 = arith.index_cast %add3A_869 : i32 to index
      %swap3A_871 = tpu.vector_load %arg10[%swap3A_870] {strides = array<i32>} : memref<16384xi32, #tpu.memory_space<vmem>>, vector<16xi32>,
      %swap3A_872 = vector.shape_cast %swap3A_871 : vector<16xi32> to vector<16xi32>
      %swap3A_873 = vector.shape_cast %get3A_865 : vector<16xi32> to vector<16xi32>
      tpu.vector_store %arg10[%swap3A_870], %swap3A_873 {strides = array<i32>} : memref<16384xi32, #tpu.memory_space<vmem>>, vector<16xi32>,
      %add3A_874 = arith.constant 48 : i32
      %add3A_875 = arith.addi %select_n3A_831, %add3A_874 : i32
      %get3A_876 = arith.index_cast %add3A_825 : i32 to index
      %get3A_877 = arith.index_cast %add3A_875 : i32 to index
      %get3A_878 = tpu.vector_load %arg9[%get3A_876, %get3A_877] {strides = array<i32>} : memref<256x128xi32, #tpu.memory_space<vmem>>, vector<1x16xi32>,
      %get3A_879 = vector.shape_cast %get3A_878 : vector<1x16xi32> to vector<16xi32>
      %mul3A_880 = arith.constant 64 : i32
      %mul3A_881 = arith.muli %add3A_825, %mul3A_880 : i32
      %add3A_882 = arith.constant 48 : i32
      %add3A_883 = arith.addi %mul3A_881, %add3A_882 : i32
      %swap3A_884 = arith.index_cast %add3A_883 : i32 to index
      %swap3A_885 = tpu.vector_load %arg10[%swap3A_884] {strides = array<i32>} : memref<16384xi32, #tpu.memory_space<vmem>>, vector<16xi32>,
      %swap3A_886 = vector.shape_cast %swap3A_885 : vector<16xi32> to vector<16xi32>
      %swap3A_887 = vector.shape_cast %get3A_879 : vector<16xi32> to vector<16xi32>
      tpu.vector_store %arg10[%swap3A_884], %swap3A_887 {strides = array<i32>} : memref<16384xi32, #tpu.memory_space<vmem>>, vector<16xi32>,
      %add3A_888 = arith.constant 13 : i32
      %add3A_889 = arith.addi %mul3A_54, %add3A_888 : i32
      %slice3A_890 = vector.extract_strided_slice %get3A_59 {offsets = [13], sizes = [1], strides = [1]} : vector<16xi32> to vector<1xi32>
      %squeeze3A_891 = vector.extract %slice3A_890[0] : i32 from vector<1xi32>
      %ge3A_892 = arith.cmpi sge, %squeeze3A_891, %squeeze3A : i32
      %jit3A_893 = arith.constant 64 : i32
      %jit3A_894 = arith.constant 0 : i32
      %select_n3A_895 = arith.select %ge3A_892, %jit3A_893, %jit3A_894 : i32
      %add3A_896 = arith.constant 0 : i32
      %add3A_897 = arith.addi %select_n3A_895, %add3A_896 : i32
      %get3A_898 = arith.index_cast %add3A_889 : i32 to index
      %get3A_899 = arith.index_cast %add3A_897 : i32 to index
      %get3A_900 = tpu.vector_load %arg9[%get3A_898, %get3A_899] {strides = array<i32>} : memref<256x128xi32, #tpu.memory_space<vmem>>, vector<1x16xi32>,
      %get3A_901 = vector.shape_cast %get3A_900 : vector<1x16xi32> to vector<16xi32>
      %mul3A_902 = arith.constant 64 : i32
      %mul3A_903 = arith.muli %add3A_889, %mul3A_902 : i32
      %add3A_904 = arith.constant 0 : i32
      %add3A_905 = arith.addi %mul3A_903, %add3A_904 : i32
      %swap3A_906 = arith.index_cast %add3A_905 : i32 to index
      %swap3A_907 = tpu.vector_load %arg10[%swap3A_906] {strides = array<i32>} : memref<16384xi32, #tpu.memory_space<vmem>>, vector<16xi32>,
      %swap3A_908 = vector.shape_cast %swap3A_907 : vector<16xi32> to vector<16xi32>
      %swap3A_909 = vector.shape_cast %get3A_901 : vector<16xi32> to vector<16xi32>
      tpu.vector_store %arg10[%swap3A_906], %swap3A_909 {strides = array<i32>} : memref<16384xi32, #tpu.memory_space<vmem>>, vector<16xi32>,
      %add3A_910 = arith.constant 16 : i32
      %add3A_911 = arith.addi %select_n3A_895, %add3A_910 : i32
      %get3A_912 = arith.index_cast %add3A_889 : i32 to index
      %get3A_913 = arith.index_cast %add3A_911 : i32 to index
      %get3A_914 = tpu.vector_load %arg9[%get3A_912, %get3A_913] {strides = array<i32>} : memref<256x128xi32, #tpu.memory_space<vmem>>, vector<1x16xi32>,
      %get3A_915 = vector.shape_cast %get3A_914 : vector<1x16xi32> to vector<16xi32>
      %mul3A_916 = arith.constant 64 : i32
      %mul3A_917 = arith.muli %add3A_889, %mul3A_916 : i32
      %add3A_918 = arith.constant 16 : i32
      %add3A_919 = arith.addi %mul3A_917, %add3A_918 : i32
      %swap3A_920 = arith.index_cast %add3A_919 : i32 to index
      %swap3A_921 = tpu.vector_load %arg10[%swap3A_920] {strides = array<i32>} : memref<16384xi32, #tpu.memory_space<vmem>>, vector<16xi32>,
      %swap3A_922 = vector.shape_cast %swap3A_921 : vector<16xi32> to vector<16xi32>
      %swap3A_923 = vector.shape_cast %get3A_915 : vector<16xi32> to vector<16xi32>
      tpu.vector_store %arg10[%swap3A_920], %swap3A_923 {strides = array<i32>} : memref<16384xi32, #tpu.memory_space<vmem>>, vector<16xi32>,
      %add3A_924 = arith.constant 32 : i32
      %add3A_925 = arith.addi %select_n3A_895, %add3A_924 : i32
      %get3A_926 = arith.index_cast %add3A_889 : i32 to index
      %get3A_927 = arith.index_cast %add3A_925 : i32 to index
      %get3A_928 = tpu.vector_load %arg9[%get3A_926, %get3A_927] {strides = array<i32>} : memref<256x128xi32, #tpu.memory_space<vmem>>, vector<1x16xi32>,
      %get3A_929 = vector.shape_cast %get3A_928 : vector<1x16xi32> to vector<16xi32>
      %mul3A_930 = arith.constant 64 : i32
      %mul3A_931 = arith.muli %add3A_889, %mul3A_930 : i32
      %add3A_932 = arith.constant 32 : i32
      %add3A_933 = arith.addi %mul3A_931, %add3A_932 : i32
      %swap3A_934 = arith.index_cast %add3A_933 : i32 to index
      %swap3A_935 = tpu.vector_load %arg10[%swap3A_934] {strides = array<i32>} : memref<16384xi32, #tpu.memory_space<vmem>>, vector<16xi32>,
      %swap3A_936 = vector.shape_cast %swap3A_935 : vector<16xi32> to vector<16xi32>
      %swap3A_937 = vector.shape_cast %get3A_929 : vector<16xi32> to vector<16xi32>
      tpu.vector_store %arg10[%swap3A_934], %swap3A_937 {strides = array<i32>} : memref<16384xi32, #tpu.memory_space<vmem>>, vector<16xi32>,
      %add3A_938 = arith.constant 48 : i32
      %add3A_939 = arith.addi %select_n3A_895, %add3A_938 : i32
      %get3A_940 = arith.index_cast %add3A_889 : i32 to index
      %get3A_941 = arith.index_cast %add3A_939 : i32 to index
      %get3A_942 = tpu.vector_load %arg9[%get3A_940, %get3A_941] {strides = array<i32>} : memref<256x128xi32, #tpu.memory_space<vmem>>, vector<1x16xi32>,
      %get3A_943 = vector.shape_cast %get3A_942 : vector<1x16xi32> to vector<16xi32>
      %mul3A_944 = arith.constant 64 : i32
      %mul3A_945 = arith.muli %add3A_889, %mul3A_944 : i32
      %add3A_946 = arith.constant 48 : i32
      %add3A_947 = arith.addi %mul3A_945, %add3A_946 : i32
      %swap3A_948 = arith.index_cast %add3A_947 : i32 to index
      %swap3A_949 = tpu.vector_load %arg10[%swap3A_948] {strides = array<i32>} : memref<16384xi32, #tpu.memory_space<vmem>>, vector<16xi32>,
      %swap3A_950 = vector.shape_cast %swap3A_949 : vector<16xi32> to vector<16xi32>
      %swap3A_951 = vector.shape_cast %get3A_943 : vector<16xi32> to vector<16xi32>
      tpu.vector_store %arg10[%swap3A_948], %swap3A_951 {strides = array<i32>} : memref<16384xi32, #tpu.memory_space<vmem>>, vector<16xi32>,
      %add3A_952 = arith.constant 14 : i32
      %add3A_953 = arith.addi %mul3A_54, %add3A_952 : i32
      %slice3A_954 = vector.extract_strided_slice %get3A_59 {offsets = [14], sizes = [1], strides = [1]} : vector<16xi32> to vector<1xi32>
      %squeeze3A_955 = vector.extract %slice3A_954[0] : i32 from vector<1xi32>
      %ge3A_956 = arith.cmpi sge, %squeeze3A_955, %squeeze3A : i32
      %jit3A_957 = arith.constant 64 : i32
      %jit3A_958 = arith.constant 0 : i32
      %select_n3A_959 = arith.select %ge3A_956, %jit3A_957, %jit3A_958 : i32
      %add3A_960 = arith.constant 0 : i32
      %add3A_961 = arith.addi %select_n3A_959, %add3A_960 : i32
      %get3A_962 = arith.index_cast %add3A_953 : i32 to index
      %get3A_963 = arith.index_cast %add3A_961 : i32 to index
      %get3A_964 = tpu.vector_load %arg9[%get3A_962, %get3A_963] {strides = array<i32>} : memref<256x128xi32, #tpu.memory_space<vmem>>, vector<1x16xi32>,
      %get3A_965 = vector.shape_cast %get3A_964 : vector<1x16xi32> to vector<16xi32>
      %mul3A_966 = arith.constant 64 : i32
      %mul3A_967 = arith.muli %add3A_953, %mul3A_966 : i32
      %add3A_968 = arith.constant 0 : i32
      %add3A_969 = arith.addi %mul3A_967, %add3A_968 : i32
      %swap3A_970 = arith.index_cast %add3A_969 : i32 to index
      %swap3A_971 = tpu.vector_load %arg10[%swap3A_970] {strides = array<i32>} : memref<16384xi32, #tpu.memory_space<vmem>>, vector<16xi32>,
      %swap3A_972 = vector.shape_cast %swap3A_971 : vector<16xi32> to vector<16xi32>
      %swap3A_973 = vector.shape_cast %get3A_965 : vector<16xi32> to vector<16xi32>
      tpu.vector_store %arg10[%swap3A_970], %swap3A_973 {strides = array<i32>} : memref<16384xi32, #tpu.memory_space<vmem>>, vector<16xi32>,
      %add3A_974 = arith.constant 16 : i32
      %add3A_975 = arith.addi %select_n3A_959, %add3A_974 : i32
      %get3A_976 = arith.index_cast %add3A_953 : i32 to index
      %get3A_977 = arith.index_cast %add3A_975 : i32 to index
      %get3A_978 = tpu.vector_load %arg9[%get3A_976, %get3A_977] {strides = array<i32>} : memref<256x128xi32, #tpu.memory_space<vmem>>, vector<1x16xi32>,
      %get3A_979 = vector.shape_cast %get3A_978 : vector<1x16xi32> to vector<16xi32>
      %mul3A_980 = arith.constant 64 : i32
      %mul3A_981 = arith.muli %add3A_953, %mul3A_980 : i32
      %add3A_982 = arith.constant 16 : i32
      %add3A_983 = arith.addi %mul3A_981, %add3A_982 : i32
      %swap3A_984 = arith.index_cast %add3A_983 : i32 to index
      %swap3A_985 = tpu.vector_load %arg10[%swap3A_984] {strides = array<i32>} : memref<16384xi32, #tpu.memory_space<vmem>>, vector<16xi32>,
      %swap3A_986 = vector.shape_cast %swap3A_985 : vector<16xi32> to vector<16xi32>
      %swap3A_987 = vector.shape_cast %get3A_979 : vector<16xi32> to vector<16xi32>
      tpu.vector_store %arg10[%swap3A_984], %swap3A_987 {strides = array<i32>} : memref<16384xi32, #tpu.memory_space<vmem>>, vector<16xi32>,
      %add3A_988 = arith.constant 32 : i32
      %add3A_989 = arith.addi %select_n3A_959, %add3A_988 : i32
      %get3A_990 = arith.index_cast %add3A_953 : i32 to index
      %get3A_991 = arith.index_cast %add3A_989 : i32 to index
      %get3A_992 = tpu.vector_load %arg9[%get3A_990, %get3A_991] {strides = array<i32>} : memref<256x128xi32, #tpu.memory_space<vmem>>, vector<1x16xi32>,
      %get3A_993 = vector.shape_cast %get3A_992 : vector<1x16xi32> to vector<16xi32>
      %mul3A_994 = arith.constant 64 : i32
      %mul3A_995 = arith.muli %add3A_953, %mul3A_994 : i32
      %add3A_996 = arith.constant 32 : i32
      %add3A_997 = arith.addi %mul3A_995, %add3A_996 : i32
      %swap3A_998 = arith.index_cast %add3A_997 : i32 to index
      %swap3A_999 = tpu.vector_load %arg10[%swap3A_998] {strides = array<i32>} : memref<16384xi32, #tpu.memory_space<vmem>>, vector<16xi32>,
      %swap3A_1000 = vector.shape_cast %swap3A_999 : vector<16xi32> to vector<16xi32>
      %swap3A_1001 = vector.shape_cast %get3A_993 : vector<16xi32> to vector<16xi32>
      tpu.vector_store %arg10[%swap3A_998], %swap3A_1001 {strides = array<i32>} : memref<16384xi32, #tpu.memory_space<vmem>>, vector<16xi32>,
      %add3A_1002 = arith.constant 48 : i32
      %add3A_1003 = arith.addi %select_n3A_959, %add3A_1002 : i32
      %get3A_1004 = arith.index_cast %add3A_953 : i32 to index
      %get3A_1005 = arith.index_cast %add3A_1003 : i32 to index
      %get3A_1006 = tpu.vector_load %arg9[%get3A_1004, %get3A_1005] {strides = array<i32>} : memref<256x128xi32, #tpu.memory_space<vmem>>, vector<1x16xi32>,
      %get3A_1007 = vector.shape_cast %get3A_1006 : vector<1x16xi32> to vector<16xi32>
      %mul3A_1008 = arith.constant 64 : i32
      %mul3A_1009 = arith.muli %add3A_953, %mul3A_1008 : i32
      %add3A_1010 = arith.constant 48 : i32
      %add3A_1011 = arith.addi %mul3A_1009, %add3A_1010 : i32
      %swap3A_1012 = arith.index_cast %add3A_1011 : i32 to index
      %swap3A_1013 = tpu.vector_load %arg10[%swap3A_1012] {strides = array<i32>} : memref<16384xi32, #tpu.memory_space<vmem>>, vector<16xi32>,
      %swap3A_1014 = vector.shape_cast %swap3A_1013 : vector<16xi32> to vector<16xi32>
      %swap3A_1015 = vector.shape_cast %get3A_1007 : vector<16xi32> to vector<16xi32>
      tpu.vector_store %arg10[%swap3A_1012], %swap3A_1015 {strides = array<i32>} : memref<16384xi32, #tpu.memory_space<vmem>>, vector<16xi32>,
      %add3A_1016 = arith.constant 15 : i32
      %add3A_1017 = arith.addi %mul3A_54, %add3A_1016 : i32
      %slice3A_1018 = vector.extract_strided_slice %get3A_59 {offsets = [15], sizes = [1], strides = [1]} : vector<16xi32> to vector<1xi32>
      %squeeze3A_1019 = vector.extract %slice3A_1018[0] : i32 from vector<1xi32>
      %ge3A_1020 = arith.cmpi sge, %squeeze3A_1019, %squeeze3A : i32
      %jit3A_1021 = arith.constant 64 : i32
      %jit3A_1022 = arith.constant 0 : i32
      %select_n3A_1023 = arith.select %ge3A_1020, %jit3A_1021, %jit3A_1022 : i32
      %add3A_1024 = arith.constant 0 : i32
      %add3A_1025 = arith.addi %select_n3A_1023, %add3A_1024 : i32
      %get3A_1026 = arith.index_cast %add3A_1017 : i32 to index
      %get3A_1027 = arith.index_cast %add3A_1025 : i32 to index
      %get3A_1028 = tpu.vector_load %arg9[%get3A_1026, %get3A_1027] {strides = array<i32>} : memref<256x128xi32, #tpu.memory_space<vmem>>, vector<1x16xi32>,
      %get3A_1029 = vector.shape_cast %get3A_1028 : vector<1x16xi32> to vector<16xi32>
      %mul3A_1030 = arith.constant 64 : i32
      %mul3A_1031 = arith.muli %add3A_1017, %mul3A_1030 : i32
      %add3A_1032 = arith.constant 0 : i32
      %add3A_1033 = arith.addi %mul3A_1031, %add3A_1032 : i32
      %swap3A_1034 = arith.index_cast %add3A_1033 : i32 to index
      %swap3A_1035 = tpu.vector_load %arg10[%swap3A_1034] {strides = array<i32>} : memref<16384xi32, #tpu.memory_space<vmem>>, vector<16xi32>,
      %swap3A_1036 = vector.shape_cast %swap3A_1035 : vector<16xi32> to vector<16xi32>
      %swap3A_1037 = vector.shape_cast %get3A_1029 : vector<16xi32> to vector<16xi32>
      tpu.vector_store %arg10[%swap3A_1034], %swap3A_1037 {strides = array<i32>} : memref<16384xi32, #tpu.memory_space<vmem>>, vector<16xi32>,
      %add3A_1038 = arith.constant 16 : i32
      %add3A_1039 = arith.addi %select_n3A_1023, %add3A_1038 : i32
      %get3A_1040 = arith.index_cast %add3A_1017 : i32 to index
      %get3A_1041 = arith.index_cast %add3A_1039 : i32 to index
      %get3A_1042 = tpu.vector_load %arg9[%get3A_1040, %get3A_1041] {strides = array<i32>} : memref<256x128xi32, #tpu.memory_space<vmem>>, vector<1x16xi32>,
      %get3A_1043 = vector.shape_cast %get3A_1042 : vector<1x16xi32> to vector<16xi32>
      %mul3A_1044 = arith.constant 64 : i32
      %mul3A_1045 = arith.muli %add3A_1017, %mul3A_1044 : i32
      %add3A_1046 = arith.constant 16 : i32
      %add3A_1047 = arith.addi %mul3A_1045, %add3A_1046 : i32
      %swap3A_1048 = arith.index_cast %add3A_1047 : i32 to index
      %swap3A_1049 = tpu.vector_load %arg10[%swap3A_1048] {strides = array<i32>} : memref<16384xi32, #tpu.memory_space<vmem>>, vector<16xi32>,
      %swap3A_1050 = vector.shape_cast %swap3A_1049 : vector<16xi32> to vector<16xi32>
      %swap3A_1051 = vector.shape_cast %get3A_1043 : vector<16xi32> to vector<16xi32>
      tpu.vector_store %arg10[%swap3A_1048], %swap3A_1051 {strides = array<i32>} : memref<16384xi32, #tpu.memory_space<vmem>>, vector<16xi32>,
      %add3A_1052 = arith.constant 32 : i32
      %add3A_1053 = arith.addi %select_n3A_1023, %add3A_1052 : i32
      %get3A_1054 = arith.index_cast %add3A_1017 : i32 to index
      %get3A_1055 = arith.index_cast %add3A_1053 : i32 to index
      %get3A_1056 = tpu.vector_load %arg9[%get3A_1054, %get3A_1055] {strides = array<i32>} : memref<256x128xi32, #tpu.memory_space<vmem>>, vector<1x16xi32>,
      %get3A_1057 = vector.shape_cast %get3A_1056 : vector<1x16xi32> to vector<16xi32>
      %mul3A_1058 = arith.constant 64 : i32
      %mul3A_1059 = arith.muli %add3A_1017, %mul3A_1058 : i32
      %add3A_1060 = arith.constant 32 : i32
      %add3A_1061 = arith.addi %mul3A_1059, %add3A_1060 : i32
      %swap3A_1062 = arith.index_cast %add3A_1061 : i32 to index
      %swap3A_1063 = tpu.vector_load %arg10[%swap3A_1062] {strides = array<i32>} : memref<16384xi32, #tpu.memory_space<vmem>>, vector<16xi32>,
      %swap3A_1064 = vector.shape_cast %swap3A_1063 : vector<16xi32> to vector<16xi32>
      %swap3A_1065 = vector.shape_cast %get3A_1057 : vector<16xi32> to vector<16xi32>
      tpu.vector_store %arg10[%swap3A_1062], %swap3A_1065 {strides = array<i32>} : memref<16384xi32, #tpu.memory_space<vmem>>, vector<16xi32>,
      %add3A_1066 = arith.constant 48 : i32
      %add3A_1067 = arith.addi %select_n3A_1023, %add3A_1066 : i32
      %get3A_1068 = arith.index_cast %add3A_1017 : i32 to index
      %get3A_1069 = arith.index_cast %add3A_1067 : i32 to index
      %get3A_1070 = tpu.vector_load %arg9[%get3A_1068, %get3A_1069] {strides = array<i32>} : memref<256x128xi32, #tpu.memory_space<vmem>>, vector<1x16xi32>,
      %get3A_1071 = vector.shape_cast %get3A_1070 : vector<1x16xi32> to vector<16xi32>
      %mul3A_1072 = arith.constant 64 : i32
      %mul3A_1073 = arith.muli %add3A_1017, %mul3A_1072 : i32
      %add3A_1074 = arith.constant 48 : i32
      %add3A_1075 = arith.addi %mul3A_1073, %add3A_1074 : i32
      %swap3A_1076 = arith.index_cast %add3A_1075 : i32 to index
      %swap3A_1077 = tpu.vector_load %arg10[%swap3A_1076] {strides = array<i32>} : memref<16384xi32, #tpu.memory_space<vmem>>, vector<16xi32>,
      %swap3A_1078 = vector.shape_cast %swap3A_1077 : vector<16xi32> to vector<16xi32>
      %swap3A_1079 = vector.shape_cast %get3A_1071 : vector<16xi32> to vector<16xi32>
      tpu.vector_store %arg10[%swap3A_1076], %swap3A_1079 {strides = array<i32>} : memref<16384xi32, #tpu.memory_space<vmem>>, vector<16xi32>,
      %scan3A_1080 = arith.constant 0 : i32
      scf.yield %scan3A_1080 : i32
    }
    %scan3A_46 = arith.constant 16 : i32
    %add3A_47 = arith.constant 256 : i32
    %add3A_48 = arith.addi %mul3A_4, %add3A_47 : i32
    %mul3A_49 = arith.constant 64 : i32
    %mul3A_50 = arith.muli %add3A_48, %mul3A_49 : i32
    "tpu.region"() ({
      %run_scoped3A = tpu.sem_alloc : memref<!tpu.dma_semaphore, #tpu.memory_space<semaphore_mem>>
      %dma_start3A_51 = tpu.memref_slice %arg5[%mul3A_50] : memref<1048576xi32, #tpu.memory_space<hbm>> -> memref<16384xi32, #tpu.memory_space<hbm>>
      %dma_start3A_52 = tpu.memref_slice %arg5[%mul3A_50] : memref<1048576xi32, #tpu.memory_space<hbm>> -> memref<16384xi32, #tpu.memory_space<hbm>>
      tpu.enqueue_dma source(%arg10 : memref<16384xi32, #tpu.memory_space<vmem>>) target(%dma_start3A_52 : memref<16384xi32, #tpu.memory_space<hbm>>) target_semaphore(%run_scoped3A : memref<!tpu.dma_semaphore, #tpu.memory_space<semaphore_mem>>)
      %dma_wait3A_53 = tpu.memref_slice %arg5[%mul3A_50] : memref<1048576xi32, #tpu.memory_space<hbm>> -> memref<16384xi32, #tpu.memory_space<hbm>>
      %dma_wait3A_54 = tpu.memref_slice %arg5[%mul3A_50] : memref<1048576xi32, #tpu.memory_space<hbm>> -> memref<16384xi32, #tpu.memory_space<hbm>>
      tpu.wait_dma2 semaphore(%run_scoped3A : memref<!tpu.dma_semaphore, #tpu.memory_space<semaphore_mem>>) src(%arg10 : memref<16384xi32, #tpu.memory_space<vmem>>) dst(%dma_wait3A_54 : memref<16384xi32, #tpu.memory_space<hbm>>)
      tpu.yield
    }) : () -> ()
    return
  }
}

</mosaic_0001>

<sc_bundles>
// kernel: _sc_gather.3.cloned.1.call-start
scs
__scs_entry_jumppad:
0x0: {  	(pc) =	sbr.rel $0x88, $3  }
0x1: {  	(tag) =	ssettag $0x0;
	lr =	simm.s32 $0x1  }
0x2: {  	[smem:$0x3F9E] =	sst lr;
	_ =	strace $0xD0000000  }
0x3: {  	_ = 	snop  }
0x4: {  	_ = 	snop  }
0x5: {  	_ = 	snop  }
0x6: {  	_ = 	snop  }
0x7: {  	_ = 	snop  }
__scs_overlays_trampoline_lowered:
0x8: {  	[smem:$0x3FAD] =	sst s0  }
0x9: {  	[smem:$0x3FAE] =	sst s1  }
0xa: {  	[smem:$0x3FAF] =	sst s2  }
0xb: {  	[smem:$0x3FB0] =	sst s3  }
0xc: {  	[smem:$0x3FB1] =	sst s4  }
0xd: {  	[smem:$0x3FB2] =	sst s5  }
0xe: {  	[smem:$0x3FB3] =	sst s6  }
0xf: {  	[smem:$0x3FB4] =	sst s7  }
0x10: {  	[smem:$0x3FB5] =	sst s8  }
0x11: {  	[smem:$0x3FB6] =	sst s9;
	s0 =	simm.s32 @!p0 $0x0  }
0x12: {  	s1 =	sld [smem:$0x3F9C];
	s0 =	simm.s32 @p0 $0x1  }
0x13: {  	[smem:$0x3FB7] =	sst s0;
	s0 =	simm.s32 @!p1 $0x0  }
0x14: {  	s2 =	sld [smem:$0x3F9B];
	s0 =	simm.s32 @p1 $0x1  }
0x15: {  	[smem:$0x3FB8] =	sst s0;
	s0 =	simm.s32 @!p2 $0x0  }
0x16: {  	s3 =	sld [smem:$0x3FDB];
	s0 =	simm.s32 @p2 $0x1  }
0x17: {  	s4 =	simm.s32 $0x1BF5;
	[smem:$0x3FBA] =	sst s0  }
0x18: {  	s0 =	sld [smem:$0x3F9D];
	_ =	swait.ge [sflag:s4], $0x0  }
0x19: {  	s7 =	sld [smem:$0x3F9E]  }
0x1a: {  	s8 =	sadd.s32 $0xFFFFE003, lr  }
0x1b: {  	s9 =	sadd.s32 $0xFFFFFEF7, lr;
	s5 =	simm.s32 $0xFFFFFFFF;
	p2 =	slt.u32 s8, $0xFFFFF086  }
0x1c: {  	p1 =	slt.u32 s9, $0xF7A;
	s5 =	simm.s32 @!p2 $0x0  }
0x1d: {  	s5 =	simm.s32 @p1 $0x1;
	p0 =	seq.s32 s7, s2  }
0x1e: {  	s7 =	smul.u32 @!p0 $0xF7A, s2;
	p2 =	seq.s32 @!p0 s5, $0x0  }
0x1f: {  	s9 =	smul.u32 $0xF7A, s1;
	s8 =	simm.s32 @!p0 $0x1BF5;
	p2 =	por !p2, p0  }
0x20: {  	[sflag:s8] =	ssyncset.s32 @!p0 $0xFFFFF086;
	s6 =	sadd.s32 @!p0 s3, s7;
	s7 =	simm.s32 @!p0 $0x108  }
0x21: {  	s3 =	sadd.s32 s3, s9;
	s6 =	sadd.s32 @!p0 $0x88, s6;
	s7 =	simm.s32 @p2 $0x1082  }
0x22: {  	[simem:s7], [sflag:s8] =	dma.local @!p0 [hbm:s6], $0xF7A  }
0x23: {  	s9 =	sor.u32 $0xD0000000, s2;
	s6 =	simm.s32 $0x108;
	_ =	swait.ge @!p0 [sflag:s8], $0x0  }
0x24: {  	s3 =	sadd.s32 $0x88, s3;
	s6 =	simm.s32 @!p1 $0x1082;
	[sflag:s4] =	ssyncset.s32 $0xFFFFF086  }
0x25: {  	[simem:s6], [sflag:s4] =	dma.local [hbm:s3], $0xF7A  }
0x26: {  	[smem:$0x3F9E] =	sst s1;
	(tag) =	ssettag s2;
	_ =	strace s9  }
0x27: {  	s1 =	sld [smem:$0x3FAE]  }
0x28: {  	s2 =	sld [smem:$0x3FAF]  }
0x29: {  	s4 =	sld [smem:$0x3FB1]  }
0x2a: {  	p0 =	seq.s32 s5, $0x0;
	s5 =	sld [smem:$0x3FB2]  }
0x2b: {  	s6 =	sld [smem:$0x3FB3]  }
0x2c: {  	s7 =	sld [smem:$0x3FB4]  }
0x2d: {  	s3 =	simm.s32 $0x108;
	s8 =	sld [smem:$0x3FB5]  }
0x2e: {  	s3 =	simm.s32 @!p0 $0x1082;
	s9 =	sld [smem:$0x3FB6]  }
0x2f: {  	lr =	sadd.s32 s0, s3;
	s0 =	sld [smem:$0x3FAD]  }
0x30: {  	s3 =	sld [smem:$0x3FB0]  }
0x31: {  	[smem:$0x3FB9] =	sst s10  }
0x32: {  	s10 =	sld [smem:$0x3FB7];
	_ =	sdelay $0x3  }
0x33: {  	p0 =	seq.s32 s10, $0x1;
	s10 =	sld [smem:$0x3FB9];
	_ =	sdelay $0x3  }
0x34: {  	[smem:$0x3FB9] =	sst s10  }
0x35: {  	s10 =	sld [smem:$0x3FB8];
	_ =	sdelay $0x3  }
0x36: {  	p1 =	seq.s32 s10, $0x1;
	s10 =	sld [smem:$0x3FB9];
	_ =	sdelay $0x3  }
0x37: {  	[smem:$0x3FB9] =	sst s10  }
0x38: {  	s10 =	sld [smem:$0x3FBA]  }
0x39: {  	_ = 	snop;
	(pc) =	sbr.ind lr, $3  }
0x3a: {  	_ = 	snop  }
0x3b: {  	_ = 	snop  }
0x3c: {  	p2 =	seq.s32 s10, $0x1;
	s10 =	sld [smem:$0x3FB9]  }
0x3d: {  	_ =	shalt  }
0x3e: {  	_ =	shalt  }
0x3f: {  	_ =	shalt  }
0x40: {  	_ =	shalt  }
0x41: {  	_ =	shalt  }
0x42: {  	_ =	shalt  }
0x43: {  	_ =	shalt  }
0x44: {  	_ =	shalt  }
0x45: {  	_ =	shalt  }
0x46: {  	_ =	shalt  }
0x47: {  	_ =	shalt  }
0x48: {  	_ =	shalt  }
0x49: {  	_ =	shalt  }
0x4a: {  	_ =	shalt  }
0x4b: {  	_ =	shalt  }
0x4c: {  	_ =	shalt  }
0x4d: {  	_ =	shalt  }
0x4e: {  	_ =	shalt  }
0x4f: {  	_ =	shalt  }
0x50: {  	_ =	shalt  }
0x51: {  	_ =	shalt  }
0x52: {  	_ =	shalt  }
0x53: {  	_ =	shalt  }
0x54: {  	_ =	shalt  }
0x55: {  	_ =	shalt  }
0x56: {  	_ =	shalt  }
0x57: {  	_ =	shalt  }
0x58: {  	_ =	shalt  }
0x59: {  	_ =	shalt  }
0x5a: {  	_ =	shalt  }
0x5b: {  	_ =	shalt  }
0x5c: {  	_ =	shalt  }
0x5d: {  	_ =	shalt  }
0x5e: {  	_ =	shalt  }
0x5f: {  	_ =	shalt  }
0x60: {  	_ =	shalt  }
0x61: {  	_ =	shalt  }
0x62: {  	_ =	shalt  }
0x63: {  	_ =	shalt  }
0x64: {  	_ =	shalt  }
0x65: {  	_ =	shalt  }
0x66: {  	_ =	shalt  }
0x67: {  	_ =	shalt  }
0x68: {  	_ =	shalt  }
0x69: {  	_ =	shalt  }
0x6a: {  	_ =	shalt  }
0x6b: {  	_ =	shalt  }
0x6c: {  	_ =	shalt  }
0x6d: {  	_ =	shalt  }
0x6e: {  	_ =	shalt  }
0x6f: {  	_ =	shalt  }
0x70: {  	_ =	shalt  }
0x71: {  	_ =	shalt  }
0x72: {  	_ =	shalt  }
0x73: {  	_ =	shalt  }
0x74: {  	_ =	shalt  }
0x75: {  	_ =	shalt  }
0x76: {  	_ =	shalt  }
0x77: {  	_ =	shalt  }
0x78: {  	_ =	shalt  }
0x79: {  	_ =	shalt  }
0x7a: {  	_ =	shalt  }
0x7b: {  	_ =	shalt  }
0x7c: {  	_ =	shalt  }
0x7d: {  	_ =	shalt  }
0x7e: {  	_ =	shalt  }
0x7f: {  	_ =	shalt  }
0x80: {  	_ =	shalt  }
0x81: {  	_ =	shalt  }
0x82: {  	_ =	shalt  }
0x83: {  	_ =	shalt  }
0x84: {  	_ =	shalt  }
0x85: {  	_ =	shalt  }
0x86: {  	_ =	shalt  }
0x87: {  	_ =	shalt  }
.Lfunc_end0:
.L_simem_size_0:
called_computation_lowered:
.L_overlay_start_0:
0x88: {  	s2 =	sld [smem:$0x3FD9]  }
0x89: {  	s3 =	sld [smem:$0x3FFE];
	_ =	sdelay $0x1  }
0x8a: {  	s1 =	srdreg.scid  }
0x8b: {  	s0 =	sand.u32 $0x1, s1  }
0x8c: {  	s18 =	sshll.u32 s0, $0xA;
	s2 =	sadd.s32 s3, s2  }
0x8d: {  	s2 =	sadd.s32 s2, s18  }
0x8e: {  	[smem:$0x3FC5] =	sst s2  }
0x8f: {  	_ = 	snop  }
0x90: {  	s2 =	sld [smem:$0x3FC9]  }
0x91: {  	s19 =	sld [smem:$0x3FC8]  }
0x92: {  	s4 =	sld [smem:$0x3FC7]  }
0x93: {  	s5 =	sld [smem:$0x3FD0];
	(tm) =	ssettm $0x1  }
0x94: {  	s6 =	sld [smem:$0x3FFB];
	_ =	sdelay $0x3  }
0x95: {  	_ =	strace s6  }
0x96: {  	s6 =	sld [smem:$0x3FFC];
	_ =	sdelay $0x3  }
0x97: {  	_ =	strace s6  }
0x98: {  	s6 =	sld [smem:$0x3FFD];
	_ =	sdelay $0x3  }
0x99: {  	_ =	strace s6  }
0x9a: {  	_ =	strace $0x8FFFFFFF  }
0x9b: {  	s20 =	sld [smem:$0x3FDB];
	_ =	sdelay $0x1  }
0x9c: {  	s7 =	simm.s32 $_scs_section_size  }
0x9d: {  	s8 =	simm.s32 $_size__tile_overlayer_lowered;
	s9 =	simm.s32 $_tile_overlayer_lowered  }
0x9e: {  	s23 =	simm.s32 $0x1BFF;
	s22 =	sshll.u32 s9, $0x1;
	s6 =	sadd.s32 s7, s20  }
0x9f: {  	s10 =	simm.s32 $0x0;
	s21 =	sshll.u32 s8, $0x1;
	s8 =	sadd.s32 s22, s6  }
0xa0: {  	[timem:s10], [sflag:s23] =	dma.local [hbm:s8], s21  }
0xa1: {  	_ =	swait.ge [sflag:s23], s21  }
0xa2: {  	s7 =	ssub.s32 $0x0, s21;
	[sflag:s23] =	ssyncset.done $0x0  }
0xa3: {  	[sflag:s23] =	ssyncadd.s32 s7;
	_ =	sdelay $0x1  }
0xa4: {  	s24 =	simm.s32 $0x1B8B  }
0xa5: {  	_ =	swait.ge [sflag:s24], $0x1  }
0xa6: {  	[sflag:s24] =	ssyncset.done $0x0  }
0xa7: {  	s25 =	simm.s32 $0x1B8E;
	[sflag:s24] =	ssyncadd.s32 $0xFFFFFFFF  }
0xa8: {  	s26 =	simm.s32 $execute0_lowered;
	[smem:$0x3FD2] =	sst s25  }
0xa9: {  	s7 =	sshll.u32 s26, $0x1;
	_ =	strace $0x80000046;
	[dreg:$0x1] =	wrdreg $0xFFFFFFFF  }
0xaa: {  	s28 =	simm.s32 $_size_execute0_lowered;
	s6 =	sadd.s32 s6, s7;
	[dreg:$0x0] =	wrdreg $0x0  }
0xab: {  	s7 =	sshll.u32 s28, $0x1;
	[dreg:$0x2] =	wrdreg s6  }
0xac: {  	[dreg:$0x3] =	wrdreg s7  }
0xad: {  	[dreg:$0x4] =	wrdreg $0xC0  }
0xae: {  	_ =	task [dreg:s10], $0x5FFFF  }
0xaf: {  	[dreg:$0x1] =	wrdreg $0xFFFFFFFF  }
0xb0: {  	[dreg:$0x0] =	wrdreg $0x60  }
0xb1: {  	[dreg:$0x2] =	wrdreg s2  }
0xb2: {  	[dreg:$0x3] =	wrdreg s19  }
0xb3: {  	[dreg:$0x4] =	wrdreg s4  }
0xb4: {  	[dreg:$0x5] =	wrdreg s5  }
0xb5: {  	[dreg:$0x6] =	wrdreg $0x9  }
0xb6: {  	_ =	task.clear_ibuf [dreg:s10], $0x7FFFF;
	_ =	strace $0x90000046  }
0xb7: {  	s29 =	simm.s32 $0x9;
	_ =	strace $0x80000048  }
0xb8: {  	_ =	swait.ge [sflag:s29], $0x1  }
0xb9: {  	[sflag:s29] =	ssyncadd.s32 $0xFFFFFFFF  }
0xba: {  	_ =	strace $0x90000048  }
0xbb: {  	_ =	sfence  }
0xbc: {  	s30 =	sld [smem:$0x0];
	_ =	sdelay $0x2  }
0xbd: {  	s31 =	sshll.u32 s1, $0xD;
	s1 =	sshrl.u32 s1, $0x2  }
0xbe: {  	s3 =	sand.u32 $0x4000, s31;
	s1 =	sadd.s32 s1, s30  }
0xbf: {  	s0 =	sor.u32 s3, s0;
	s1 =	sshll.u32 s1, $0x11  }
0xc0: {  	s0 =	sor.u32 s1, s0  }
0xc1: {  	s0 =	sadd.s32 $0x8F2B, s0  }
0xc2: {  	[sflag:s0] =	ssyncadd.remote.s32 $0x1  }
0xc3: {  	_ =	sfence.sel $0xFFFF  }
0xc4: {  	[dreg:$0x0] =	wrdreg $0xFFFFFFFF;
	(pc) =	sbr.abs _section_cstart, $3  }
0xc5: {  	[dreg:$0x1] =	wrdreg $0xFFFFFFFF  }
0xc6: {  	_ =	task.clear_ibuf [dreg:s10], $0x2FFFF;
	_ =	strace $0x9FFFFFFF  }
0xc7: {  	(tm) =	ssettm $0x7FFFFFFF  }
tec
execute0_lowered:
.L_overlay_start_1:
0x0: {  	(tag) =	ssettag $0x1  }
0x1: {  	s6 =	rddreg [dreg:$0x0]  }
0x2: {  	s1 =	rddreg [dreg:$0x1]  }
0x3: {  	s3 =	rddreg [dreg:$0x2]  }
0x4: {  	s5 =	rddreg [dreg:$0x3]  }
0x5: {  	s0 =	rddreg [dreg:$0x4];
	s7 =	srdreg.scid  }
0x6: {  	s2 =	stileid.u32;
	s4 =	simm.s32 $0x0;
	s11 =	simm.s32 $0x100  }
0x7: {  	s12 =	simm.s32 $0x200;
	s13 =	simm.s32 $0x400;
	s14 =	simm.s32 $0x300  }
0x8: {  	s15 =	simm.s32 $0x8400;
	s16 =	simm.s32 $0x1;
	s17 =	simm.s32 $0x10400  }
0x9: {  	s18 =	simm.s32 $0x2;
	s7 =	sand.u32 $0x1, s7;
	s8 =	sshll.u32 s2, $0x1  }
0xa: {  	s19 =	simm.s32 $0x0;
	[smem:$0x7FF] =	sst s4;
	s8 =	sor.u32 s7, s8  }
0xb: {  	_ =	strace $0x80000047;
	s7 =	ssub.s32 $0x2, s7;
	s9 =	sshll.u32 s8, $0xC  }
0xc: {  	s10 =	sshrl.u32 s7, $0x1;
	s8 =	sshll.u32 s8, $0x6;
	s5 =	sadd.s32 s5, s9  }
0xd: {  	s31 =	ssub.s32 s7, s10;
	s6 =	sadd.s32 s6, s8;
	s9 =	simm.s32 $0x14400  }
0xe: {  	s10 =	simm.s32 $0x3;
	s7 =	sadd.s32 $0x800, s5;
	s8 =	smax.u32 s31, $0x1  }
.LBB2_1:
0xf: {  	[tilespmem:s9], [sflag:$0x3] =	stream.linear.gather [hbm4b:s3+s4], $0x1, $0x38;
	[tilespmem:$0x14480] =	vst v63  }
0x10: {  	_ =	swait.ge [sflag:s10], $0x1  }
0x11: {  	[sflag:s10] =	ssyncset.done $0x0  }
0x12: {  	[sflag:s10] =	ssyncadd.s32 $0xFFFFFFFF  }
0x13: {  	v0 =	vld [tilespmem:$0x14400];
	[tilespmem:s4], [sflag:$0x3] =	stream.linear.gather [hbm4b:s6+s4], $0x200, $0x38  }
0x14: {  	_ =	swait.ge [sflag:s10], $0x200  }
0x15: {  	[sflag:s10] =	ssyncset.done $0x0  }
0x16: {  	s20 =	simm.s32 $0x0;
	[sflag:s10] =	ssyncadd.s32 $0xFFFFFE00  }
0x17: {  	v2 =	vld [tilespmem:s20+$0x0];
	_ =	sdelay $0x2  }
0x18: {  	v1 =	vbroadcast v0, $0x0;
	_ =	sdelay $0x1  }
0x19: {  	vm0 =	vlt.s32 v2, v1  }
0x1a: {  	v3 =	vsel vm0, $0x0, v1  }
0x1b: {  	s21 =	simm.s32 $0x10;
	v2 =	vsub.s32 v2, v3  }
0x1c: {  	v3 =	vshrl.u32 v2, $0x1;
	v4 =	vand.u32 $0x1FFF, v2;
	v2 =	vld [tilespmem:s21+$0x0];
	_ =	sdelay $0x2  }
0x1d: {  	v3 =	vand.u32 $0x7FFFE000, v3  }
0x1e: {  	s22 =	simm.s32 $0x80;
	v3 =	vor.u32 v4, v3  }
.LBB2_2:
0x1f: {  	s23 =	sshra.s32 s22, $0x2;
	p0 =	sne.s32 s22, $0x7C0;
	s22 =	sadd.s32 $0x40, s22;
	vm0 =	vlt.s32 v2, v1;
	[tilespmem:s20+$0x200] =	vst v3;
	v3 =	vmov v2  }
.Ltmp0:
0x20: {  	s20 =	smov.u32 s21;
	v2 =	vld [tilespmem:s23+$0x0];
	v4 =	vsel vm0, $0x0, v1;
	s21 =	smov.u32 s23;
	(pc) =	sbr.rel @p0 .LBB2_2-.Ltmp0, $4  }
0x21: {  	v3 =	vsub.s32 v3, v4  }
0x22: {  	v4 =	vshrl.u32 v3, $0x1  }
0x23: {  	v3 =	vand.u32 $0x1FFF, v3;
	v4 =	vand.u32 $0x7FFFE000, v4  }
0x24: {  	v3 =	vor.u32 v3, v4  }
0x25: {  	(v2sf) =	vpush v0, $0x0;
	_ =	sdelay $0x4  }
0x26: {  	vm0 =	vlt.s32 v2, v1  }
0x27: {  	v62 =	vsel vm0, $0x0, v1  }
0x28: {  	v0 =	vsub.s32 v2, v62  }
0x29: {  	v63 =	vshrl.u32 v0, $0x1  }
0x2a: {  	v0 =	vand.u32 $0x1FFF, v0;
	v1 =	vand.u32 $0x7FFFE000, v63  }
0x2b: {  	[tilespmem:s20+$0x200] =	vst v3;
	v0 =	vor.u32 v0, v1  }
0x2c: {  	[tilespmem:s21+$0x200] =	vst v0  }
0x2d: {  	[tilespmem:s13], [sflag:$0x1] =	stream.indirect.gather [hbm4b:s1+s11], $0x80, s12, s11, $0xb8;
	[tilespmem:$0x14480] =	vst v63  }
0x2e: {  	_ = 	snop  }
0x2f: {  	[tilespmem:s15], [sflag:$0x2] =	stream.indirect.gather [hbm4b:s1+s11], $0x80, s14, s11, $0xb8;
	[tilespmem:$0x14480] =	vst v63  }
0x30: {  	s20 =	spop (v2sf)  }
0x31: {  	_ =	swait.ge [sflag:s16], $0x8000  }
0x32: {  	s22 =	simm.s32 $0x3C0;
	s23 =	simm.s32 $0x10600;
	[sflag:s16] =	ssyncset.done $0x0  }
0x33: {  	s24 =	simm.s32 $0x0;
	s21 =	simm.s32 $0x0;
	[sflag:s16] =	ssyncadd.s32 $0xFFFF8000  }
.LBB2_4:
0x34: {  	v0 =	vld [tilespmem:s21+$0x0];
	_ =	sdelay $0x4  }
0x35: {  	(v2sf) =	vpush v0, $0x0;
	_ =	sdelay $0xe  }
0x36: {  	s25 =	spop (v2sf)  }
0x37: {  	s26 =	simm.s32 $0x0;
	p0 =	slt.s32 s25, s20  }
0x38: {  	s25 =	sshra.s32 s24, $0x2;
	s26 =	simm.s32 @!p0 $0x40  }
0x39: {  	s26 =	sadd.s32 s25, s26  }
0x3a: {  	v1 =	vld [tilespmem:s26+$0x400];
	_ =	sdelay $0x4  }
0x3b: {  	(v2sf) =	vpush v0, $0x1;
	[tilespmem:s23+$0xFFFFFE00] =	vst v1  }
0x3c: {  	v1 =	vld [tilespmem:s26+$0x410];
	_ =	sdelay $0x4  }
0x3d: {  	[tilespmem:s23+$0xFFFFFE10] =	vst v1  }
0x3e: {  	v1 =	vld [tilespmem:s26+$0x420];
	_ =	sdelay $0x4  }
0x3f: {  	[tilespmem:s23+$0xFFFFFE20] =	vst v1  }
0x40: {  	v1 =	vld [tilespmem:s26+$0x430];
	_ =	sdelay $0x1  }
0x41: {  	s29 =	spop (v2sf)  }
0x42: {  	p0 =	slt.s32 s29, s20;
	s26 =	simm.s32 $0x0  }
0x43: {  	s26 =	simm.s32 @!p0 $0x40  }
0x44: {  	s26 =	sadd.s32 s25, s26;
	[tilespmem:s23+$0xFFFFFE30] =	vst v1  }
0x45: {  	v1 =	vld [tilespmem:s26+$0x480];
	_ =	sdelay $0x4  }
0x46: {  	(v2sf) =	vpush v0, $0x2;
	[tilespmem:s23+$0xFFFFFE40] =	vst v1  }
0x47: {  	v1 =	vld [tilespmem:s26+$0x490];
	_ =	sdelay $0x2  }
0x48: {  	s28 =	sadd.s32 $0xFFFFFC80, s22  }
0x49: {  	s29 =	sor.u32 $0x50, s28  }
0x4a: {  	[tilespmem:s29+$0x10400] =	vst v1  }
0x4b: {  	v1 =	vld [tilespmem:s26+$0x4A0];
	_ =	sdelay $0x3  }
0x4c: {  	s30 =	sor.u32 $0x60, s28  }
0x4d: {  	[tilespmem:s30+$0x10400] =	vst v1  }
0x4e: {  	v1 =	vld [tilespmem:s26+$0x4B0];
	_ =	sdelay $0x1  }
0x4f: {  	s31 =	spop (v2sf)  }
0x50: {  	p0 =	slt.s32 s31, s20;
	s26 =	simm.s32 $0x0  }
0x51: {  	s28 =	sor.u32 $0x70, s28;
	s26 =	simm.s32 @!p0 $0x40  }
0x52: {  	s26 =	sadd.s32 s25, s26;
	[tilespmem:s28+$0x10400] =	vst v1  }
0x53: {  	v1 =	vld [tilespmem:s26+$0x500];
	_ =	sdelay $0x4  }
0x54: {  	(v2sf) =	vpush v0, $0x3;
	[tilespmem:s23+$0xFFFFFE80] =	vst v1  }
0x55: {  	v1 =	vld [tilespmem:s26+$0x510];
	_ =	sdelay $0x4  }
0x56: {  	[tilespmem:s23+$0xFFFFFE90] =	vst v1  }
0x57: {  	v1 =	vld [tilespmem:s26+$0x520];
	_ =	sdelay $0x4  }
0x58: {  	[tilespmem:s23+$0xFFFFFEA0] =	vst v1  }
0x59: {  	v1 =	vld [tilespmem:s26+$0x530];
	_ =	sdelay $0x1  }
0x5a: {  	s29 =	spop (v2sf)  }
0x5b: {  	p0 =	slt.s32 s29, s20;
	s26 =	simm.s32 $0x0  }
0x5c: {  	s26 =	simm.s32 @!p0 $0x40  }
0x5d: {  	s26 =	sadd.s32 s25, s26;
	[tilespmem:s23+$0xFFFFFEB0] =	vst v1  }
0x5e: {  	v1 =	vld [tilespmem:s26+$0x580];
	_ =	sdelay $0x4  }
0x5f: {  	(v2sf) =	vpush v0, $0x4;
	[tilespmem:s23+$0xFFFFFEC0] =	vst v1  }
0x60: {  	v1 =	vld [tilespmem:s26+$0x590];
	_ =	sdelay $0x2  }
0x61: {  	s28 =	sadd.s32 $0xFFFFFD00, s22  }
0x62: {  	s30 =	sor.u32 $0x50, s28  }
0x63: {  	[tilespmem:s30+$0x10400] =	vst v1  }
0x64: {  	v1 =	vld [tilespmem:s26+$0x5A0];
	_ =	sdelay $0x3  }
0x65: {  	s31 =	sor.u32 $0x60, s28  }
0x66: {  	[tilespmem:s31+$0x10400] =	vst v1  }
0x67: {  	v1 =	vld [tilespmem:s26+$0x5B0];
	_ =	sdelay $0x1  }
0x68: {  	s29 =	spop (v2sf)  }
0x69: {  	p0 =	slt.s32 s29, s20;
	s26 =	simm.s32 $0x0  }
0x6a: {  	s28 =	sor.u32 $0x70, s28;
	s26 =	simm.s32 @!p0 $0x40  }
0x6b: {  	s26 =	sadd.s32 s25, s26;
	[tilespmem:s28+$0x10400] =	vst v1  }
0x6c: {  	v1 =	vld [tilespmem:s26+$0x600];
	_ =	sdelay $0x4  }
0x6d: {  	(v2sf) =	vpush v0, $0x5;
	[tilespmem:s23+$0xFFFFFF00] =	vst v1  }
0x6e: {  	v1 =	vld [tilespmem:s26+$0x610];
	_ =	sdelay $0x4  }
0x6f: {  	[tilespmem:s23+$0xFFFFFF10] =	vst v1  }
0x70: {  	v1 =	vld [tilespmem:s26+$0x620];
	_ =	sdelay $0x4  }
0x71: {  	[tilespmem:s23+$0xFFFFFF20] =	vst v1  }
0x72: {  	v1 =	vld [tilespmem:s26+$0x630];
	_ =	sdelay $0x1  }
0x73: {  	s30 =	spop (v2sf)  }
0x74: {  	p0 =	slt.s32 s30, s20;
	s26 =	simm.s32 $0x0  }
0x75: {  	s26 =	simm.s32 @!p0 $0x40  }
0x76: {  	s26 =	sadd.s32 s25, s26;
	[tilespmem:s23+$0xFFFFFF30] =	vst v1  }
0x77: {  	v1 =	vld [tilespmem:s26+$0x680];
	_ =	sdelay $0x4  }
0x78: {  	(v2sf) =	vpush v0, $0x6;
	[tilespmem:s23+$0xFFFFFF40] =	vst v1  }
0x79: {  	v1 =	vld [tilespmem:s26+$0x690];
	_ =	sdelay $0x2  }
0x7a: {  	s28 =	sadd.s32 $0xFFFFFD80, s22  }
0x7b: {  	s31 =	sor.u32 $0x50, s28  }
0x7c: {  	[tilespmem:s31+$0x10400] =	vst v1  }
0x7d: {  	v1 =	vld [tilespmem:s26+$0x6A0];
	_ =	sdelay $0x3  }
0x7e: {  	s30 =	sor.u32 $0x60, s28  }
0x7f: {  	[tilespmem:s30+$0x10400] =	vst v1  }
0x80: {  	v1 =	vld [tilespmem:s26+$0x6B0];
	_ =	sdelay $0x1  }
0x81: {  	s31 =	spop (v2sf)  }
0x82: {  	p0 =	slt.s32 s31, s20;
	s26 =	simm.s32 $0x0  }
0x83: {  	s28 =	sor.u32 $0x70, s28;
	s26 =	simm.s32 @!p0 $0x40  }
0x84: {  	s26 =	sadd.s32 s25, s26;
	[tilespmem:s28+$0x10400] =	vst v1  }
0x85: {  	v1 =	vld [tilespmem:s26+$0x700];
	_ =	sdelay $0x4  }
0x86: {  	(v2sf) =	vpush v0, $0x7;
	[tilespmem:s23+$0xFFFFFF80] =	vst v1  }
0x87: {  	v1 =	vld [tilespmem:s26+$0x710];
	_ =	sdelay $0x4  }
0x88: {  	[tilespmem:s23+$0xFFFFFF90] =	vst v1  }
0x89: {  	v1 =	vld [tilespmem:s26+$0x720];
	_ =	sdelay $0x4  }
0x8a: {  	[tilespmem:s23+$0xFFFFFFA0] =	vst v1  }
0x8b: {  	v1 =	vld [tilespmem:s26+$0x730];
	_ =	sdelay $0x1  }
0x8c: {  	s29 =	spop (v2sf)  }
0x8d: {  	p0 =	slt.s32 s29, s20;
	s26 =	simm.s32 $0x0  }
0x8e: {  	s26 =	simm.s32 @!p0 $0x40  }
0x8f: {  	s26 =	sadd.s32 s25, s26;
	[tilespmem:s23+$0xFFFFFFB0] =	vst v1  }
0x90: {  	v1 =	vld [tilespmem:s26+$0x780];
	_ =	sdelay $0x4  }
0x91: {  	(v2sf) =	vpush v0, $0x8;
	[tilespmem:s23+$0xFFFFFFC0] =	vst v1  }
0x92: {  	v1 =	vld [tilespmem:s26+$0x790];
	_ =	sdelay $0x2  }
0x93: {  	s28 =	sadd.s32 $0xFFFFFE00, s22  }
0x94: {  	s30 =	sor.u32 $0x50, s28  }
0x95: {  	[tilespmem:s30+$0x10400] =	vst v1  }
0x96: {  	v1 =	vld [tilespmem:s26+$0x7A0];
	_ =	sdelay $0x3  }
0x97: {  	s31 =	sor.u32 $0x60, s28  }
0x98: {  	[tilespmem:s31+$0x10400] =	vst v1  }
0x99: {  	v1 =	vld [tilespmem:s26+$0x7B0];
	_ =	sdelay $0x1  }
0x9a: {  	s29 =	spop (v2sf)  }
0x9b: {  	p0 =	slt.s32 s29, s20;
	s26 =	simm.s32 $0x0  }
0x9c: {  	s28 =	sor.u32 $0x70, s28;
	s26 =	simm.s32 @!p0 $0x40  }
0x9d: {  	s26 =	sadd.s32 s25, s26;
	[tilespmem:s28+$0x10400] =	vst v1  }
0x9e: {  	v1 =	vld [tilespmem:s26+$0x800];
	_ =	sdelay $0x4  }
0x9f: {  	(v2sf) =	vpush v0, $0x9;
	[tilespmem:s23+$0x0] =	vst v1  }
0xa0: {  	v1 =	vld [tilespmem:s26+$0x810];
	_ =	sdelay $0x4  }
0xa1: {  	[tilespmem:s23+$0x10] =	vst v1  }
0xa2: {  	v1 =	vld [tilespmem:s26+$0x820];
	_ =	sdelay $0x4  }
0xa3: {  	[tilespmem:s23+$0x20] =	vst v1  }
0xa4: {  	v1 =	vld [tilespmem:s26+$0x830];
	_ =	sdelay $0x1  }
0xa5: {  	s30 =	spop (v2sf)  }
0xa6: {  	p0 =	slt.s32 s30, s20;
	s26 =	simm.s32 $0x0  }
0xa7: {  	s26 =	simm.s32 @!p0 $0x40  }
0xa8: {  	s26 =	sadd.s32 s25, s26;
	[tilespmem:s23+$0x30] =	vst v1  }
0xa9: {  	v1 =	vld [tilespmem:s26+$0x880];
	_ =	sdelay $0x4  }
0xaa: {  	(v2sf) =	vpush v0, $0xA;
	[tilespmem:s23+$0x40] =	vst v1  }
0xab: {  	v1 =	vld [tilespmem:s26+$0x890];
	_ =	sdelay $0x2  }
0xac: {  	s28 =	sadd.s32 $0xFFFFFE80, s22  }
0xad: {  	s31 =	sor.u32 $0x50, s28  }
0xae: {  	[tilespmem:s31+$0x10400] =	vst v1  }
0xaf: {  	v1 =	vld [tilespmem:s26+$0x8A0];
	_ =	sdelay $0x3  }
0xb0: {  	s30 =	sor.u32 $0x60, s28  }
0xb1: {  	[tilespmem:s30+$0x10400] =	vst v1  }
0xb2: {  	v1 =	vld [tilespmem:s26+$0x8B0];
	_ =	sdelay $0x1  }
0xb3: {  	s31 =	spop (v2sf)  }
0xb4: {  	p0 =	slt.s32 s31, s20;
	s26 =	simm.s32 $0x0  }
0xb5: {  	s28 =	sor.u32 $0x70, s28;
	s26 =	simm.s32 @!p0 $0x40  }
0xb6: {  	s26 =	sadd.s32 s25, s26;
	[tilespmem:s28+$0x10400] =	vst v1  }
0xb7: {  	v1 =	vld [tilespmem:s26+$0x900];
	_ =	sdelay $0x4  }
0xb8: {  	(v2sf) =	vpush v0, $0xB;
	[tilespmem:s23+$0x80] =	vst v1  }
0xb9: {  	v1 =	vld [tilespmem:s26+$0x910];
	_ =	sdelay $0x4  }
0xba: {  	[tilespmem:s23+$0x90] =	vst v1  }
0xbb: {  	v1 =	vld [tilespmem:s26+$0x920];
	_ =	sdelay $0x4  }
0xbc: {  	[tilespmem:s23+$0xA0] =	vst v1  }
0xbd: {  	v1 =	vld [tilespmem:s26+$0x930];
	_ =	sdelay $0x1  }
0xbe: {  	s29 =	spop (v2sf)  }
0xbf: {  	p0 =	slt.s32 s29, s20;
	s26 =	simm.s32 $0x0  }
0xc0: {  	s26 =	simm.s32 @!p0 $0x40  }
0xc1: {  	s26 =	sadd.s32 s25, s26;
	[tilespmem:s23+$0xB0] =	vst v1  }
0xc2: {  	v1 =	vld [tilespmem:s26+$0x980];
	_ =	sdelay $0x4  }
0xc3: {  	(v2sf) =	vpush v0, $0xC;
	[tilespmem:s23+$0xC0] =	vst v1  }
0xc4: {  	v1 =	vld [tilespmem:s26+$0x990];
	_ =	sdelay $0x2  }
0xc5: {  	s28 =	sadd.s32 $0xFFFFFF00, s22  }
0xc6: {  	s30 =	sor.u32 $0x50, s28  }
0xc7: {  	[tilespmem:s30+$0x10400] =	vst v1  }
0xc8: {  	v1 =	vld [tilespmem:s26+$0x9A0];
	_ =	sdelay $0x3  }
0xc9: {  	s31 =	sor.u32 $0x60, s28  }
0xca: {  	[tilespmem:s31+$0x10400] =	vst v1  }
0xcb: {  	v1 =	vld [tilespmem:s26+$0x9B0];
	_ =	sdelay $0x1  }
0xcc: {  	s29 =	spop (v2sf)  }
0xcd: {  	p0 =	slt.s32 s29, s20;
	s26 =	simm.s32 $0x0  }
0xce: {  	s28 =	sor.u32 $0x70, s28;
	s26 =	simm.s32 @!p0 $0x40  }
0xcf: {  	s26 =	sadd.s32 s25, s26;
	[tilespmem:s28+$0x10400] =	vst v1  }
0xd0: {  	v1 =	vld [tilespmem:s26+$0xA00];
	_ =	sdelay $0x4  }
0xd1: {  	(v2sf) =	vpush v0, $0xD;
	[tilespmem:s23+$0x100] =	vst v1  }
0xd2: {  	v1 =	vld [tilespmem:s26+$0xA10];
	_ =	sdelay $0x4  }
0xd3: {  	[tilespmem:s23+$0x110] =	vst v1  }
0xd4: {  	v1 =	vld [tilespmem:s26+$0xA20];
	_ =	sdelay $0x4  }
0xd5: {  	[tilespmem:s23+$0x120] =	vst v1  }
0xd6: {  	v1 =	vld [tilespmem:s26+$0xA30];
	_ =	sdelay $0x1  }
0xd7: {  	s30 =	spop (v2sf)  }
0xd8: {  	p0 =	slt.s32 s30, s20;
	s26 =	simm.s32 $0x0  }
0xd9: {  	s26 =	simm.s32 @!p0 $0x40  }
0xda: {  	s26 =	sadd.s32 s25, s26;
	[tilespmem:s23+$0x130] =	vst v1  }
0xdb: {  	v1 =	vld [tilespmem:s26+$0xA80];
	_ =	sdelay $0x4  }
0xdc: {  	(v2sf) =	vpush v0, $0xE;
	[tilespmem:s23+$0x140] =	vst v1  }
0xdd: {  	v1 =	vld [tilespmem:s26+$0xA90];
	_ =	sdelay $0x2  }
0xde: {  	s28 =	sadd.s32 $0xFFFFFF80, s22  }
0xdf: {  	s31 =	sor.u32 $0x50, s28  }
0xe0: {  	[tilespmem:s31+$0x10400] =	vst v1  }
0xe1: {  	v1 =	vld [tilespmem:s26+$0xAA0];
	_ =	sdelay $0x3  }
0xe2: {  	s30 =	sor.u32 $0x60, s28  }
0xe3: {  	[tilespmem:s30+$0x10400] =	vst v1  }
0xe4: {  	v1 =	vld [tilespmem:s26+$0xAB0];
	_ =	sdelay $0x1  }
0xe5: {  	s31 =	spop (v2sf)  }
0xe6: {  	p0 =	slt.s32 s31, s20;
	s26 =	simm.s32 $0x0  }
0xe7: {  	s28 =	sor.u32 $0x70, s28;
	s26 =	simm.s32 @!p0 $0x40  }
0xe8: {  	s26 =	sadd.s32 s25, s26;
	[tilespmem:s28+$0x10400] =	vst v1  }
0xe9: {  	v1 =	vld [tilespmem:s26+$0xB00];
	_ =	sdelay $0x4  }
0xea: {  	(v2sf) =	vpush v0, $0xF;
	[tilespmem:s23+$0x180] =	vst v1  }
0xeb: {  	v63 =	vld [tilespmem:s26+$0xB10];
	_ =	sdelay $0x4  }
0xec: {  	[tilespmem:s23+$0x190] =	vst v63  }
0xed: {  	v0 =	vld [tilespmem:s26+$0xB20];
	_ =	sdelay $0x4  }
0xee: {  	[tilespmem:s23+$0x1A0] =	vst v0  }
0xef: {  	v0 =	vld [tilespmem:s26+$0xB30];
	_ =	sdelay $0x1  }
0xf0: {  	s28 =	spop (v2sf)  }
0xf1: {  	p0 =	slt.s32 s28, s20;
	s26 =	simm.s32 $0x0  }
0xf2: {  	s26 =	simm.s32 @!p0 $0x40  }
0xf3: {  	s25 =	sadd.s32 s25, s26;
	[tilespmem:s23+$0x1B0] =	vst v0  }
0xf4: {  	v0 =	vld [tilespmem:s25+$0xB80];
	_ =	sdelay $0x4  }
0xf5: {  	[tilespmem:s23+$0x1C0] =	vst v0  }
0xf6: {  	v0 =	vld [tilespmem:s25+$0xB90];
	_ =	sdelay $0x3  }
0xf7: {  	s29 =	sor.u32 $0x50, s22  }
0xf8: {  	[tilespmem:s29+$0x10400] =	vst v0  }
0xf9: {  	v0 =	vld [tilespmem:s25+$0xBA0];
	_ =	sdelay $0x3  }
0xfa: {  	s30 =	sor.u32 $0x60, s22  }
0xfb: {  	[tilespmem:s30+$0x10400] =	vst v0  }
0xfc: {  	p0 =	sne.s32 s24, $0x1E000;
	v0 =	vld [tilespmem:s25+$0xBB0]  }
.Ltmp1:
0xfd: {  	_ = 	snop;
	(pc) =	sbr.rel @p0 .LBB2_4-.Ltmp1, $3  }
0xfe: {  	_ =	sdelay $0x1  }
0xff: {  	s21 =	sadd.s32 $0x10, s21;
	s31 =	sor.u32 $0x70, s22  }
0x100: {  	s22 =	sadd.s32 $0x400, s22;
	s24 =	sadd.s32 $0x2000, s24;
	s23 =	sadd.s32 $0x400, s23;
	[tilespmem:s31+$0x10400] =	vst v0  }
0x101: {  	s21 =	simm.s32 $0x0  }
0x102: {  	[hbm4b:s5+s21] =	stream.linear.scatter [tilespmem:s17], [sflag:$0x3], $0x4000, $0x38;
	[tilespmem:$0x14480] =	vst v63  }
0x103: {  	_ =	swait.ge [sflag:s10], $0x4000  }
0x104: {  	[sflag:s10] =	ssyncset.done $0x0  }
0x105: {  	[sflag:s10] =	ssyncadd.s32 $0xFFFFC000  }
0x106: {  	_ =	swait.ge [sflag:s18], $0x8000  }
0x107: {  	s22 =	simm.s32 $0x3C0;
	[sflag:s18] =	ssyncset.done $0x0  }
0x108: {  	s23 =	simm.s32 $0x10600;
	s24 =	simm.s32 $0x0;
	[sflag:s18] =	ssyncadd.s32 $0xFFFF8000  }
.LBB2_6:
0x109: {  	s25 =	sand.u32 $0xF0, s21  }
0x10a: {  	v0 =	vld [tilespmem:s25+$0x100];
	_ =	sdelay $0x4  }
0x10b: {  	(v2sf) =	vpush v0, $0x0;
	_ =	sdelay $0xe  }
0x10c: {  	s28 =	spop (v2sf)  }
0x10d: {  	s26 =	simm.s32 $0x0;
	p0 =	slt.s32 s28, s20  }
0x10e: {  	s25 =	sshra.s32 s24, $0x2;
	s26 =	simm.s32 @!p0 $0x40  }
0x10f: {  	s26 =	sadd.s32 s25, s26  }
0x110: {  	v1 =	vld [tilespmem:s26+$0x8400];
	_ =	sdelay $0x4  }
0x111: {  	(v2sf) =	vpush v0, $0x1;
	[tilespmem:s23+$0xFFFFFE00] =	vst v1  }
0x112: {  	v1 =	vld [tilespmem:s26+$0x8410];
	_ =	sdelay $0x4  }
0x113: {  	[tilespmem:s23+$0xFFFFFE10] =	vst v1  }
0x114: {  	v1 =	vld [tilespmem:s26+$0x8420];
	_ =	sdelay $0x4  }
0x115: {  	[tilespmem:s23+$0xFFFFFE20] =	vst v1  }
0x116: {  	v1 =	vld [tilespmem:s26+$0x8430];
	_ =	sdelay $0x1  }
0x117: {  	s29 =	spop (v2sf)  }
0x118: {  	p0 =	slt.s32 s29, s20;
	s26 =	simm.s32 $0x0  }
0x119: {  	s26 =	simm.s32 @!p0 $0x40  }
0x11a: {  	s26 =	sadd.s32 s25, s26;
	[tilespmem:s23+$0xFFFFFE30] =	vst v1  }
0x11b: {  	v1 =	vld [tilespmem:s26+$0x8480];
	_ =	sdelay $0x4  }
0x11c: {  	(v2sf) =	vpush v0, $0x2;
	[tilespmem:s23+$0xFFFFFE40] =	vst v1  }
0x11d: {  	v1 =	vld [tilespmem:s26+$0x8490];
	_ =	sdelay $0x2  }
0x11e: {  	s28 =	sadd.s32 $0xFFFFFC80, s22  }
0x11f: {  	s29 =	sor.u32 $0x50, s28  }
0x120: {  	[tilespmem:s29+$0x10400] =	vst v1  }
0x121: {  	v1 =	vld [tilespmem:s26+$0x84A0];
	_ =	sdelay $0x3  }
0x122: {  	s30 =	sor.u32 $0x60, s28  }
0x123: {  	[tilespmem:s30+$0x10400] =	vst v1  }
0x124: {  	v1 =	vld [tilespmem:s26+$0x84B0];
	_ =	sdelay $0x1  }
0x125: {  	s31 =	spop (v2sf)  }
0x126: {  	p0 =	slt.s32 s31, s20;
	s26 =	simm.s32 $0x0  }
0x127: {  	s28 =	sor.u32 $0x70, s28;
	s26 =	simm.s32 @!p0 $0x40  }
0x128: {  	s26 =	sadd.s32 s25, s26;
	[tilespmem:s28+$0x10400] =	vst v1  }
0x129: {  	v1 =	vld [tilespmem:s26+$0x8500];
	_ =	sdelay $0x4  }
0x12a: {  	(v2sf) =	vpush v0, $0x3;
	[tilespmem:s23+$0xFFFFFE80] =	vst v1  }
0x12b: {  	v1 =	vld [tilespmem:s26+$0x8510];
	_ =	sdelay $0x4  }
0x12c: {  	[tilespmem:s23+$0xFFFFFE90] =	vst v1  }
0x12d: {  	v1 =	vld [tilespmem:s26+$0x8520];
	_ =	sdelay $0x4  }
0x12e: {  	[tilespmem:s23+$0xFFFFFEA0] =	vst v1  }
0x12f: {  	v1 =	vld [tilespmem:s26+$0x8530];
	_ =	sdelay $0x1  }
0x130: {  	s29 =	spop (v2sf)  }
0x131: {  	p0 =	slt.s32 s29, s20;
	s26 =	simm.s32 $0x0  }
0x132: {  	s26 =	simm.s32 @!p0 $0x40  }
0x133: {  	s26 =	sadd.s32 s25, s26;
	[tilespmem:s23+$0xFFFFFEB0] =	vst v1  }
0x134: {  	v1 =	vld [tilespmem:s26+$0x8580];
	_ =	sdelay $0x4  }
0x135: {  	(v2sf) =	vpush v0, $0x4;
	[tilespmem:s23+$0xFFFFFEC0] =	vst v1  }
0x136: {  	v1 =	vld [tilespmem:s26+$0x8590];
	_ =	sdelay $0x2  }
0x137: {  	s28 =	sadd.s32 $0xFFFFFD00, s22  }
0x138: {  	s30 =	sor.u32 $0x50, s28  }
0x139: {  	[tilespmem:s30+$0x10400] =	vst v1  }
0x13a: {  	v1 =	vld [tilespmem:s26+$0x85A0];
	_ =	sdelay $0x3  }
0x13b: {  	s31 =	sor.u32 $0x60, s28  }
0x13c: {  	[tilespmem:s31+$0x10400] =	vst v1  }
0x13d: {  	v1 =	vld [tilespmem:s26+$0x85B0];
	_ =	sdelay $0x1  }
0x13e: {  	s29 =	spop (v2sf)  }
0x13f: {  	p0 =	slt.s32 s29, s20;
	s26 =	simm.s32 $0x0  }
0x140: {  	s28 =	sor.u32 $0x70, s28;
	s26 =	simm.s32 @!p0 $0x40  }
0x141: {  	s26 =	sadd.s32 s25, s26;
	[tilespmem:s28+$0x10400] =	vst v1  }
0x142: {  	v1 =	vld [tilespmem:s26+$0x8600];
	_ =	sdelay $0x4  }
0x143: {  	(v2sf) =	vpush v0, $0x5;
	[tilespmem:s23+$0xFFFFFF00] =	vst v1  }
0x144: {  	v1 =	vld [tilespmem:s26+$0x8610];
	_ =	sdelay $0x4  }
0x145: {  	[tilespmem:s23+$0xFFFFFF10] =	vst v1  }
0x146: {  	v1 =	vld [tilespmem:s26+$0x8620];
	_ =	sdelay $0x4  }
0x147: {  	[tilespmem:s23+$0xFFFFFF20] =	vst v1  }
0x148: {  	v1 =	vld [tilespmem:s26+$0x8630];
	_ =	sdelay $0x1  }
0x149: {  	s30 =	spop (v2sf)  }
0x14a: {  	p0 =	slt.s32 s30, s20;
	s26 =	simm.s32 $0x0  }
0x14b: {  	s26 =	simm.s32 @!p0 $0x40  }
0x14c: {  	s26 =	sadd.s32 s25, s26;
	[tilespmem:s23+$0xFFFFFF30] =	vst v1  }
0x14d: {  	v1 =	vld [tilespmem:s26+$0x8680];
	_ =	sdelay $0x4  }
0x14e: {  	(v2sf) =	vpush v0, $0x6;
	[tilespmem:s23+$0xFFFFFF40] =	vst v1  }
0x14f: {  	v1 =	vld [tilespmem:s26+$0x8690];
	_ =	sdelay $0x2  }
0x150: {  	s28 =	sadd.s32 $0xFFFFFD80, s22  }
0x151: {  	s31 =	sor.u32 $0x50, s28  }
0x152: {  	[tilespmem:s31+$0x10400] =	vst v1  }
0x153: {  	v1 =	vld [tilespmem:s26+$0x86A0];
	_ =	sdelay $0x3  }
0x154: {  	s30 =	sor.u32 $0x60, s28  }
0x155: {  	[tilespmem:s30+$0x10400] =	vst v1  }
0x156: {  	v1 =	vld [tilespmem:s26+$0x86B0];
	_ =	sdelay $0x1  }
0x157: {  	s31 =	spop (v2sf)  }
0x158: {  	p0 =	slt.s32 s31, s20;
	s26 =	simm.s32 $0x0  }
0x159: {  	s28 =	sor.u32 $0x70, s28;
	s26 =	simm.s32 @!p0 $0x40  }
0x15a: {  	s26 =	sadd.s32 s25, s26;
	[tilespmem:s28+$0x10400] =	vst v1  }
0x15b: {  	v1 =	vld [tilespmem:s26+$0x8700];
	_ =	sdelay $0x4  }
0x15c: {  	(v2sf) =	vpush v0, $0x7;
	[tilespmem:s23+$0xFFFFFF80] =	vst v1  }
0x15d: {  	v1 =	vld [tilespmem:s26+$0x8710];
	_ =	sdelay $0x4  }
0x15e: {  	[tilespmem:s23+$0xFFFFFF90] =	vst v1  }
0x15f: {  	v1 =	vld [tilespmem:s26+$0x8720];
	_ =	sdelay $0x4  }
0x160: {  	[tilespmem:s23+$0xFFFFFFA0] =	vst v1  }
0x161: {  	v1 =	vld [tilespmem:s26+$0x8730];
	_ =	sdelay $0x1  }
0x162: {  	s29 =	spop (v2sf)  }
0x163: {  	p0 =	slt.s32 s29, s20;
	s26 =	simm.s32 $0x0  }
0x164: {  	s26 =	simm.s32 @!p0 $0x40  }
0x165: {  	s26 =	sadd.s32 s25, s26;
	[tilespmem:s23+$0xFFFFFFB0] =	vst v1  }
0x166: {  	v1 =	vld [tilespmem:s26+$0x8780];
	_ =	sdelay $0x4  }
0x167: {  	(v2sf) =	vpush v0, $0x8;
	[tilespmem:s23+$0xFFFFFFC0] =	vst v1  }
0x168: {  	v1 =	vld [tilespmem:s26+$0x8790];
	_ =	sdelay $0x2  }
0x169: {  	s28 =	sadd.s32 $0xFFFFFE00, s22  }
0x16a: {  	s30 =	sor.u32 $0x50, s28  }
0x16b: {  	[tilespmem:s30+$0x10400] =	vst v1  }
0x16c: {  	v1 =	vld [tilespmem:s26+$0x87A0];
	_ =	sdelay $0x3  }
0x16d: {  	s31 =	sor.u32 $0x60, s28  }
0x16e: {  	[tilespmem:s31+$0x10400] =	vst v1  }
0x16f: {  	v1 =	vld [tilespmem:s26+$0x87B0];
	_ =	sdelay $0x1  }
0x170: {  	s29 =	spop (v2sf)  }
0x171: {  	p0 =	slt.s32 s29, s20;
	s26 =	simm.s32 $0x0  }
0x172: {  	s28 =	sor.u32 $0x70, s28;
	s26 =	simm.s32 @!p0 $0x40  }
0x173: {  	s26 =	sadd.s32 s25, s26;
	[tilespmem:s28+$0x10400] =	vst v1  }
0x174: {  	v1 =	vld [tilespmem:s26+$0x8800];
	_ =	sdelay $0x4  }
0x175: {  	(v2sf) =	vpush v0, $0x9;
	[tilespmem:s23+$0x0] =	vst v1  }
0x176: {  	v1 =	vld [tilespmem:s26+$0x8810];
	_ =	sdelay $0x4  }
0x177: {  	[tilespmem:s23+$0x10] =	vst v1  }
0x178: {  	v1 =	vld [tilespmem:s26+$0x8820];
	_ =	sdelay $0x4  }
0x179: {  	[tilespmem:s23+$0x20] =	vst v1  }
0x17a: {  	v1 =	vld [tilespmem:s26+$0x8830];
	_ =	sdelay $0x1  }
0x17b: {  	s30 =	spop (v2sf)  }
0x17c: {  	p0 =	slt.s32 s30, s20;
	s26 =	simm.s32 $0x0  }
0x17d: {  	s26 =	simm.s32 @!p0 $0x40  }
0x17e: {  	s26 =	sadd.s32 s25, s26;
	[tilespmem:s23+$0x30] =	vst v1  }
0x17f: {  	v1 =	vld [tilespmem:s26+$0x8880];
	_ =	sdelay $0x4  }
0x180: {  	(v2sf) =	vpush v0, $0xA;
	[tilespmem:s23+$0x40] =	vst v1  }
0x181: {  	v1 =	vld [tilespmem:s26+$0x8890];
	_ =	sdelay $0x2  }
0x182: {  	s28 =	sadd.s32 $0xFFFFFE80, s22  }
0x183: {  	s31 =	sor.u32 $0x50, s28  }
0x184: {  	[tilespmem:s31+$0x10400] =	vst v1  }
0x185: {  	v1 =	vld [tilespmem:s26+$0x88A0];
	_ =	sdelay $0x3  }
0x186: {  	s30 =	sor.u32 $0x60, s28  }
0x187: {  	[tilespmem:s30+$0x10400] =	vst v1  }
0x188: {  	v1 =	vld [tilespmem:s26+$0x88B0];
	_ =	sdelay $0x1  }
0x189: {  	s31 =	spop (v2sf)  }
0x18a: {  	p0 =	slt.s32 s31, s20;
	s26 =	simm.s32 $0x0  }
0x18b: {  	s28 =	sor.u32 $0x70, s28;
	s26 =	simm.s32 @!p0 $0x40  }
0x18c: {  	s26 =	sadd.s32 s25, s26;
	[tilespmem:s28+$0x10400] =	vst v1  }
0x18d: {  	v1 =	vld [tilespmem:s26+$0x8900];
	_ =	sdelay $0x4  }
0x18e: {  	(v2sf) =	vpush v0, $0xB;
	[tilespmem:s23+$0x80] =	vst v1  }
0x18f: {  	v1 =	vld [tilespmem:s26+$0x8910];
	_ =	sdelay $0x4  }
0x190: {  	[tilespmem:s23+$0x90] =	vst v1  }
0x191: {  	v1 =	vld [tilespmem:s26+$0x8920];
	_ =	sdelay $0x4  }
0x192: {  	[tilespmem:s23+$0xA0] =	vst v1  }
0x193: {  	v1 =	vld [tilespmem:s26+$0x8930];
	_ =	sdelay $0x1  }
0x194: {  	s29 =	spop (v2sf)  }
0x195: {  	p0 =	slt.s32 s29, s20;
	s26 =	simm.s32 $0x0  }
0x196: {  	s26 =	simm.s32 @!p0 $0x40  }
0x197: {  	s26 =	sadd.s32 s25, s26;
	[tilespmem:s23+$0xB0] =	vst v1  }
0x198: {  	v1 =	vld [tilespmem:s26+$0x8980];
	_ =	sdelay $0x4  }
0x199: {  	(v2sf) =	vpush v0, $0xC;
	[tilespmem:s23+$0xC0] =	vst v1  }
0x19a: {  	v1 =	vld [tilespmem:s26+$0x8990];
	_ =	sdelay $0x2  }
0x19b: {  	s28 =	sadd.s32 $0xFFFFFF00, s22  }
0x19c: {  	s30 =	sor.u32 $0x50, s28  }
0x19d: {  	[tilespmem:s30+$0x10400] =	vst v1  }
0x19e: {  	v1 =	vld [tilespmem:s26+$0x89A0];
	_ =	sdelay $0x3  }
0x19f: {  	s31 =	sor.u32 $0x60, s28  }
0x1a0: {  	[tilespmem:s31+$0x10400] =	vst v1  }
0x1a1: {  	v1 =	vld [tilespmem:s26+$0x89B0];
	_ =	sdelay $0x1  }
0x1a2: {  	s29 =	spop (v2sf)  }
0x1a3: {  	p0 =	slt.s32 s29, s20;
	s26 =	simm.s32 $0x0  }
0x1a4: {  	s28 =	sor.u32 $0x70, s28;
	s26 =	simm.s32 @!p0 $0x40  }
0x1a5: {  	s26 =	sadd.s32 s25, s26;
	[tilespmem:s28+$0x10400] =	vst v1  }
0x1a6: {  	v1 =	vld [tilespmem:s26+$0x8A00];
	_ =	sdelay $0x4  }
0x1a7: {  	(v2sf) =	vpush v0, $0xD;
	[tilespmem:s23+$0x100] =	vst v1  }
0x1a8: {  	v1 =	vld [tilespmem:s26+$0x8A10];
	_ =	sdelay $0x4  }
0x1a9: {  	[tilespmem:s23+$0x110] =	vst v1  }
0x1aa: {  	v1 =	vld [tilespmem:s26+$0x8A20];
	_ =	sdelay $0x4  }
0x1ab: {  	[tilespmem:s23+$0x120] =	vst v1  }
0x1ac: {  	v1 =	vld [tilespmem:s26+$0x8A30];
	_ =	sdelay $0x1  }
0x1ad: {  	s30 =	spop (v2sf)  }
0x1ae: {  	p0 =	slt.s32 s30, s20;
	s26 =	simm.s32 $0x0  }
0x1af: {  	s26 =	simm.s32 @!p0 $0x40  }
0x1b0: {  	s26 =	sadd.s32 s25, s26;
	[tilespmem:s23+$0x130] =	vst v1  }
0x1b1: {  	v1 =	vld [tilespmem:s26+$0x8A80];
	_ =	sdelay $0x4  }
0x1b2: {  	(v2sf) =	vpush v0, $0xE;
	[tilespmem:s23+$0x140] =	vst v1  }
0x1b3: {  	v1 =	vld [tilespmem:s26+$0x8A90];
	_ =	sdelay $0x2  }
0x1b4: {  	s28 =	sadd.s32 $0xFFFFFF80, s22  }
0x1b5: {  	s31 =	sor.u32 $0x50, s28  }
0x1b6: {  	[tilespmem:s31+$0x10400] =	vst v1  }
0x1b7: {  	v1 =	vld [tilespmem:s26+$0x8AA0];
	_ =	sdelay $0x3  }
0x1b8: {  	s30 =	sor.u32 $0x60, s28  }
0x1b9: {  	[tilespmem:s30+$0x10400] =	vst v1  }
0x1ba: {  	v1 =	vld [tilespmem:s26+$0x8AB0];
	_ =	sdelay $0x1  }
0x1bb: {  	s31 =	spop (v2sf)  }
0x1bc: {  	p0 =	slt.s32 s31, s20;
	s26 =	simm.s32 $0x0  }
0x1bd: {  	s28 =	sor.u32 $0x70, s28;
	s26 =	simm.s32 @!p0 $0x40  }
0x1be: {  	s26 =	sadd.s32 s25, s26;
	[tilespmem:s28+$0x10400] =	vst v1  }
0x1bf: {  	v1 =	vld [tilespmem:s26+$0x8B00];
	_ =	sdelay $0x4  }
0x1c0: {  	(v2sf) =	vpush v0, $0xF;
	[tilespmem:s23+$0x180] =	vst v1  }
0x1c1: {  	v63 =	vld [tilespmem:s26+$0x8B10];
	_ =	sdelay $0x4  }
0x1c2: {  	[tilespmem:s23+$0x190] =	vst v63  }
0x1c3: {  	v0 =	vld [tilespmem:s26+$0x8B20];
	_ =	sdelay $0x4  }
0x1c4: {  	[tilespmem:s23+$0x1A0] =	vst v0  }
0x1c5: {  	v0 =	vld [tilespmem:s26+$0x8B30];
	_ =	sdelay $0x1  }
0x1c6: {  	s28 =	spop (v2sf)  }
0x1c7: {  	p0 =	slt.s32 s28, s20;
	s26 =	simm.s32 $0x0  }
0x1c8: {  	s26 =	simm.s32 @!p0 $0x40  }
0x1c9: {  	s25 =	sadd.s32 s25, s26;
	[tilespmem:s23+$0x1B0] =	vst v0  }
0x1ca: {  	v0 =	vld [tilespmem:s25+$0x8B80];
	_ =	sdelay $0x4  }
0x1cb: {  	[tilespmem:s23+$0x1C0] =	vst v0  }
0x1cc: {  	v0 =	vld [tilespmem:s25+$0x8B90];
	_ =	sdelay $0x3  }
0x1cd: {  	s29 =	sor.u32 $0x50, s22  }
0x1ce: {  	[tilespmem:s29+$0x10400] =	vst v0  }
0x1cf: {  	v0 =	vld [tilespmem:s25+$0x8BA0];
	_ =	sdelay $0x3  }
0x1d0: {  	s30 =	sor.u32 $0x60, s22  }
0x1d1: {  	[tilespmem:s30+$0x10400] =	vst v0  }
0x1d2: {  	p0 =	sne.s32 s24, $0x1E000;
	v0 =	vld [tilespmem:s25+$0x8BB0]  }
.Ltmp2:
0x1d3: {  	_ = 	snop;
	(pc) =	sbr.rel @p0 .LBB2_6-.Ltmp2, $3  }
0x1d4: {  	_ =	sdelay $0x1  }
0x1d5: {  	s21 =	sadd.s32 $0x10, s21;
	s31 =	sor.u32 $0x70, s22  }
0x1d6: {  	s22 =	sadd.s32 $0x400, s22;
	s24 =	sadd.s32 $0x2000, s24;
	s23 =	sadd.s32 $0x400, s23;
	[tilespmem:s31+$0x10400] =	vst v0  }
0x1d7: {  	s19 =	sadd.s32 $0x1, s19  }
0x1d8: {  	p0 =	sne.s32 s19, s8  }
.Ltmp3:
0x1d9: {  	_ = 	snop;
	(pc) =	sbr.rel @p0 .LBB2_1-.Ltmp3, $4  }
0x1da: {  	[hbm4b:s7+s4] =	stream.linear.scatter [tilespmem:s17], [sflag:$0x3], $0x4000, $0x38;
	[tilespmem:$0x14480] =	vst v63  }
0x1db: {  	_ =	swait.ge [sflag:s10], $0x4000  }
0x1dc: {  	[sflag:s10] =	ssyncset.done $0x0  }
0x1dd: {  	[sflag:s10] =	ssyncadd.s32 $0xFFFFC000  }
0x1de: {  	_ =	sfence.sel $0x180000  }
0x1df: {  	[bflag:$0x0] =	sbarrier.arrive $0xFFFF  }
0x1e0: {  	p0 =	sne.s32 s2, $0x0;
	_ =	strace $0x90000047  }
0x1e1: {  	s0 =	sadd.s32 @!p0 $0x100000, s0;
	[bflag:$0x2] =	sbarrier.arrive $0xFFFF  }
0x1e2: {  	[sflag:s0] =	ssyncadd.tile.s32 @!p0 $0x1;
	_ =	shalt  }
.Lfunc_end2:
_tile_overlayer_lowered:
.L_overlay_start_2:
0x1e3: {  	(tag) =	ssettag $0x2  }
0x1e4: {  	s0 =	rddreg [dreg:$0x0];
	s2 =	stileid.u32  }
0x1e5: {  	s1 =	rddreg [dreg:$0x1];
	p0 =	sne.s32 s2, $0x0  }
0x1e6: {  	s3 =	rddreg [dreg:$0x2];
	[bflag:$0x3] =	sbarrier.arrive $0xFFFF;
	s2 =	simm.s32 @!p0 $0x1C03  }
0x1e7: {  	[timem:s3], [sflag:s2] =	dma.local @!p0 [hbm:s0], s1  }
0x1e8: {  	s0 =	simm.s32 @!p0 $0x3  }
0x1e9: {  	_ =	swait.ge @!p0 [sflag:s0], s1  }
0x1ea: {  	s1 =	ssub.s32 @!p0 $0x0, s1;
	[sflag:s0] =	ssyncset.done @!p0 $0x0  }
0x1eb: {  	[sflag:s0] =	ssyncadd.s32 @!p0 s1  }
0x1ec: {  	[bflag:$0x3] =	sbarrier.arrive $0xFFFF  }
0x1ed: {  	_ =	shalt  }

</sc_bundles>
